<compile_context>
chip_gen: v7x
topology: tpu7x:2x2x1
jax: 0.10.2.dev20260603
libtpu: 0.0.44.dev20260713+nightly
codegen_flags: <defaults>
</compile_context>

<pallas_src>
import functools

import jax
import jax.numpy as jnp
from jax import lax
from jax.experimental import pallas as pl
from jax.experimental.pallas import tpu as pltpu
from jax.experimental.pallas import tpu_sc as plsc

_L = 16
_NC = 2
_NS = 16
_NW = _NC * _NS


def _iota16():
    return lax.broadcasted_iota(jnp.int32, (_L,), 0)


def _locate(hist_ref, kk, ng):
    found = jnp.int32(-1)
    above_at = jnp.int32(0)
    above = jnp.int32(0)
    for g in range(ng - 1, -1, -1):
        hv = hist_ref[pl.ds(g * _L, _L)]
        s = jnp.sum(hv)
        hit = jnp.logical_and(found < 0, above + s >= kk)
        found = jnp.where(hit, jnp.int32(g), found)
        above_at = jnp.where(hit, above, above_at)
        above = above + s
    idx = found * _L + _iota16()
    hv = plsc.load_gather(hist_ref, [idx])
    suf = jnp.flip(plsc.cumsum(jnp.flip(hv, 0)), 0)
    cond = (above_at + suf) >= kk
    pc = plsc.all_reduce_population_count(cond)
    lstar = jnp.max(pc) - 1
    sel = _iota16() == lstar
    zeros = jnp.zeros((_L,), jnp.int32)
    h_at = jnp.sum(jnp.where(sel, hv, zeros))
    suf_at = jnp.sum(jnp.where(sel, suf, zeros))
    new_kk = kk - (above_at + suf_at - h_at)
    return found * _L + lstar, new_kk


def _clear(hist_ref, nb):
    z = jnp.zeros((_L,), jnp.int32)
    for g in range(nb // _L):
        hist_ref[pl.ds(g * _L, _L)] = z


def _build_sc_kernel(rows, d, k, seq, prefix, unroll=8):
    nv = d // _L
    assert nv % unroll == 0 and rows % _NW == 0
    rows_per = rows // _NW

    def _pass1(row_ref, a_ref, hist_ref):
        ones = jnp.ones((_L,), jnp.int32)

        def body(j, c):
            base = j * (unroll * _L)
            for u in range(unroll):
                off = base + u * _L
                v = row_ref[pl.ds(off, _L)]
                a = v & jnp.int32(0x7FFFFFFF)
                a_ref[pl.ds(off, _L)] = a
                plsc.addupdate_scatter(hist_ref, [a >> 23], ones)
            return c
        lax.fori_loop(0, nv // unroll, body, 0)

    def _pass_mid(a_ref, hist_ref, p, mask_shift, bin_shift, bin_mask):
        ones = jnp.ones((_L,), jnp.int32)

        def body(j, c):
            base = j * (unroll * _L)
            for u in range(unroll):
                off = base + u * _L
                a = a_ref[pl.ds(off, _L)]
                m = (a >> mask_shift) == p
                b = (a >> bin_shift) & bin_mask
                plsc.addupdate_scatter(hist_ref, [b], ones, mask=m)
            return c
        lax.fori_loop(0, nv // unroll, body, 0)

    def _final(a_ref, mask_ref, t):
        def body(j, c):
            base = j * (unroll * _L)
            for u in range(unroll):
                off = base + u * _L
                a = a_ref[pl.ds(off, _L)]
                mask_ref[pl.ds(off, _L)] = jnp.where(
                    a >= t, jnp.float32(1.0), jnp.float32(0.0))
            return c
        lax.fori_loop(0, nv // unroll, body, 0)

    def body(x_hbm, o_hbm, row_v, a_v, mask_v, hist_v):
        wid = lax.axis_index("s") * _NC + lax.axis_index("c")

        def row_body(i, c):
            r = wid * rows_per + i
            pltpu.sync_copy(x_hbm.at[r], row_v)
            _clear(hist_v, 256)
            _pass1(row_v, a_v, hist_v)
            b1, kk = _locate(hist_v, jnp.int32(k), 16)
            p = b1
            _clear(hist_v, 256)
            _pass_mid(a_v, hist_v, p, 23, 15, 0xFF)
            b2, kk = _locate(hist_v, kk, 16)
            p = (p << 8) | b2
            _clear(hist_v, 256)
            _pass_mid(a_v, hist_v, p, 15, 7, 0xFF)
            b3, kk = _locate(hist_v, kk, 16)
            p = (p << 8) | b3
            _clear(hist_v, 128)
            _pass_mid(a_v, hist_v, p, 7, 0, 0x7F)
            b4, kk = _locate(hist_v, kk, 8)
            t = (p << 7) | b4
            t = jnp.where((r % seq) < prefix, jnp.int32(0), t)
            _final(a_v, mask_v, t)
            pltpu.sync_copy(mask_v, o_hbm.at[r])
            return c

        lax.fori_loop(0, rows_per, row_body, 0)

    mesh = plsc.VectorSubcoreMesh(core_axis_name="c", subcore_axis_name="s",
                                  num_cores=_NC, num_subcores=_NS)
    return functools.partial(
        pl.kernel,
        out_type=jax.ShapeDtypeStruct((rows, d), jnp.float32),
        mesh=mesh,
        compiler_params=pltpu.CompilerParams(needs_layout_passes=False),
        scratch_types=[
            pltpu.VMEM((d,), jnp.int32),
            pltpu.VMEM((d,), jnp.int32),
            pltpu.VMEM((d,), jnp.float32),
            pltpu.VMEM((256,), jnp.int32),
        ],
    )(body)



def _topk_mask_body(x_ref, o_ref, *, block_rows, seq_len, k, prefix,
                    row_offset):
    i = pl.program_id(0)
    a = jnp.abs(x_ref[...])
    ai = jax.lax.bitcast_convert_type(a, jnp.int32)
    lo = jnp.zeros((block_rows, 1), jnp.int32)
    for b in range(30, -1, -1):
        cand = lo | (1 << b)
        cnt = jnp.sum((ai >= cand).astype(jnp.int32), axis=1, keepdims=True)
        lo = jnp.where(cnt >= k, cand, lo)
    mask = (ai >= lo).astype(jnp.float32)
    rows = (row_offset + i * block_rows
            + jax.lax.broadcasted_iota(jnp.int32, (block_rows, 1), 0))
    is_prefix = (rows % seq_len) < prefix
    o_ref[...] = jnp.where(is_prefix, 1.0, mask)


def _topk_mask_tc(x2d, seq_len, k, prefix, block_rows=256, row_offset=0):
    rows, d = x2d.shape
    grid = (rows // block_rows,)
    return pl.pallas_call(
        functools.partial(
            _topk_mask_body,
            block_rows=block_rows,
            seq_len=seq_len,
            k=k,
            prefix=prefix,
            row_offset=row_offset,
        ),
        grid=grid,
        in_specs=[pl.BlockSpec((block_rows, d), lambda i: (i, 0))],
        out_specs=pl.BlockSpec((block_rows, d), lambda i: (i, 0)),
        out_shape=jax.ShapeDtypeStruct((rows, d), jnp.float32),
    )(x2d)


_SC_ROWS = 4096


def kernel(x):
    b, s, d = x.shape
    half_seq = int(0.99 * s)
    prefix = s - half_seq
    k = int(d * 0.5)
    x2d = x.reshape(b * s, d)
    xi = jax.lax.bitcast_convert_type(x2d[:_SC_ROWS], jnp.int32)
    out_sc = _build_sc_kernel(_SC_ROWS, d, k, s, prefix)(xi)
    out_tc = _topk_mask_tc(x2d[_SC_ROWS:], s, k, prefix,
                           row_offset=_SC_ROWS)
    out = jnp.concatenate([out_sc, out_tc], axis=0)
    return out.reshape(b, s, d)

# --- scband reference (transcript-rebuilt; emitter-appended) ---
"""Pipeline reference for scband-sparsify-fn-54571854463093 (READ-ONLY COPY).

The authoritative reference and input builder live on the scoring server;
editing this copy changes nothing except your own understanding.
"""

import jax, jax.numpy as jnp
import numpy as np

SPARSITY_LEVEL = 0.5  # module requires set_threshold(sparsity) before forward; fixed here

def setup_inputs(seed: int = 0) -> dict:
    key = jax.random.key(seed)
    x = jax.random.normal(key, (2, 4096, 4096), dtype=jnp.float32)
    return {"x": x}

def reference(x):
    # mask_by == 'topk' branch of SparsifyFn.forward
    half_seq_len = int(0.99 * x.shape[1])  # 4055
    last_x = x[:, -half_seq_len:, :]
    k = int(last_x.shape[-1] * (1 - SPARSITY_LEVEL))
    vals, topk_indices = jax.lax.top_k(jnp.abs(last_x), k)
    B, S, D = last_x.shape
    b_idx = jnp.arange(B)[:, None, None]
    s_idx = jnp.arange(S)[None, :, None]
    last_mask = jnp.zeros_like(last_x).at[b_idx, s_idx, topk_indices].set(1.0)
    ones_prefix = jnp.ones_like(x[:, :-half_seq_len, :])
    mask = jnp.concatenate((ones_prefix, last_mask), axis=1)
    return mask

if __name__ == "__main__":
    import jax
    _d = setup_inputs()
    print(jax.jit(kernel)(*tuple(_d.values())))

</pallas_src>

<mosaic_0001>
#map = affine_map<(d0, d1) -> (0, 0)>
module attributes {stable_mosaic.version = 14 : i64} {
  func.func @body(%arg0: i32, %arg1: i32, %arg2: memref<4096x4096xi32, #tpu.memory_space<hbm>>, %arg3: memref<4096x4096xf32, #tpu.memory_space<hbm>>, %arg4: memref<4096xi32, #tpu.memory_space<vmem>>, %arg5: memref<4096xi32, #tpu.memory_space<vmem>>, %arg6: memref<4096xf32, #tpu.memory_space<vmem>>, %arg7: memref<256xi32, #tpu.memory_space<vmem>>) attributes {dimension_semantics = [#tpu.dimension_semantics<core_parallel>, #tpu.dimension_semantics<subcore_parallel>], iteration_bounds = array<i64: 2, 16>, scalar_prefetch = 0 : i64, scratch_operands = 4 : i64, tpu.core_type = #tpu.core_type<sc_vector_subcore>, window_params = [{transform_indices = #map}, {transform_indices = #map}]} {
    %mul3A = arith.constant 2 : i32
    %mul3A_0 = arith.muli %arg1, %mul3A : i32
    %add3A = arith.addi %mul3A_0, %arg0 : i32
    %scan3A = arith.constant 0 : i32
    %scan3A_1 = arith.constant 0 : i32
    %scan3A_2 = arith.constant 128 : i32
    %scan3A_3 = arith.addi %scan3A_1, %scan3A_2 : i32
    %scan3A_4 = arith.constant 1 : i32
    scf.for %scan3A_6 = %scan3A_1 to %scan3A_3 step %scan3A_4  : i32 {
      %mul3A_7 = arith.constant 128 : i32
      %mul3A_8 = arith.muli %add3A, %mul3A_7 : i32
      %add3A_9 = arith.addi %mul3A_8, %scan3A_6 : i32
      "tpu.region"() ({
        %run_scoped3A = tpu.sem_alloc : memref<!tpu.dma_semaphore, #tpu.memory_space<semaphore_mem>>
        %dma_start3A = arith.constant 0 : i32
        %dma_start3A_1278 = tpu.memref_slice %arg2[%add3A_9, %dma_start3A] : memref<4096x4096xi32, #tpu.memory_space<hbm>> -> memref<1x4096xi32, #tpu.memory_space<hbm>>
        %dma_start3A_1279 = tpu.memref_squeeze %dma_start3A_1278 : memref<1x4096xi32, #tpu.memory_space<hbm>> -> memref<4096xi32, #tpu.memory_space<hbm>>
        %dma_start3A_1280 = arith.constant 0 : i32
        %dma_start3A_1281 = tpu.memref_slice %arg2[%add3A_9, %dma_start3A_1280] : memref<4096x4096xi32, #tpu.memory_space<hbm>> -> memref<1x4096xi32, #tpu.memory_space<hbm>>
        %dma_start3A_1282 = tpu.memref_squeeze %dma_start3A_1281 : memref<1x4096xi32, #tpu.memory_space<hbm>> -> memref<4096xi32, #tpu.memory_space<hbm>>
        tpu.enqueue_dma source(%dma_start3A_1282 : memref<4096xi32, #tpu.memory_space<hbm>>) target(%arg4 : memref<4096xi32, #tpu.memory_space<vmem>>) target_semaphore(%run_scoped3A : memref<!tpu.dma_semaphore, #tpu.memory_space<semaphore_mem>>)
        %dma_wait3A = arith.constant 0 : i32
        %dma_wait3A_1283 = tpu.memref_slice %arg2[%add3A_9, %dma_wait3A] : memref<4096x4096xi32, #tpu.memory_space<hbm>> -> memref<1x4096xi32, #tpu.memory_space<hbm>>
        %dma_wait3A_1284 = tpu.memref_squeeze %dma_wait3A_1283 : memref<1x4096xi32, #tpu.memory_space<hbm>> -> memref<4096xi32, #tpu.memory_space<hbm>>
        %dma_wait3A_1285 = arith.constant 0 : i32
        %dma_wait3A_1286 = tpu.memref_slice %arg2[%add3A_9, %dma_wait3A_1285] : memref<4096x4096xi32, #tpu.memory_space<hbm>> -> memref<1x4096xi32, #tpu.memory_space<hbm>>
        %dma_wait3A_1287 = tpu.memref_squeeze %dma_wait3A_1286 : memref<1x4096xi32, #tpu.memory_space<hbm>> -> memref<4096xi32, #tpu.memory_space<hbm>>
        tpu.wait_dma2 semaphore(%run_scoped3A : memref<!tpu.dma_semaphore, #tpu.memory_space<semaphore_mem>>) src(%dma_wait3A_1287 : memref<4096xi32, #tpu.memory_space<hbm>>) dst(%arg4 : memref<4096xi32, #tpu.memory_space<vmem>>)
        tpu.yield
      }) : () -> ()
      %broadcast_in_dim3A = arith.constant 0 : i32
      %broadcast_in_dim3A_10 = vector.broadcast %broadcast_in_dim3A : i32 to vector<16xi32>
      %swap3A = arith.constant 0 : index
      %swap3A_11 = tpu.vector_load %arg7[%swap3A] {strides = array<i32>} : memref<256xi32, #tpu.memory_space<vmem>>, vector<16xi32>,
      tpu.vector_store %arg7[%swap3A], %broadcast_in_dim3A_10 {strides = array<i32>} : memref<256xi32, #tpu.memory_space<vmem>>, vector<16xi32>,
      %swap3A_12 = arith.constant 16 : index
      %swap3A_13 = tpu.vector_load %arg7[%swap3A_12] {strides = array<i32>} : memref<256xi32, #tpu.memory_space<vmem>>, vector<16xi32>,
      tpu.vector_store %arg7[%swap3A_12], %broadcast_in_dim3A_10 {strides = array<i32>} : memref<256xi32, #tpu.memory_space<vmem>>, vector<16xi32>,
      %swap3A_14 = arith.constant 32 : index
      %swap3A_15 = tpu.vector_load %arg7[%swap3A_14] {strides = array<i32>} : memref<256xi32, #tpu.memory_space<vmem>>, vector<16xi32>,
      tpu.vector_store %arg7[%swap3A_14], %broadcast_in_dim3A_10 {strides = array<i32>} : memref<256xi32, #tpu.memory_space<vmem>>, vector<16xi32>,
      %swap3A_16 = arith.constant 48 : index
      %swap3A_17 = tpu.vector_load %arg7[%swap3A_16] {strides = array<i32>} : memref<256xi32, #tpu.memory_space<vmem>>, vector<16xi32>,
      tpu.vector_store %arg7[%swap3A_16], %broadcast_in_dim3A_10 {strides = array<i32>} : memref<256xi32, #tpu.memory_space<vmem>>, vector<16xi32>,
      %swap3A_18 = arith.constant 64 : index
      %swap3A_19 = tpu.vector_load %arg7[%swap3A_18] {strides = array<i32>} : memref<256xi32, #tpu.memory_space<vmem>>, vector<16xi32>,
      tpu.vector_store %arg7[%swap3A_18], %broadcast_in_dim3A_10 {strides = array<i32>} : memref<256xi32, #tpu.memory_space<vmem>>, vector<16xi32>,
      %swap3A_20 = arith.constant 80 : index
      %swap3A_21 = tpu.vector_load %arg7[%swap3A_20] {strides = array<i32>} : memref<256xi32, #tpu.memory_space<vmem>>, vector<16xi32>,
      tpu.vector_store %arg7[%swap3A_20], %broadcast_in_dim3A_10 {strides = array<i32>} : memref<256xi32, #tpu.memory_space<vmem>>, vector<16xi32>,
      %swap3A_22 = arith.constant 96 : index
      %swap3A_23 = tpu.vector_load %arg7[%swap3A_22] {strides = array<i32>} : memref<256xi32, #tpu.memory_space<vmem>>, vector<16xi32>,
      tpu.vector_store %arg7[%swap3A_22], %broadcast_in_dim3A_10 {strides = array<i32>} : memref<256xi32, #tpu.memory_space<vmem>>, vector<16xi32>,
      %swap3A_24 = arith.constant 112 : index
      %swap3A_25 = tpu.vector_load %arg7[%swap3A_24] {strides = array<i32>} : memref<256xi32, #tpu.memory_space<vmem>>, vector<16xi32>,
      tpu.vector_store %arg7[%swap3A_24], %broadcast_in_dim3A_10 {strides = array<i32>} : memref<256xi32, #tpu.memory_space<vmem>>, vector<16xi32>,
      %swap3A_26 = arith.constant 128 : index
      %swap3A_27 = tpu.vector_load %arg7[%swap3A_26] {strides = array<i32>} : memref<256xi32, #tpu.memory_space<vmem>>, vector<16xi32>,
      tpu.vector_store %arg7[%swap3A_26], %broadcast_in_dim3A_10 {strides = array<i32>} : memref<256xi32, #tpu.memory_space<vmem>>, vector<16xi32>,
      %swap3A_28 = arith.constant 144 : index
      %swap3A_29 = tpu.vector_load %arg7[%swap3A_28] {strides = array<i32>} : memref<256xi32, #tpu.memory_space<vmem>>, vector<16xi32>,
      tpu.vector_store %arg7[%swap3A_28], %broadcast_in_dim3A_10 {strides = array<i32>} : memref<256xi32, #tpu.memory_space<vmem>>, vector<16xi32>,
      %swap3A_30 = arith.constant 160 : index
      %swap3A_31 = tpu.vector_load %arg7[%swap3A_30] {strides = array<i32>} : memref<256xi32, #tpu.memory_space<vmem>>, vector<16xi32>,
      tpu.vector_store %arg7[%swap3A_30], %broadcast_in_dim3A_10 {strides = array<i32>} : memref<256xi32, #tpu.memory_space<vmem>>, vector<16xi32>,
      %swap3A_32 = arith.constant 176 : index
      %swap3A_33 = tpu.vector_load %arg7[%swap3A_32] {strides = array<i32>} : memref<256xi32, #tpu.memory_space<vmem>>, vector<16xi32>,
      tpu.vector_store %arg7[%swap3A_32], %broadcast_in_dim3A_10 {strides = array<i32>} : memref<256xi32, #tpu.memory_space<vmem>>, vector<16xi32>,
      %swap3A_34 = arith.constant 192 : index
      %swap3A_35 = tpu.vector_load %arg7[%swap3A_34] {strides = array<i32>} : memref<256xi32, #tpu.memory_space<vmem>>, vector<16xi32>,
      tpu.vector_store %arg7[%swap3A_34], %broadcast_in_dim3A_10 {strides = array<i32>} : memref<256xi32, #tpu.memory_space<vmem>>, vector<16xi32>,
      %swap3A_36 = arith.constant 208 : index
      %swap3A_37 = tpu.vector_load %arg7[%swap3A_36] {strides = array<i32>} : memref<256xi32, #tpu.memory_space<vmem>>, vector<16xi32>,
      tpu.vector_store %arg7[%swap3A_36], %broadcast_in_dim3A_10 {strides = array<i32>} : memref<256xi32, #tpu.memory_space<vmem>>, vector<16xi32>,
      %swap3A_38 = arith.constant 224 : index
      %swap3A_39 = tpu.vector_load %arg7[%swap3A_38] {strides = array<i32>} : memref<256xi32, #tpu.memory_space<vmem>>, vector<16xi32>,
      tpu.vector_store %arg7[%swap3A_38], %broadcast_in_dim3A_10 {strides = array<i32>} : memref<256xi32, #tpu.memory_space<vmem>>, vector<16xi32>,
      %swap3A_40 = arith.constant 240 : index
      %swap3A_41 = tpu.vector_load %arg7[%swap3A_40] {strides = array<i32>} : memref<256xi32, #tpu.memory_space<vmem>>, vector<16xi32>,
      tpu.vector_store %arg7[%swap3A_40], %broadcast_in_dim3A_10 {strides = array<i32>} : memref<256xi32, #tpu.memory_space<vmem>>, vector<16xi32>,
      %broadcast_in_dim3A_42 = arith.constant 1 : i32
      %broadcast_in_dim3A_43 = vector.broadcast %broadcast_in_dim3A_42 : i32 to vector<16xi32>
      %scan3A_44 = arith.constant 0 : i32
      %scan3A_45 = arith.constant 0 : i32
      %scan3A_46 = arith.constant 32 : i32
      %scan3A_47 = arith.addi %scan3A_45, %scan3A_46 : i32
      %scan3A_48 = arith.constant 1 : i32
      scf.for %scan3A_1278 = %scan3A_45 to %scan3A_47 step %scan3A_48  : i32 {
        %mul3A_1279 = arith.constant 128 : i32
        %mul3A_1280 = arith.muli %scan3A_1278, %mul3A_1279 : i32
        %add3A_1281 = arith.constant 0 : i32
        %add3A_1282 = arith.addi %mul3A_1280, %add3A_1281 : i32
        %get3A_1283 = arith.index_cast %add3A_1282 : i32 to index
        %get3A_1284 = tpu.vector_load %arg4[%get3A_1283] {strides = array<i32>} : memref<4096xi32, #tpu.memory_space<vmem>>, vector<16xi32>,
        %and3A_1285 = arith.constant 2147483647 : i32
        %and3A_1286 = vector.broadcast %and3A_1285 : i32 to vector<16xi32>
        %and3A_1287 = arith.andi %get3A_1284, %and3A_1286 : vector<16xi32>
        %swap3A_1288 = arith.index_cast %add3A_1282 : i32 to index
        %swap3A_1289 = tpu.vector_load %arg5[%swap3A_1288] {strides = array<i32>} : memref<4096xi32, #tpu.memory_space<vmem>>, vector<16xi32>,
        tpu.vector_store %arg5[%swap3A_1288], %and3A_1287 {strides = array<i32>} : memref<4096xi32, #tpu.memory_space<vmem>>, vector<16xi32>,
        %shift_right_arithmetic3A = arith.constant 23 : i32
        %shift_right_arithmetic3A_1290 = vector.broadcast %shift_right_arithmetic3A : i32 to vector<16xi32>
        %shift_right_arithmetic3A_1291 = arith.shrsi %and3A_1287, %shift_right_arithmetic3A_1290 : vector<16xi32>
        tpu.vector_store_idx %arg7[%shift_right_arithmetic3A_1291], %broadcast_in_dim3A_43 {add = true} : memref<256xi32, #tpu.memory_space<vmem>>[vector<16xi32>], vector<16xi32>,
        %add3A_1292 = arith.constant 16 : i32
        %add3A_1293 = arith.addi %mul3A_1280, %add3A_1292 : i32
        %get3A_1294 = arith.index_cast %add3A_1293 : i32 to index
        %get3A_1295 = tpu.vector_load %arg4[%get3A_1294] {strides = array<i32>} : memref<4096xi32, #tpu.memory_space<vmem>>, vector<16xi32>,
        %and3A_1296 = arith.constant 2147483647 : i32
        %and3A_1297 = vector.broadcast %and3A_1296 : i32 to vector<16xi32>
        %and3A_1298 = arith.andi %get3A_1295, %and3A_1297 : vector<16xi32>
        %swap3A_1299 = arith.index_cast %add3A_1293 : i32 to index
        %swap3A_1300 = tpu.vector_load %arg5[%swap3A_1299] {strides = array<i32>} : memref<4096xi32, #tpu.memory_space<vmem>>, vector<16xi32>,
        tpu.vector_store %arg5[%swap3A_1299], %and3A_1298 {strides = array<i32>} : memref<4096xi32, #tpu.memory_space<vmem>>, vector<16xi32>,
        %shift_right_arithmetic3A_1301 = arith.constant 23 : i32
        %shift_right_arithmetic3A_1302 = vector.broadcast %shift_right_arithmetic3A_1301 : i32 to vector<16xi32>
        %shift_right_arithmetic3A_1303 = arith.shrsi %and3A_1298, %shift_right_arithmetic3A_1302 : vector<16xi32>
        tpu.vector_store_idx %arg7[%shift_right_arithmetic3A_1303], %broadcast_in_dim3A_43 {add = true} : memref<256xi32, #tpu.memory_space<vmem>>[vector<16xi32>], vector<16xi32>,
        %add3A_1304 = arith.constant 32 : i32
        %add3A_1305 = arith.addi %mul3A_1280, %add3A_1304 : i32
        %get3A_1306 = arith.index_cast %add3A_1305 : i32 to index
        %get3A_1307 = tpu.vector_load %arg4[%get3A_1306] {strides = array<i32>} : memref<4096xi32, #tpu.memory_space<vmem>>, vector<16xi32>,
        %and3A_1308 = arith.constant 2147483647 : i32
        %and3A_1309 = vector.broadcast %and3A_1308 : i32 to vector<16xi32>
        %and3A_1310 = arith.andi %get3A_1307, %and3A_1309 : vector<16xi32>
        %swap3A_1311 = arith.index_cast %add3A_1305 : i32 to index
        %swap3A_1312 = tpu.vector_load %arg5[%swap3A_1311] {strides = array<i32>} : memref<4096xi32, #tpu.memory_space<vmem>>, vector<16xi32>,
        tpu.vector_store %arg5[%swap3A_1311], %and3A_1310 {strides = array<i32>} : memref<4096xi32, #tpu.memory_space<vmem>>, vector<16xi32>,
        %shift_right_arithmetic3A_1313 = arith.constant 23 : i32
        %shift_right_arithmetic3A_1314 = vector.broadcast %shift_right_arithmetic3A_1313 : i32 to vector<16xi32>
        %shift_right_arithmetic3A_1315 = arith.shrsi %and3A_1310, %shift_right_arithmetic3A_1314 : vector<16xi32>
        tpu.vector_store_idx %arg7[%shift_right_arithmetic3A_1315], %broadcast_in_dim3A_43 {add = true} : memref<256xi32, #tpu.memory_space<vmem>>[vector<16xi32>], vector<16xi32>,
        %add3A_1316 = arith.constant 48 : i32
        %add3A_1317 = arith.addi %mul3A_1280, %add3A_1316 : i32
        %get3A_1318 = arith.index_cast %add3A_1317 : i32 to index
        %get3A_1319 = tpu.vector_load %arg4[%get3A_1318] {strides = array<i32>} : memref<4096xi32, #tpu.memory_space<vmem>>, vector<16xi32>,
        %and3A_1320 = arith.constant 2147483647 : i32
        %and3A_1321 = vector.broadcast %and3A_1320 : i32 to vector<16xi32>
        %and3A_1322 = arith.andi %get3A_1319, %and3A_1321 : vector<16xi32>
        %swap3A_1323 = arith.index_cast %add3A_1317 : i32 to index
        %swap3A_1324 = tpu.vector_load %arg5[%swap3A_1323] {strides = array<i32>} : memref<4096xi32, #tpu.memory_space<vmem>>, vector<16xi32>,
        tpu.vector_store %arg5[%swap3A_1323], %and3A_1322 {strides = array<i32>} : memref<4096xi32, #tpu.memory_space<vmem>>, vector<16xi32>,
        %shift_right_arithmetic3A_1325 = arith.constant 23 : i32
        %shift_right_arithmetic3A_1326 = vector.broadcast %shift_right_arithmetic3A_1325 : i32 to vector<16xi32>
        %shift_right_arithmetic3A_1327 = arith.shrsi %and3A_1322, %shift_right_arithmetic3A_1326 : vector<16xi32>
        tpu.vector_store_idx %arg7[%shift_right_arithmetic3A_1327], %broadcast_in_dim3A_43 {add = true} : memref<256xi32, #tpu.memory_space<vmem>>[vector<16xi32>], vector<16xi32>,
        %add3A_1328 = arith.constant 64 : i32
        %add3A_1329 = arith.addi %mul3A_1280, %add3A_1328 : i32
        %get3A_1330 = arith.index_cast %add3A_1329 : i32 to index
        %get3A_1331 = tpu.vector_load %arg4[%get3A_1330] {strides = array<i32>} : memref<4096xi32, #tpu.memory_space<vmem>>, vector<16xi32>,
        %and3A_1332 = arith.constant 2147483647 : i32
        %and3A_1333 = vector.broadcast %and3A_1332 : i32 to vector<16xi32>
        %and3A_1334 = arith.andi %get3A_1331, %and3A_1333 : vector<16xi32>
        %swap3A_1335 = arith.index_cast %add3A_1329 : i32 to index
        %swap3A_1336 = tpu.vector_load %arg5[%swap3A_1335] {strides = array<i32>} : memref<4096xi32, #tpu.memory_space<vmem>>, vector<16xi32>,
        tpu.vector_store %arg5[%swap3A_1335], %and3A_1334 {strides = array<i32>} : memref<4096xi32, #tpu.memory_space<vmem>>, vector<16xi32>,
        %shift_right_arithmetic3A_1337 = arith.constant 23 : i32
        %shift_right_arithmetic3A_1338 = vector.broadcast %shift_right_arithmetic3A_1337 : i32 to vector<16xi32>
        %shift_right_arithmetic3A_1339 = arith.shrsi %and3A_1334, %shift_right_arithmetic3A_1338 : vector<16xi32>
        tpu.vector_store_idx %arg7[%shift_right_arithmetic3A_1339], %broadcast_in_dim3A_43 {add = true} : memref<256xi32, #tpu.memory_space<vmem>>[vector<16xi32>], vector<16xi32>,
        %add3A_1340 = arith.constant 80 : i32
        %add3A_1341 = arith.addi %mul3A_1280, %add3A_1340 : i32
        %get3A_1342 = arith.index_cast %add3A_1341 : i32 to index
        %get3A_1343 = tpu.vector_load %arg4[%get3A_1342] {strides = array<i32>} : memref<4096xi32, #tpu.memory_space<vmem>>, vector<16xi32>,
        %and3A_1344 = arith.constant 2147483647 : i32
        %and3A_1345 = vector.broadcast %and3A_1344 : i32 to vector<16xi32>
        %and3A_1346 = arith.andi %get3A_1343, %and3A_1345 : vector<16xi32>
        %swap3A_1347 = arith.index_cast %add3A_1341 : i32 to index
        %swap3A_1348 = tpu.vector_load %arg5[%swap3A_1347] {strides = array<i32>} : memref<4096xi32, #tpu.memory_space<vmem>>, vector<16xi32>,
        tpu.vector_store %arg5[%swap3A_1347], %and3A_1346 {strides = array<i32>} : memref<4096xi32, #tpu.memory_space<vmem>>, vector<16xi32>,
        %shift_right_arithmetic3A_1349 = arith.constant 23 : i32
        %shift_right_arithmetic3A_1350 = vector.broadcast %shift_right_arithmetic3A_1349 : i32 to vector<16xi32>
        %shift_right_arithmetic3A_1351 = arith.shrsi %and3A_1346, %shift_right_arithmetic3A_1350 : vector<16xi32>
        tpu.vector_store_idx %arg7[%shift_right_arithmetic3A_1351], %broadcast_in_dim3A_43 {add = true} : memref<256xi32, #tpu.memory_space<vmem>>[vector<16xi32>], vector<16xi32>,
        %add3A_1352 = arith.constant 96 : i32
        %add3A_1353 = arith.addi %mul3A_1280, %add3A_1352 : i32
        %get3A_1354 = arith.index_cast %add3A_1353 : i32 to index
        %get3A_1355 = tpu.vector_load %arg4[%get3A_1354] {strides = array<i32>} : memref<4096xi32, #tpu.memory_space<vmem>>, vector<16xi32>,
        %and3A_1356 = arith.constant 2147483647 : i32
        %and3A_1357 = vector.broadcast %and3A_1356 : i32 to vector<16xi32>
        %and3A_1358 = arith.andi %get3A_1355, %and3A_1357 : vector<16xi32>
        %swap3A_1359 = arith.index_cast %add3A_1353 : i32 to index
        %swap3A_1360 = tpu.vector_load %arg5[%swap3A_1359] {strides = array<i32>} : memref<4096xi32, #tpu.memory_space<vmem>>, vector<16xi32>,
        tpu.vector_store %arg5[%swap3A_1359], %and3A_1358 {strides = array<i32>} : memref<4096xi32, #tpu.memory_space<vmem>>, vector<16xi32>,
        %shift_right_arithmetic3A_1361 = arith.constant 23 : i32
        %shift_right_arithmetic3A_1362 = vector.broadcast %shift_right_arithmetic3A_1361 : i32 to vector<16xi32>
        %shift_right_arithmetic3A_1363 = arith.shrsi %and3A_1358, %shift_right_arithmetic3A_1362 : vector<16xi32>
        tpu.vector_store_idx %arg7[%shift_right_arithmetic3A_1363], %broadcast_in_dim3A_43 {add = true} : memref<256xi32, #tpu.memory_space<vmem>>[vector<16xi32>], vector<16xi32>,
        %add3A_1364 = arith.constant 112 : i32
        %add3A_1365 = arith.addi %mul3A_1280, %add3A_1364 : i32
        %get3A_1366 = arith.index_cast %add3A_1365 : i32 to index
        %get3A_1367 = tpu.vector_load %arg4[%get3A_1366] {strides = array<i32>} : memref<4096xi32, #tpu.memory_space<vmem>>, vector<16xi32>,
        %and3A_1368 = arith.constant 2147483647 : i32
        %and3A_1369 = vector.broadcast %and3A_1368 : i32 to vector<16xi32>
        %and3A_1370 = arith.andi %get3A_1367, %and3A_1369 : vector<16xi32>
        %swap3A_1371 = arith.index_cast %add3A_1365 : i32 to index
        %swap3A_1372 = tpu.vector_load %arg5[%swap3A_1371] {strides = array<i32>} : memref<4096xi32, #tpu.memory_space<vmem>>, vector<16xi32>,
        tpu.vector_store %arg5[%swap3A_1371], %and3A_1370 {strides = array<i32>} : memref<4096xi32, #tpu.memory_space<vmem>>, vector<16xi32>,
        %shift_right_arithmetic3A_1373 = arith.constant 23 : i32
        %shift_right_arithmetic3A_1374 = vector.broadcast %shift_right_arithmetic3A_1373 : i32 to vector<16xi32>
        %shift_right_arithmetic3A_1375 = arith.shrsi %and3A_1370, %shift_right_arithmetic3A_1374 : vector<16xi32>
        tpu.vector_store_idx %arg7[%shift_right_arithmetic3A_1375], %broadcast_in_dim3A_43 {add = true} : memref<256xi32, #tpu.memory_space<vmem>>[vector<16xi32>], vector<16xi32>,
      }
      %scan3A_49 = arith.constant 32 : i32
      %get3A = arith.constant 240 : index
      %get3A_50 = tpu.vector_load %arg7[%get3A] {strides = array<i32>} : memref<256xi32, #tpu.memory_space<vmem>>, vector<16xi32>,
      %reduce_sum3A = arith.constant true
      %reduce_sum3A_51 = vector.broadcast %reduce_sum3A : i1 to vector<16xi1>
      %reduce_sum3A_52 = tpu.scan <sum>, %get3A_50 masked %reduce_sum3A_51 : vector<16xi32>, vector<16xi1> -> vector<16xi32>
      %reduce_sum3A_53 = vector.extract %reduce_sum3A_52[15] : i32 from vector<16xi32>
      %lt3A = arith.constant -1 : i32
      %lt3A_54 = arith.constant 0 : i32
      %lt3A_55 = arith.cmpi slt, %lt3A, %lt3A_54 : i32
      %add3A_56 = arith.constant 0 : i32
      %add3A_57 = arith.addi %add3A_56, %reduce_sum3A_53 : i32
      %ge3A = arith.constant 2048 : i32
      %ge3A_58 = arith.cmpi sge, %add3A_57, %ge3A : i32
      %and3A = arith.andi %lt3A_55, %ge3A_58 : i1
      %jit3A = arith.constant 15 : i32
      %jit3A_59 = arith.constant -1 : i32
      %select_n3A = arith.select %and3A, %jit3A, %jit3A_59 : i32
      %jit3A_60 = arith.constant 0 : i32
      %jit3A_61 = arith.constant 0 : i32
      %select_n3A_62 = arith.select %and3A, %jit3A_60, %jit3A_61 : i32
      %add3A_63 = arith.constant 0 : i32
      %add3A_64 = arith.addi %add3A_63, %reduce_sum3A_53 : i32
      %get3A_65 = arith.constant 224 : index
      %get3A_66 = tpu.vector_load %arg7[%get3A_65] {strides = array<i32>} : memref<256xi32, #tpu.memory_space<vmem>>, vector<16xi32>,
      %reduce_sum3A_67 = arith.constant true
      %reduce_sum3A_68 = vector.broadcast %reduce_sum3A_67 : i1 to vector<16xi1>
      %reduce_sum3A_69 = tpu.scan <sum>, %get3A_66 masked %reduce_sum3A_68 : vector<16xi32>, vector<16xi1> -> vector<16xi32>
      %reduce_sum3A_70 = vector.extract %reduce_sum3A_69[15] : i32 from vector<16xi32>
      %lt3A_71 = arith.constant 0 : i32
      %lt3A_72 = arith.cmpi slt, %select_n3A, %lt3A_71 : i32
      %add3A_73 = arith.addi %add3A_64, %reduce_sum3A_70 : i32
      %ge3A_74 = arith.constant 2048 : i32
      %ge3A_75 = arith.cmpi sge, %add3A_73, %ge3A_74 : i32
      %and3A_76 = arith.andi %lt3A_72, %ge3A_75 : i1
      %jit3A_77 = arith.constant 14 : i32
      %select_n3A_78 = arith.select %and3A_76, %jit3A_77, %select_n3A : i32
      %select_n3A_79 = arith.select %and3A_76, %add3A_64, %select_n3A_62 : i32
      %add3A_80 = arith.addi %add3A_64, %reduce_sum3A_70 : i32
      %get3A_81 = arith.constant 208 : index
      %get3A_82 = tpu.vector_load %arg7[%get3A_81] {strides = array<i32>} : memref<256xi32, #tpu.memory_space<vmem>>, vector<16xi32>,
      %reduce_sum3A_83 = arith.constant true
      %reduce_sum3A_84 = vector.broadcast %reduce_sum3A_83 : i1 to vector<16xi1>
      %reduce_sum3A_85 = tpu.scan <sum>, %get3A_82 masked %reduce_sum3A_84 : vector<16xi32>, vector<16xi1> -> vector<16xi32>
      %reduce_sum3A_86 = vector.extract %reduce_sum3A_85[15] : i32 from vector<16xi32>
      %lt3A_87 = arith.constant 0 : i32
      %lt3A_88 = arith.cmpi slt, %select_n3A_78, %lt3A_87 : i32
      %add3A_89 = arith.addi %add3A_80, %reduce_sum3A_86 : i32
      %ge3A_90 = arith.constant 2048 : i32
      %ge3A_91 = arith.cmpi sge, %add3A_89, %ge3A_90 : i32
      %and3A_92 = arith.andi %lt3A_88, %ge3A_91 : i1
      %jit3A_93 = arith.constant 13 : i32
      %select_n3A_94 = arith.select %and3A_92, %jit3A_93, %select_n3A_78 : i32
      %select_n3A_95 = arith.select %and3A_92, %add3A_80, %select_n3A_79 : i32
      %add3A_96 = arith.addi %add3A_80, %reduce_sum3A_86 : i32
      %get3A_97 = arith.constant 192 : index
      %get3A_98 = tpu.vector_load %arg7[%get3A_97] {strides = array<i32>} : memref<256xi32, #tpu.memory_space<vmem>>, vector<16xi32>,
      %reduce_sum3A_99 = arith.constant true
      %reduce_sum3A_100 = vector.broadcast %reduce_sum3A_99 : i1 to vector<16xi1>
      %reduce_sum3A_101 = tpu.scan <sum>, %get3A_98 masked %reduce_sum3A_100 : vector<16xi32>, vector<16xi1> -> vector<16xi32>
      %reduce_sum3A_102 = vector.extract %reduce_sum3A_101[15] : i32 from vector<16xi32>
      %lt3A_103 = arith.constant 0 : i32
      %lt3A_104 = arith.cmpi slt, %select_n3A_94, %lt3A_103 : i32
      %add3A_105 = arith.addi %add3A_96, %reduce_sum3A_102 : i32
      %ge3A_106 = arith.constant 2048 : i32
      %ge3A_107 = arith.cmpi sge, %add3A_105, %ge3A_106 : i32
      %and3A_108 = arith.andi %lt3A_104, %ge3A_107 : i1
      %jit3A_109 = arith.constant 12 : i32
      %select_n3A_110 = arith.select %and3A_108, %jit3A_109, %select_n3A_94 : i32
      %select_n3A_111 = arith.select %and3A_108, %add3A_96, %select_n3A_95 : i32
      %add3A_112 = arith.addi %add3A_96, %reduce_sum3A_102 : i32
      %get3A_113 = arith.constant 176 : index
      %get3A_114 = tpu.vector_load %arg7[%get3A_113] {strides = array<i32>} : memref<256xi32, #tpu.memory_space<vmem>>, vector<16xi32>,
      %reduce_sum3A_115 = arith.constant true
      %reduce_sum3A_116 = vector.broadcast %reduce_sum3A_115 : i1 to vector<16xi1>
      %reduce_sum3A_117 = tpu.scan <sum>, %get3A_114 masked %reduce_sum3A_116 : vector<16xi32>, vector<16xi1> -> vector<16xi32>
      %reduce_sum3A_118 = vector.extract %reduce_sum3A_117[15] : i32 from vector<16xi32>
      %lt3A_119 = arith.constant 0 : i32
      %lt3A_120 = arith.cmpi slt, %select_n3A_110, %lt3A_119 : i32
      %add3A_121 = arith.addi %add3A_112, %reduce_sum3A_118 : i32
      %ge3A_122 = arith.constant 2048 : i32
      %ge3A_123 = arith.cmpi sge, %add3A_121, %ge3A_122 : i32
      %and3A_124 = arith.andi %lt3A_120, %ge3A_123 : i1
      %jit3A_125 = arith.constant 11 : i32
      %select_n3A_126 = arith.select %and3A_124, %jit3A_125, %select_n3A_110 : i32
      %select_n3A_127 = arith.select %and3A_124, %add3A_112, %select_n3A_111 : i32
      %add3A_128 = arith.addi %add3A_112, %reduce_sum3A_118 : i32
      %get3A_129 = arith.constant 160 : index
      %get3A_130 = tpu.vector_load %arg7[%get3A_129] {strides = array<i32>} : memref<256xi32, #tpu.memory_space<vmem>>, vector<16xi32>,
      %reduce_sum3A_131 = arith.constant true
      %reduce_sum3A_132 = vector.broadcast %reduce_sum3A_131 : i1 to vector<16xi1>
      %reduce_sum3A_133 = tpu.scan <sum>, %get3A_130 masked %reduce_sum3A_132 : vector<16xi32>, vector<16xi1> -> vector<16xi32>
      %reduce_sum3A_134 = vector.extract %reduce_sum3A_133[15] : i32 from vector<16xi32>
      %lt3A_135 = arith.constant 0 : i32
      %lt3A_136 = arith.cmpi slt, %select_n3A_126, %lt3A_135 : i32
      %add3A_137 = arith.addi %add3A_128, %reduce_sum3A_134 : i32
      %ge3A_138 = arith.constant 2048 : i32
      %ge3A_139 = arith.cmpi sge, %add3A_137, %ge3A_138 : i32
      %and3A_140 = arith.andi %lt3A_136, %ge3A_139 : i1
      %jit3A_141 = arith.constant 10 : i32
      %select_n3A_142 = arith.select %and3A_140, %jit3A_141, %select_n3A_126 : i32
      %select_n3A_143 = arith.select %and3A_140, %add3A_128, %select_n3A_127 : i32
      %add3A_144 = arith.addi %add3A_128, %reduce_sum3A_134 : i32
      %get3A_145 = arith.constant 144 : index
      %get3A_146 = tpu.vector_load %arg7[%get3A_145] {strides = array<i32>} : memref<256xi32, #tpu.memory_space<vmem>>, vector<16xi32>,
      %reduce_sum3A_147 = arith.constant true
      %reduce_sum3A_148 = vector.broadcast %reduce_sum3A_147 : i1 to vector<16xi1>
      %reduce_sum3A_149 = tpu.scan <sum>, %get3A_146 masked %reduce_sum3A_148 : vector<16xi32>, vector<16xi1> -> vector<16xi32>
      %reduce_sum3A_150 = vector.extract %reduce_sum3A_149[15] : i32 from vector<16xi32>
      %lt3A_151 = arith.constant 0 : i32
      %lt3A_152 = arith.cmpi slt, %select_n3A_142, %lt3A_151 : i32
      %add3A_153 = arith.addi %add3A_144, %reduce_sum3A_150 : i32
      %ge3A_154 = arith.constant 2048 : i32
      %ge3A_155 = arith.cmpi sge, %add3A_153, %ge3A_154 : i32
      %and3A_156 = arith.andi %lt3A_152, %ge3A_155 : i1
      %jit3A_157 = arith.constant 9 : i32
      %select_n3A_158 = arith.select %and3A_156, %jit3A_157, %select_n3A_142 : i32
      %select_n3A_159 = arith.select %and3A_156, %add3A_144, %select_n3A_143 : i32
      %add3A_160 = arith.addi %add3A_144, %reduce_sum3A_150 : i32
      %get3A_161 = arith.constant 128 : index
      %get3A_162 = tpu.vector_load %arg7[%get3A_161] {strides = array<i32>} : memref<256xi32, #tpu.memory_space<vmem>>, vector<16xi32>,
      %reduce_sum3A_163 = arith.constant true
      %reduce_sum3A_164 = vector.broadcast %reduce_sum3A_163 : i1 to vector<16xi1>
      %reduce_sum3A_165 = tpu.scan <sum>, %get3A_162 masked %reduce_sum3A_164 : vector<16xi32>, vector<16xi1> -> vector<16xi32>
      %reduce_sum3A_166 = vector.extract %reduce_sum3A_165[15] : i32 from vector<16xi32>
      %lt3A_167 = arith.constant 0 : i32
      %lt3A_168 = arith.cmpi slt, %select_n3A_158, %lt3A_167 : i32
      %add3A_169 = arith.addi %add3A_160, %reduce_sum3A_166 : i32
      %ge3A_170 = arith.constant 2048 : i32
      %ge3A_171 = arith.cmpi sge, %add3A_169, %ge3A_170 : i32
      %and3A_172 = arith.andi %lt3A_168, %ge3A_171 : i1
      %jit3A_173 = arith.constant 8 : i32
      %select_n3A_174 = arith.select %and3A_172, %jit3A_173, %select_n3A_158 : i32
      %select_n3A_175 = arith.select %and3A_172, %add3A_160, %select_n3A_159 : i32
      %add3A_176 = arith.addi %add3A_160, %reduce_sum3A_166 : i32
      %get3A_177 = arith.constant 112 : index
      %get3A_178 = tpu.vector_load %arg7[%get3A_177] {strides = array<i32>} : memref<256xi32, #tpu.memory_space<vmem>>, vector<16xi32>,
      %reduce_sum3A_179 = arith.constant true
      %reduce_sum3A_180 = vector.broadcast %reduce_sum3A_179 : i1 to vector<16xi1>
      %reduce_sum3A_181 = tpu.scan <sum>, %get3A_178 masked %reduce_sum3A_180 : vector<16xi32>, vector<16xi1> -> vector<16xi32>
      %reduce_sum3A_182 = vector.extract %reduce_sum3A_181[15] : i32 from vector<16xi32>
      %lt3A_183 = arith.constant 0 : i32
      %lt3A_184 = arith.cmpi slt, %select_n3A_174, %lt3A_183 : i32
      %add3A_185 = arith.addi %add3A_176, %reduce_sum3A_182 : i32
      %ge3A_186 = arith.constant 2048 : i32
      %ge3A_187 = arith.cmpi sge, %add3A_185, %ge3A_186 : i32
      %and3A_188 = arith.andi %lt3A_184, %ge3A_187 : i1
      %jit3A_189 = arith.constant 7 : i32
      %select_n3A_190 = arith.select %and3A_188, %jit3A_189, %select_n3A_174 : i32
      %select_n3A_191 = arith.select %and3A_188, %add3A_176, %select_n3A_175 : i32
      %add3A_192 = arith.addi %add3A_176, %reduce_sum3A_182 : i32
      %get3A_193 = arith.constant 96 : index
      %get3A_194 = tpu.vector_load %arg7[%get3A_193] {strides = array<i32>} : memref<256xi32, #tpu.memory_space<vmem>>, vector<16xi32>,
      %reduce_sum3A_195 = arith.constant true
      %reduce_sum3A_196 = vector.broadcast %reduce_sum3A_195 : i1 to vector<16xi1>
      %reduce_sum3A_197 = tpu.scan <sum>, %get3A_194 masked %reduce_sum3A_196 : vector<16xi32>, vector<16xi1> -> vector<16xi32>
      %reduce_sum3A_198 = vector.extract %reduce_sum3A_197[15] : i32 from vector<16xi32>
      %lt3A_199 = arith.constant 0 : i32
      %lt3A_200 = arith.cmpi slt, %select_n3A_190, %lt3A_199 : i32
      %add3A_201 = arith.addi %add3A_192, %reduce_sum3A_198 : i32
      %ge3A_202 = arith.constant 2048 : i32
      %ge3A_203 = arith.cmpi sge, %add3A_201, %ge3A_202 : i32
      %and3A_204 = arith.andi %lt3A_200, %ge3A_203 : i1
      %jit3A_205 = arith.constant 6 : i32
      %select_n3A_206 = arith.select %and3A_204, %jit3A_205, %select_n3A_190 : i32
      %select_n3A_207 = arith.select %and3A_204, %add3A_192, %select_n3A_191 : i32
      %add3A_208 = arith.addi %add3A_192, %reduce_sum3A_198 : i32
      %get3A_209 = arith.constant 80 : index
      %get3A_210 = tpu.vector_load %arg7[%get3A_209] {strides = array<i32>} : memref<256xi32, #tpu.memory_space<vmem>>, vector<16xi32>,
      %reduce_sum3A_211 = arith.constant true
      %reduce_sum3A_212 = vector.broadcast %reduce_sum3A_211 : i1 to vector<16xi1>
      %reduce_sum3A_213 = tpu.scan <sum>, %get3A_210 masked %reduce_sum3A_212 : vector<16xi32>, vector<16xi1> -> vector<16xi32>
      %reduce_sum3A_214 = vector.extract %reduce_sum3A_213[15] : i32 from vector<16xi32>
      %lt3A_215 = arith.constant 0 : i32
      %lt3A_216 = arith.cmpi slt, %select_n3A_206, %lt3A_215 : i32
      %add3A_217 = arith.addi %add3A_208, %reduce_sum3A_214 : i32
      %ge3A_218 = arith.constant 2048 : i32
      %ge3A_219 = arith.cmpi sge, %add3A_217, %ge3A_218 : i32
      %and3A_220 = arith.andi %lt3A_216, %ge3A_219 : i1
      %jit3A_221 = arith.constant 5 : i32
      %select_n3A_222 = arith.select %and3A_220, %jit3A_221, %select_n3A_206 : i32
      %select_n3A_223 = arith.select %and3A_220, %add3A_208, %select_n3A_207 : i32
      %add3A_224 = arith.addi %add3A_208, %reduce_sum3A_214 : i32
      %get3A_225 = arith.constant 64 : index
      %get3A_226 = tpu.vector_load %arg7[%get3A_225] {strides = array<i32>} : memref<256xi32, #tpu.memory_space<vmem>>, vector<16xi32>,
      %reduce_sum3A_227 = arith.constant true
      %reduce_sum3A_228 = vector.broadcast %reduce_sum3A_227 : i1 to vector<16xi1>
      %reduce_sum3A_229 = tpu.scan <sum>, %get3A_226 masked %reduce_sum3A_228 : vector<16xi32>, vector<16xi1> -> vector<16xi32>
      %reduce_sum3A_230 = vector.extract %reduce_sum3A_229[15] : i32 from vector<16xi32>
      %lt3A_231 = arith.constant 0 : i32
      %lt3A_232 = arith.cmpi slt, %select_n3A_222, %lt3A_231 : i32
      %add3A_233 = arith.addi %add3A_224, %reduce_sum3A_230 : i32
      %ge3A_234 = arith.constant 2048 : i32
      %ge3A_235 = arith.cmpi sge, %add3A_233, %ge3A_234 : i32
      %and3A_236 = arith.andi %lt3A_232, %ge3A_235 : i1
      %jit3A_237 = arith.constant 4 : i32
      %select_n3A_238 = arith.select %and3A_236, %jit3A_237, %select_n3A_222 : i32
      %select_n3A_239 = arith.select %and3A_236, %add3A_224, %select_n3A_223 : i32
      %add3A_240 = arith.addi %add3A_224, %reduce_sum3A_230 : i32
      %get3A_241 = arith.constant 48 : index
      %get3A_242 = tpu.vector_load %arg7[%get3A_241] {strides = array<i32>} : memref<256xi32, #tpu.memory_space<vmem>>, vector<16xi32>,
      %reduce_sum3A_243 = arith.constant true
      %reduce_sum3A_244 = vector.broadcast %reduce_sum3A_243 : i1 to vector<16xi1>
      %reduce_sum3A_245 = tpu.scan <sum>, %get3A_242 masked %reduce_sum3A_244 : vector<16xi32>, vector<16xi1> -> vector<16xi32>
      %reduce_sum3A_246 = vector.extract %reduce_sum3A_245[15] : i32 from vector<16xi32>
      %lt3A_247 = arith.constant 0 : i32
      %lt3A_248 = arith.cmpi slt, %select_n3A_238, %lt3A_247 : i32
      %add3A_249 = arith.addi %add3A_240, %reduce_sum3A_246 : i32
      %ge3A_250 = arith.constant 2048 : i32
      %ge3A_251 = arith.cmpi sge, %add3A_249, %ge3A_250 : i32
      %and3A_252 = arith.andi %lt3A_248, %ge3A_251 : i1
      %jit3A_253 = arith.constant 3 : i32
      %select_n3A_254 = arith.select %and3A_252, %jit3A_253, %select_n3A_238 : i32
      %select_n3A_255 = arith.select %and3A_252, %add3A_240, %select_n3A_239 : i32
      %add3A_256 = arith.addi %add3A_240, %reduce_sum3A_246 : i32
      %get3A_257 = arith.constant 32 : index
      %get3A_258 = tpu.vector_load %arg7[%get3A_257] {strides = array<i32>} : memref<256xi32, #tpu.memory_space<vmem>>, vector<16xi32>,
      %reduce_sum3A_259 = arith.constant true
      %reduce_sum3A_260 = vector.broadcast %reduce_sum3A_259 : i1 to vector<16xi1>
      %reduce_sum3A_261 = tpu.scan <sum>, %get3A_258 masked %reduce_sum3A_260 : vector<16xi32>, vector<16xi1> -> vector<16xi32>
      %reduce_sum3A_262 = vector.extract %reduce_sum3A_261[15] : i32 from vector<16xi32>
      %lt3A_263 = arith.constant 0 : i32
      %lt3A_264 = arith.cmpi slt, %select_n3A_254, %lt3A_263 : i32
      %add3A_265 = arith.addi %add3A_256, %reduce_sum3A_262 : i32
      %ge3A_266 = arith.constant 2048 : i32
      %ge3A_267 = arith.cmpi sge, %add3A_265, %ge3A_266 : i32
      %and3A_268 = arith.andi %lt3A_264, %ge3A_267 : i1
      %jit3A_269 = arith.constant 2 : i32
      %select_n3A_270 = arith.select %and3A_268, %jit3A_269, %select_n3A_254 : i32
      %select_n3A_271 = arith.select %and3A_268, %add3A_256, %select_n3A_255 : i32
      %add3A_272 = arith.addi %add3A_256, %reduce_sum3A_262 : i32
      %get3A_273 = arith.constant 16 : index
      %get3A_274 = tpu.vector_load %arg7[%get3A_273] {strides = array<i32>} : memref<256xi32, #tpu.memory_space<vmem>>, vector<16xi32>,
      %reduce_sum3A_275 = arith.constant true
      %reduce_sum3A_276 = vector.broadcast %reduce_sum3A_275 : i1 to vector<16xi1>
      %reduce_sum3A_277 = tpu.scan <sum>, %get3A_274 masked %reduce_sum3A_276 : vector<16xi32>, vector<16xi1> -> vector<16xi32>
      %reduce_sum3A_278 = vector.extract %reduce_sum3A_277[15] : i32 from vector<16xi32>
      %lt3A_279 = arith.constant 0 : i32
      %lt3A_280 = arith.cmpi slt, %select_n3A_270, %lt3A_279 : i32
      %add3A_281 = arith.addi %add3A_272, %reduce_sum3A_278 : i32
      %ge3A_282 = arith.constant 2048 : i32
      %ge3A_283 = arith.cmpi sge, %add3A_281, %ge3A_282 : i32
      %and3A_284 = arith.andi %lt3A_280, %ge3A_283 : i1
      %jit3A_285 = arith.constant 1 : i32
      %select_n3A_286 = arith.select %and3A_284, %jit3A_285, %select_n3A_270 : i32
      %select_n3A_287 = arith.select %and3A_284, %add3A_272, %select_n3A_271 : i32
      %add3A_288 = arith.addi %add3A_272, %reduce_sum3A_278 : i32
      %get3A_289 = arith.constant 0 : index
      %get3A_290 = tpu.vector_load %arg7[%get3A_289] {strides = array<i32>} : memref<256xi32, #tpu.memory_space<vmem>>, vector<16xi32>,
      %reduce_sum3A_291 = arith.constant true
      %reduce_sum3A_292 = vector.broadcast %reduce_sum3A_291 : i1 to vector<16xi1>
      %reduce_sum3A_293 = tpu.scan <sum>, %get3A_290 masked %reduce_sum3A_292 : vector<16xi32>, vector<16xi1> -> vector<16xi32>
      %reduce_sum3A_294 = vector.extract %reduce_sum3A_293[15] : i32 from vector<16xi32>
      %lt3A_295 = arith.constant 0 : i32
      %lt3A_296 = arith.cmpi slt, %select_n3A_286, %lt3A_295 : i32
      %add3A_297 = arith.addi %add3A_288, %reduce_sum3A_294 : i32
      %ge3A_298 = arith.constant 2048 : i32
      %ge3A_299 = arith.cmpi sge, %add3A_297, %ge3A_298 : i32
      %and3A_300 = arith.andi %lt3A_296, %ge3A_299 : i1
      %jit3A_301 = arith.constant 0 : i32
      %select_n3A_302 = arith.select %and3A_300, %jit3A_301, %select_n3A_286 : i32
      %select_n3A_303 = arith.select %and3A_300, %add3A_288, %select_n3A_287 : i32
      %add3A_304 = arith.addi %add3A_288, %reduce_sum3A_294 : i32
      %mul3A_305 = arith.constant 16 : i32
      %mul3A_306 = arith.muli %select_n3A_302, %mul3A_305 : i32
      %iota3A = tpu.iota {dimensions = array<i32: 0>} : vector<16xi32>
      %add3A_307 = vector.broadcast %mul3A_306 : i32 to vector<16xi32>
      %add3A_308 = arith.addi %add3A_307, %iota3A : vector<16xi32>
      %gather3A = tpu.vector_load_idx %arg7[%add3A_308] : memref<256xi32, #tpu.memory_space<vmem>>[vector<16xi32>], vector<16xi32>,
      %rev3A = arith.constant 15 : i32
      %rev3A_309 = vector.broadcast %rev3A : i32 to vector<16xi32>
      %rev3A_310 = tpu.iota {dimensions = array<i32: 0>} : vector<16xi32>
      %rev3A_311 = arith.subi %rev3A_309, %rev3A_310 : vector<16xi32>
      %rev3A_312 = tpu.dynamic_gather %gather3A[%rev3A_311] in [0] : vector<16xi32>, vector<16xi32> -> vector<16xi32>
      %broadcast_in_dim3A_313 = arith.constant true
      %broadcast_in_dim3A_314 = vector.broadcast %broadcast_in_dim3A_313 : i1 to vector<16xi1>
      %masked_cumsum3A = tpu.scan <sum>, %rev3A_312 masked %broadcast_in_dim3A_314 : vector<16xi32>, vector<16xi1> -> vector<16xi32>
      %rev3A_315 = arith.constant 15 : i32
      %rev3A_316 = vector.broadcast %rev3A_315 : i32 to vector<16xi32>
      %rev3A_317 = tpu.iota {dimensions = array<i32: 0>} : vector<16xi32>
      %rev3A_318 = arith.subi %rev3A_316, %rev3A_317 : vector<16xi32>
      %rev3A_319 = tpu.dynamic_gather %masked_cumsum3A[%rev3A_318] in [0] : vector<16xi32>, vector<16xi32> -> vector<16xi32>
      %add3A_320 = vector.broadcast %select_n3A_303 : i32 to vector<16xi32>
      %add3A_321 = arith.addi %add3A_320, %rev3A_319 : vector<16xi32>
      %ge3A_322 = arith.constant 2048 : i32
      %ge3A_323 = vector.broadcast %ge3A_322 : i32 to vector<16xi32>
      %ge3A_324 = arith.cmpi sge, %add3A_321, %ge3A_323 : vector<16xi32>
      %all_reduce_population_count3A = tpu.all_reduce %ge3A_324 {dim = 0 : i64, kind = #tpu.reduction_kind<sum>} : vector<16xi1> -> vector<16xi32>
      %reduce_max3A = arith.constant true
      %reduce_max3A_325 = vector.broadcast %reduce_max3A : i1 to vector<16xi1>
      %reduce_max3A_326 = arith.constant -2147483648 : i32
      %reduce_max3A_327 = vector.broadcast %reduce_max3A_326 : i32 to vector<16xi32>
      %reduce_max3A_328 = arith.xori %all_reduce_population_count3A, %reduce_max3A_327 : vector<16xi32>
      %reduce_max3A_329 = tpu.scan <max>, %reduce_max3A_328 masked %reduce_max3A_325 : vector<16xi32>, vector<16xi1> -> vector<16xi32>
      %reduce_max3A_330 = arith.xori %reduce_max3A_329, %reduce_max3A_327 : vector<16xi32>
      %reduce_max3A_331 = vector.extract %reduce_max3A_330[15] : i32 from vector<16xi32>
      %sub3A = arith.constant 1 : i32
      %sub3A_332 = arith.subi %reduce_max3A_331, %sub3A : i32
      %iota3A_333 = tpu.iota {dimensions = array<i32: 0>} : vector<16xi32>
      %eq3A = vector.broadcast %sub3A_332 : i32 to vector<16xi32>
      %eq3A_334 = arith.cmpi eq, %iota3A_333, %eq3A : vector<16xi32>
      %broadcast_in_dim3A_335 = arith.constant 0 : i32
      %broadcast_in_dim3A_336 = vector.broadcast %broadcast_in_dim3A_335 : i32 to vector<16xi32>
      %select_n3A_337 = arith.select %eq3A_334, %gather3A, %broadcast_in_dim3A_336 : vector<16xi1>, vector<16xi32>
      %reduce_sum3A_338 = arith.constant true
      %reduce_sum3A_339 = vector.broadcast %reduce_sum3A_338 : i1 to vector<16xi1>
      %reduce_sum3A_340 = tpu.scan <sum>, %select_n3A_337 masked %reduce_sum3A_339 : vector<16xi32>, vector<16xi1> -> vector<16xi32>
      %reduce_sum3A_341 = vector.extract %reduce_sum3A_340[15] : i32 from vector<16xi32>
      %select_n3A_342 = arith.select %eq3A_334, %rev3A_319, %broadcast_in_dim3A_336 : vector<16xi1>, vector<16xi32>
      %reduce_sum3A_343 = arith.constant true
      %reduce_sum3A_344 = vector.broadcast %reduce_sum3A_343 : i1 to vector<16xi1>
      %reduce_sum3A_345 = tpu.scan <sum>, %select_n3A_342 masked %reduce_sum3A_344 : vector<16xi32>, vector<16xi1> -> vector<16xi32>
      %reduce_sum3A_346 = vector.extract %reduce_sum3A_345[15] : i32 from vector<16xi32>
      %add3A_347 = arith.addi %select_n3A_303, %reduce_sum3A_346 : i32
      %sub3A_348 = arith.subi %add3A_347, %reduce_sum3A_341 : i32
      %sub3A_349 = arith.constant 2048 : i32
      %sub3A_350 = arith.subi %sub3A_349, %sub3A_348 : i32
      %mul3A_351 = arith.constant 16 : i32
      %mul3A_352 = arith.muli %select_n3A_302, %mul3A_351 : i32
      %add3A_353 = arith.addi %mul3A_352, %sub3A_332 : i32
      %broadcast_in_dim3A_354 = arith.constant 0 : i32
      %broadcast_in_dim3A_355 = vector.broadcast %broadcast_in_dim3A_354 : i32 to vector<16xi32>
      %swap3A_356 = arith.constant 0 : index
      %swap3A_357 = tpu.vector_load %arg7[%swap3A_356] {strides = array<i32>} : memref<256xi32, #tpu.memory_space<vmem>>, vector<16xi32>,
      tpu.vector_store %arg7[%swap3A_356], %broadcast_in_dim3A_355 {strides = array<i32>} : memref<256xi32, #tpu.memory_space<vmem>>, vector<16xi32>,
      %swap3A_358 = arith.constant 16 : index
      %swap3A_359 = tpu.vector_load %arg7[%swap3A_358] {strides = array<i32>} : memref<256xi32, #tpu.memory_space<vmem>>, vector<16xi32>,
      tpu.vector_store %arg7[%swap3A_358], %broadcast_in_dim3A_355 {strides = array<i32>} : memref<256xi32, #tpu.memory_space<vmem>>, vector<16xi32>,
      %swap3A_360 = arith.constant 32 : index
      %swap3A_361 = tpu.vector_load %arg7[%swap3A_360] {strides = array<i32>} : memref<256xi32, #tpu.memory_space<vmem>>, vector<16xi32>,
      tpu.vector_store %arg7[%swap3A_360], %broadcast_in_dim3A_355 {strides = array<i32>} : memref<256xi32, #tpu.memory_space<vmem>>, vector<16xi32>,
      %swap3A_362 = arith.constant 48 : index
      %swap3A_363 = tpu.vector_load %arg7[%swap3A_362] {strides = array<i32>} : memref<256xi32, #tpu.memory_space<vmem>>, vector<16xi32>,
      tpu.vector_store %arg7[%swap3A_362], %broadcast_in_dim3A_355 {strides = array<i32>} : memref<256xi32, #tpu.memory_space<vmem>>, vector<16xi32>,
      %swap3A_364 = arith.constant 64 : index
      %swap3A_365 = tpu.vector_load %arg7[%swap3A_364] {strides = array<i32>} : memref<256xi32, #tpu.memory_space<vmem>>, vector<16xi32>,
      tpu.vector_store %arg7[%swap3A_364], %broadcast_in_dim3A_355 {strides = array<i32>} : memref<256xi32, #tpu.memory_space<vmem>>, vector<16xi32>,
      %swap3A_366 = arith.constant 80 : index
      %swap3A_367 = tpu.vector_load %arg7[%swap3A_366] {strides = array<i32>} : memref<256xi32, #tpu.memory_space<vmem>>, vector<16xi32>,
      tpu.vector_store %arg7[%swap3A_366], %broadcast_in_dim3A_355 {strides = array<i32>} : memref<256xi32, #tpu.memory_space<vmem>>, vector<16xi32>,
      %swap3A_368 = arith.constant 96 : index
      %swap3A_369 = tpu.vector_load %arg7[%swap3A_368] {strides = array<i32>} : memref<256xi32, #tpu.memory_space<vmem>>, vector<16xi32>,
      tpu.vector_store %arg7[%swap3A_368], %broadcast_in_dim3A_355 {strides = array<i32>} : memref<256xi32, #tpu.memory_space<vmem>>, vector<16xi32>,
      %swap3A_370 = arith.constant 112 : index
      %swap3A_371 = tpu.vector_load %arg7[%swap3A_370] {strides = array<i32>} : memref<256xi32, #tpu.memory_space<vmem>>, vector<16xi32>,
      tpu.vector_store %arg7[%swap3A_370], %broadcast_in_dim3A_355 {strides = array<i32>} : memref<256xi32, #tpu.memory_space<vmem>>, vector<16xi32>,
      %swap3A_372 = arith.constant 128 : index
      %swap3A_373 = tpu.vector_load %arg7[%swap3A_372] {strides = array<i32>} : memref<256xi32, #tpu.memory_space<vmem>>, vector<16xi32>,
      tpu.vector_store %arg7[%swap3A_372], %broadcast_in_dim3A_355 {strides = array<i32>} : memref<256xi32, #tpu.memory_space<vmem>>, vector<16xi32>,
      %swap3A_374 = arith.constant 144 : index
      %swap3A_375 = tpu.vector_load %arg7[%swap3A_374] {strides = array<i32>} : memref<256xi32, #tpu.memory_space<vmem>>, vector<16xi32>,
      tpu.vector_store %arg7[%swap3A_374], %broadcast_in_dim3A_355 {strides = array<i32>} : memref<256xi32, #tpu.memory_space<vmem>>, vector<16xi32>,
      %swap3A_376 = arith.constant 160 : index
      %swap3A_377 = tpu.vector_load %arg7[%swap3A_376] {strides = array<i32>} : memref<256xi32, #tpu.memory_space<vmem>>, vector<16xi32>,
      tpu.vector_store %arg7[%swap3A_376], %broadcast_in_dim3A_355 {strides = array<i32>} : memref<256xi32, #tpu.memory_space<vmem>>, vector<16xi32>,
      %swap3A_378 = arith.constant 176 : index
      %swap3A_379 = tpu.vector_load %arg7[%swap3A_378] {strides = array<i32>} : memref<256xi32, #tpu.memory_space<vmem>>, vector<16xi32>,
      tpu.vector_store %arg7[%swap3A_378], %broadcast_in_dim3A_355 {strides = array<i32>} : memref<256xi32, #tpu.memory_space<vmem>>, vector<16xi32>,
      %swap3A_380 = arith.constant 192 : index
      %swap3A_381 = tpu.vector_load %arg7[%swap3A_380] {strides = array<i32>} : memref<256xi32, #tpu.memory_space<vmem>>, vector<16xi32>,
      tpu.vector_store %arg7[%swap3A_380], %broadcast_in_dim3A_355 {strides = array<i32>} : memref<256xi32, #tpu.memory_space<vmem>>, vector<16xi32>,
      %swap3A_382 = arith.constant 208 : index
      %swap3A_383 = tpu.vector_load %arg7[%swap3A_382] {strides = array<i32>} : memref<256xi32, #tpu.memory_space<vmem>>, vector<16xi32>,
      tpu.vector_store %arg7[%swap3A_382], %broadcast_in_dim3A_355 {strides = array<i32>} : memref<256xi32, #tpu.memory_space<vmem>>, vector<16xi32>,
      %swap3A_384 = arith.constant 224 : index
      %swap3A_385 = tpu.vector_load %arg7[%swap3A_384] {strides = array<i32>} : memref<256xi32, #tpu.memory_space<vmem>>, vector<16xi32>,
      tpu.vector_store %arg7[%swap3A_384], %broadcast_in_dim3A_355 {strides = array<i32>} : memref<256xi32, #tpu.memory_space<vmem>>, vector<16xi32>,
      %swap3A_386 = arith.constant 240 : index
      %swap3A_387 = tpu.vector_load %arg7[%swap3A_386] {strides = array<i32>} : memref<256xi32, #tpu.memory_space<vmem>>, vector<16xi32>,
      tpu.vector_store %arg7[%swap3A_386], %broadcast_in_dim3A_355 {strides = array<i32>} : memref<256xi32, #tpu.memory_space<vmem>>, vector<16xi32>,
      %broadcast_in_dim3A_388 = arith.constant 1 : i32
      %broadcast_in_dim3A_389 = vector.broadcast %broadcast_in_dim3A_388 : i32 to vector<16xi32>
      %scan3A_390 = arith.constant 0 : i32
      %scan3A_391 = arith.constant 0 : i32
      %scan3A_392 = arith.constant 32 : i32
      %scan3A_393 = arith.addi %scan3A_391, %scan3A_392 : i32
      %scan3A_394 = arith.constant 1 : i32
      scf.for %scan3A_1278 = %scan3A_391 to %scan3A_393 step %scan3A_394  : i32 {
        %mul3A_1279 = arith.constant 128 : i32
        %mul3A_1280 = arith.muli %scan3A_1278, %mul3A_1279 : i32
        %add3A_1281 = arith.constant 0 : i32
        %add3A_1282 = arith.addi %mul3A_1280, %add3A_1281 : i32
        %get3A_1283 = arith.index_cast %add3A_1282 : i32 to index
        %get3A_1284 = tpu.vector_load %arg5[%get3A_1283] {strides = array<i32>} : memref<4096xi32, #tpu.memory_space<vmem>>, vector<16xi32>,
        %shift_right_arithmetic3A = arith.constant 23 : i32
        %shift_right_arithmetic3A_1285 = vector.broadcast %shift_right_arithmetic3A : i32 to vector<16xi32>
        %shift_right_arithmetic3A_1286 = arith.shrsi %get3A_1284, %shift_right_arithmetic3A_1285 : vector<16xi32>
        %eq3A_1287 = vector.broadcast %add3A_353 : i32 to vector<16xi32>
        %eq3A_1288 = arith.cmpi eq, %shift_right_arithmetic3A_1286, %eq3A_1287 : vector<16xi32>
        %shift_right_arithmetic3A_1289 = arith.constant 15 : i32
        %shift_right_arithmetic3A_1290 = vector.broadcast %shift_right_arithmetic3A_1289 : i32 to vector<16xi32>
        %shift_right_arithmetic3A_1291 = arith.shrsi %get3A_1284, %shift_right_arithmetic3A_1290 : vector<16xi32>
        %and3A_1292 = arith.constant 255 : i32
        %and3A_1293 = vector.broadcast %and3A_1292 : i32 to vector<16xi32>
        %and3A_1294 = arith.andi %shift_right_arithmetic3A_1291, %and3A_1293 : vector<16xi32>
        tpu.vector_store_idx %arg7[%and3A_1294], %broadcast_in_dim3A_389 masked %eq3A_1288 {add = true} : memref<256xi32, #tpu.memory_space<vmem>>[vector<16xi32>], vector<16xi32>, vector<16xi1>
        %add3A_1295 = arith.constant 16 : i32
        %add3A_1296 = arith.addi %mul3A_1280, %add3A_1295 : i32
        %get3A_1297 = arith.index_cast %add3A_1296 : i32 to index
        %get3A_1298 = tpu.vector_load %arg5[%get3A_1297] {strides = array<i32>} : memref<4096xi32, #tpu.memory_space<vmem>>, vector<16xi32>,
        %shift_right_arithmetic3A_1299 = arith.constant 23 : i32
        %shift_right_arithmetic3A_1300 = vector.broadcast %shift_right_arithmetic3A_1299 : i32 to vector<16xi32>
        %shift_right_arithmetic3A_1301 = arith.shrsi %get3A_1298, %shift_right_arithmetic3A_1300 : vector<16xi32>
        %eq3A_1302 = vector.broadcast %add3A_353 : i32 to vector<16xi32>
        %eq3A_1303 = arith.cmpi eq, %shift_right_arithmetic3A_1301, %eq3A_1302 : vector<16xi32>
        %shift_right_arithmetic3A_1304 = arith.constant 15 : i32
        %shift_right_arithmetic3A_1305 = vector.broadcast %shift_right_arithmetic3A_1304 : i32 to vector<16xi32>
        %shift_right_arithmetic3A_1306 = arith.shrsi %get3A_1298, %shift_right_arithmetic3A_1305 : vector<16xi32>
        %and3A_1307 = arith.constant 255 : i32
        %and3A_1308 = vector.broadcast %and3A_1307 : i32 to vector<16xi32>
        %and3A_1309 = arith.andi %shift_right_arithmetic3A_1306, %and3A_1308 : vector<16xi32>
        tpu.vector_store_idx %arg7[%and3A_1309], %broadcast_in_dim3A_389 masked %eq3A_1303 {add = true} : memref<256xi32, #tpu.memory_space<vmem>>[vector<16xi32>], vector<16xi32>, vector<16xi1>
        %add3A_1310 = arith.constant 32 : i32
        %add3A_1311 = arith.addi %mul3A_1280, %add3A_1310 : i32
        %get3A_1312 = arith.index_cast %add3A_1311 : i32 to index
        %get3A_1313 = tpu.vector_load %arg5[%get3A_1312] {strides = array<i32>} : memref<4096xi32, #tpu.memory_space<vmem>>, vector<16xi32>,
        %shift_right_arithmetic3A_1314 = arith.constant 23 : i32
        %shift_right_arithmetic3A_1315 = vector.broadcast %shift_right_arithmetic3A_1314 : i32 to vector<16xi32>
        %shift_right_arithmetic3A_1316 = arith.shrsi %get3A_1313, %shift_right_arithmetic3A_1315 : vector<16xi32>
        %eq3A_1317 = vector.broadcast %add3A_353 : i32 to vector<16xi32>
        %eq3A_1318 = arith.cmpi eq, %shift_right_arithmetic3A_1316, %eq3A_1317 : vector<16xi32>
        %shift_right_arithmetic3A_1319 = arith.constant 15 : i32
        %shift_right_arithmetic3A_1320 = vector.broadcast %shift_right_arithmetic3A_1319 : i32 to vector<16xi32>
        %shift_right_arithmetic3A_1321 = arith.shrsi %get3A_1313, %shift_right_arithmetic3A_1320 : vector<16xi32>
        %and3A_1322 = arith.constant 255 : i32
        %and3A_1323 = vector.broadcast %and3A_1322 : i32 to vector<16xi32>
        %and3A_1324 = arith.andi %shift_right_arithmetic3A_1321, %and3A_1323 : vector<16xi32>
        tpu.vector_store_idx %arg7[%and3A_1324], %broadcast_in_dim3A_389 masked %eq3A_1318 {add = true} : memref<256xi32, #tpu.memory_space<vmem>>[vector<16xi32>], vector<16xi32>, vector<16xi1>
        %add3A_1325 = arith.constant 48 : i32
        %add3A_1326 = arith.addi %mul3A_1280, %add3A_1325 : i32
        %get3A_1327 = arith.index_cast %add3A_1326 : i32 to index
        %get3A_1328 = tpu.vector_load %arg5[%get3A_1327] {strides = array<i32>} : memref<4096xi32, #tpu.memory_space<vmem>>, vector<16xi32>,
        %shift_right_arithmetic3A_1329 = arith.constant 23 : i32
        %shift_right_arithmetic3A_1330 = vector.broadcast %shift_right_arithmetic3A_1329 : i32 to vector<16xi32>
        %shift_right_arithmetic3A_1331 = arith.shrsi %get3A_1328, %shift_right_arithmetic3A_1330 : vector<16xi32>
        %eq3A_1332 = vector.broadcast %add3A_353 : i32 to vector<16xi32>
        %eq3A_1333 = arith.cmpi eq, %shift_right_arithmetic3A_1331, %eq3A_1332 : vector<16xi32>
        %shift_right_arithmetic3A_1334 = arith.constant 15 : i32
        %shift_right_arithmetic3A_1335 = vector.broadcast %shift_right_arithmetic3A_1334 : i32 to vector<16xi32>
        %shift_right_arithmetic3A_1336 = arith.shrsi %get3A_1328, %shift_right_arithmetic3A_1335 : vector<16xi32>
        %and3A_1337 = arith.constant 255 : i32
        %and3A_1338 = vector.broadcast %and3A_1337 : i32 to vector<16xi32>
        %and3A_1339 = arith.andi %shift_right_arithmetic3A_1336, %and3A_1338 : vector<16xi32>
        tpu.vector_store_idx %arg7[%and3A_1339], %broadcast_in_dim3A_389 masked %eq3A_1333 {add = true} : memref<256xi32, #tpu.memory_space<vmem>>[vector<16xi32>], vector<16xi32>, vector<16xi1>
        %add3A_1340 = arith.constant 64 : i32
        %add3A_1341 = arith.addi %mul3A_1280, %add3A_1340 : i32
        %get3A_1342 = arith.index_cast %add3A_1341 : i32 to index
        %get3A_1343 = tpu.vector_load %arg5[%get3A_1342] {strides = array<i32>} : memref<4096xi32, #tpu.memory_space<vmem>>, vector<16xi32>,
        %shift_right_arithmetic3A_1344 = arith.constant 23 : i32
        %shift_right_arithmetic3A_1345 = vector.broadcast %shift_right_arithmetic3A_1344 : i32 to vector<16xi32>
        %shift_right_arithmetic3A_1346 = arith.shrsi %get3A_1343, %shift_right_arithmetic3A_1345 : vector<16xi32>
        %eq3A_1347 = vector.broadcast %add3A_353 : i32 to vector<16xi32>
        %eq3A_1348 = arith.cmpi eq, %shift_right_arithmetic3A_1346, %eq3A_1347 : vector<16xi32>
        %shift_right_arithmetic3A_1349 = arith.constant 15 : i32
        %shift_right_arithmetic3A_1350 = vector.broadcast %shift_right_arithmetic3A_1349 : i32 to vector<16xi32>
        %shift_right_arithmetic3A_1351 = arith.shrsi %get3A_1343, %shift_right_arithmetic3A_1350 : vector<16xi32>
        %and3A_1352 = arith.constant 255 : i32
        %and3A_1353 = vector.broadcast %and3A_1352 : i32 to vector<16xi32>
        %and3A_1354 = arith.andi %shift_right_arithmetic3A_1351, %and3A_1353 : vector<16xi32>
        tpu.vector_store_idx %arg7[%and3A_1354], %broadcast_in_dim3A_389 masked %eq3A_1348 {add = true} : memref<256xi32, #tpu.memory_space<vmem>>[vector<16xi32>], vector<16xi32>, vector<16xi1>
        %add3A_1355 = arith.constant 80 : i32
        %add3A_1356 = arith.addi %mul3A_1280, %add3A_1355 : i32
        %get3A_1357 = arith.index_cast %add3A_1356 : i32 to index
        %get3A_1358 = tpu.vector_load %arg5[%get3A_1357] {strides = array<i32>} : memref<4096xi32, #tpu.memory_space<vmem>>, vector<16xi32>,
        %shift_right_arithmetic3A_1359 = arith.constant 23 : i32
        %shift_right_arithmetic3A_1360 = vector.broadcast %shift_right_arithmetic3A_1359 : i32 to vector<16xi32>
        %shift_right_arithmetic3A_1361 = arith.shrsi %get3A_1358, %shift_right_arithmetic3A_1360 : vector<16xi32>
        %eq3A_1362 = vector.broadcast %add3A_353 : i32 to vector<16xi32>
        %eq3A_1363 = arith.cmpi eq, %shift_right_arithmetic3A_1361, %eq3A_1362 : vector<16xi32>
        %shift_right_arithmetic3A_1364 = arith.constant 15 : i32
        %shift_right_arithmetic3A_1365 = vector.broadcast %shift_right_arithmetic3A_1364 : i32 to vector<16xi32>
        %shift_right_arithmetic3A_1366 = arith.shrsi %get3A_1358, %shift_right_arithmetic3A_1365 : vector<16xi32>
        %and3A_1367 = arith.constant 255 : i32
        %and3A_1368 = vector.broadcast %and3A_1367 : i32 to vector<16xi32>
        %and3A_1369 = arith.andi %shift_right_arithmetic3A_1366, %and3A_1368 : vector<16xi32>
        tpu.vector_store_idx %arg7[%and3A_1369], %broadcast_in_dim3A_389 masked %eq3A_1363 {add = true} : memref<256xi32, #tpu.memory_space<vmem>>[vector<16xi32>], vector<16xi32>, vector<16xi1>
        %add3A_1370 = arith.constant 96 : i32
        %add3A_1371 = arith.addi %mul3A_1280, %add3A_1370 : i32
        %get3A_1372 = arith.index_cast %add3A_1371 : i32 to index
        %get3A_1373 = tpu.vector_load %arg5[%get3A_1372] {strides = array<i32>} : memref<4096xi32, #tpu.memory_space<vmem>>, vector<16xi32>,
        %shift_right_arithmetic3A_1374 = arith.constant 23 : i32
        %shift_right_arithmetic3A_1375 = vector.broadcast %shift_right_arithmetic3A_1374 : i32 to vector<16xi32>
        %shift_right_arithmetic3A_1376 = arith.shrsi %get3A_1373, %shift_right_arithmetic3A_1375 : vector<16xi32>
        %eq3A_1377 = vector.broadcast %add3A_353 : i32 to vector<16xi32>
        %eq3A_1378 = arith.cmpi eq, %shift_right_arithmetic3A_1376, %eq3A_1377 : vector<16xi32>
        %shift_right_arithmetic3A_1379 = arith.constant 15 : i32
        %shift_right_arithmetic3A_1380 = vector.broadcast %shift_right_arithmetic3A_1379 : i32 to vector<16xi32>
        %shift_right_arithmetic3A_1381 = arith.shrsi %get3A_1373, %shift_right_arithmetic3A_1380 : vector<16xi32>
        %and3A_1382 = arith.constant 255 : i32
        %and3A_1383 = vector.broadcast %and3A_1382 : i32 to vector<16xi32>
        %and3A_1384 = arith.andi %shift_right_arithmetic3A_1381, %and3A_1383 : vector<16xi32>
        tpu.vector_store_idx %arg7[%and3A_1384], %broadcast_in_dim3A_389 masked %eq3A_1378 {add = true} : memref<256xi32, #tpu.memory_space<vmem>>[vector<16xi32>], vector<16xi32>, vector<16xi1>
        %add3A_1385 = arith.constant 112 : i32
        %add3A_1386 = arith.addi %mul3A_1280, %add3A_1385 : i32
        %get3A_1387 = arith.index_cast %add3A_1386 : i32 to index
        %get3A_1388 = tpu.vector_load %arg5[%get3A_1387] {strides = array<i32>} : memref<4096xi32, #tpu.memory_space<vmem>>, vector<16xi32>,
        %shift_right_arithmetic3A_1389 = arith.constant 23 : i32
        %shift_right_arithmetic3A_1390 = vector.broadcast %shift_right_arithmetic3A_1389 : i32 to vector<16xi32>
        %shift_right_arithmetic3A_1391 = arith.shrsi %get3A_1388, %shift_right_arithmetic3A_1390 : vector<16xi32>
        %eq3A_1392 = vector.broadcast %add3A_353 : i32 to vector<16xi32>
        %eq3A_1393 = arith.cmpi eq, %shift_right_arithmetic3A_1391, %eq3A_1392 : vector<16xi32>
        %shift_right_arithmetic3A_1394 = arith.constant 15 : i32
        %shift_right_arithmetic3A_1395 = vector.broadcast %shift_right_arithmetic3A_1394 : i32 to vector<16xi32>
        %shift_right_arithmetic3A_1396 = arith.shrsi %get3A_1388, %shift_right_arithmetic3A_1395 : vector<16xi32>
        %and3A_1397 = arith.constant 255 : i32
        %and3A_1398 = vector.broadcast %and3A_1397 : i32 to vector<16xi32>
        %and3A_1399 = arith.andi %shift_right_arithmetic3A_1396, %and3A_1398 : vector<16xi32>
        tpu.vector_store_idx %arg7[%and3A_1399], %broadcast_in_dim3A_389 masked %eq3A_1393 {add = true} : memref<256xi32, #tpu.memory_space<vmem>>[vector<16xi32>], vector<16xi32>, vector<16xi1>
      }
      %scan3A_395 = arith.constant 32 : i32
      %get3A_396 = arith.constant 240 : index
      %get3A_397 = tpu.vector_load %arg7[%get3A_396] {strides = array<i32>} : memref<256xi32, #tpu.memory_space<vmem>>, vector<16xi32>,
      %reduce_sum3A_398 = arith.constant true
      %reduce_sum3A_399 = vector.broadcast %reduce_sum3A_398 : i1 to vector<16xi1>
      %reduce_sum3A_400 = tpu.scan <sum>, %get3A_397 masked %reduce_sum3A_399 : vector<16xi32>, vector<16xi1> -> vector<16xi32>
      %reduce_sum3A_401 = vector.extract %reduce_sum3A_400[15] : i32 from vector<16xi32>
      %lt3A_402 = arith.constant -1 : i32
      %lt3A_403 = arith.constant 0 : i32
      %lt3A_404 = arith.cmpi slt, %lt3A_402, %lt3A_403 : i32
      %add3A_405 = arith.constant 0 : i32
      %add3A_406 = arith.addi %add3A_405, %reduce_sum3A_401 : i32
      %ge3A_407 = arith.cmpi sge, %add3A_406, %sub3A_350 : i32
      %and3A_408 = arith.andi %lt3A_404, %ge3A_407 : i1
      %jit3A_409 = arith.constant 15 : i32
      %jit3A_410 = arith.constant -1 : i32
      %select_n3A_411 = arith.select %and3A_408, %jit3A_409, %jit3A_410 : i32
      %jit3A_412 = arith.constant 0 : i32
      %jit3A_413 = arith.constant 0 : i32
      %select_n3A_414 = arith.select %and3A_408, %jit3A_412, %jit3A_413 : i32
      %add3A_415 = arith.constant 0 : i32
      %add3A_416 = arith.addi %add3A_415, %reduce_sum3A_401 : i32
      %get3A_417 = arith.constant 224 : index
      %get3A_418 = tpu.vector_load %arg7[%get3A_417] {strides = array<i32>} : memref<256xi32, #tpu.memory_space<vmem>>, vector<16xi32>,
      %reduce_sum3A_419 = arith.constant true
      %reduce_sum3A_420 = vector.broadcast %reduce_sum3A_419 : i1 to vector<16xi1>
      %reduce_sum3A_421 = tpu.scan <sum>, %get3A_418 masked %reduce_sum3A_420 : vector<16xi32>, vector<16xi1> -> vector<16xi32>
      %reduce_sum3A_422 = vector.extract %reduce_sum3A_421[15] : i32 from vector<16xi32>
      %lt3A_423 = arith.constant 0 : i32
      %lt3A_424 = arith.cmpi slt, %select_n3A_411, %lt3A_423 : i32
      %add3A_425 = arith.addi %add3A_416, %reduce_sum3A_422 : i32
      %ge3A_426 = arith.cmpi sge, %add3A_425, %sub3A_350 : i32
      %and3A_427 = arith.andi %lt3A_424, %ge3A_426 : i1
      %jit3A_428 = arith.constant 14 : i32
      %select_n3A_429 = arith.select %and3A_427, %jit3A_428, %select_n3A_411 : i32
      %select_n3A_430 = arith.select %and3A_427, %add3A_416, %select_n3A_414 : i32
      %add3A_431 = arith.addi %add3A_416, %reduce_sum3A_422 : i32
      %get3A_432 = arith.constant 208 : index
      %get3A_433 = tpu.vector_load %arg7[%get3A_432] {strides = array<i32>} : memref<256xi32, #tpu.memory_space<vmem>>, vector<16xi32>,
      %reduce_sum3A_434 = arith.constant true
      %reduce_sum3A_435 = vector.broadcast %reduce_sum3A_434 : i1 to vector<16xi1>
      %reduce_sum3A_436 = tpu.scan <sum>, %get3A_433 masked %reduce_sum3A_435 : vector<16xi32>, vector<16xi1> -> vector<16xi32>
      %reduce_sum3A_437 = vector.extract %reduce_sum3A_436[15] : i32 from vector<16xi32>
      %lt3A_438 = arith.constant 0 : i32
      %lt3A_439 = arith.cmpi slt, %select_n3A_429, %lt3A_438 : i32
      %add3A_440 = arith.addi %add3A_431, %reduce_sum3A_437 : i32
      %ge3A_441 = arith.cmpi sge, %add3A_440, %sub3A_350 : i32
      %and3A_442 = arith.andi %lt3A_439, %ge3A_441 : i1
      %jit3A_443 = arith.constant 13 : i32
      %select_n3A_444 = arith.select %and3A_442, %jit3A_443, %select_n3A_429 : i32
      %select_n3A_445 = arith.select %and3A_442, %add3A_431, %select_n3A_430 : i32
      %add3A_446 = arith.addi %add3A_431, %reduce_sum3A_437 : i32
      %get3A_447 = arith.constant 192 : index
      %get3A_448 = tpu.vector_load %arg7[%get3A_447] {strides = array<i32>} : memref<256xi32, #tpu.memory_space<vmem>>, vector<16xi32>,
      %reduce_sum3A_449 = arith.constant true
      %reduce_sum3A_450 = vector.broadcast %reduce_sum3A_449 : i1 to vector<16xi1>
      %reduce_sum3A_451 = tpu.scan <sum>, %get3A_448 masked %reduce_sum3A_450 : vector<16xi32>, vector<16xi1> -> vector<16xi32>
      %reduce_sum3A_452 = vector.extract %reduce_sum3A_451[15] : i32 from vector<16xi32>
      %lt3A_453 = arith.constant 0 : i32
      %lt3A_454 = arith.cmpi slt, %select_n3A_444, %lt3A_453 : i32
      %add3A_455 = arith.addi %add3A_446, %reduce_sum3A_452 : i32
      %ge3A_456 = arith.cmpi sge, %add3A_455, %sub3A_350 : i32
      %and3A_457 = arith.andi %lt3A_454, %ge3A_456 : i1
      %jit3A_458 = arith.constant 12 : i32
      %select_n3A_459 = arith.select %and3A_457, %jit3A_458, %select_n3A_444 : i32
      %select_n3A_460 = arith.select %and3A_457, %add3A_446, %select_n3A_445 : i32
      %add3A_461 = arith.addi %add3A_446, %reduce_sum3A_452 : i32
      %get3A_462 = arith.constant 176 : index
      %get3A_463 = tpu.vector_load %arg7[%get3A_462] {strides = array<i32>} : memref<256xi32, #tpu.memory_space<vmem>>, vector<16xi32>,
      %reduce_sum3A_464 = arith.constant true
      %reduce_sum3A_465 = vector.broadcast %reduce_sum3A_464 : i1 to vector<16xi1>
      %reduce_sum3A_466 = tpu.scan <sum>, %get3A_463 masked %reduce_sum3A_465 : vector<16xi32>, vector<16xi1> -> vector<16xi32>
      %reduce_sum3A_467 = vector.extract %reduce_sum3A_466[15] : i32 from vector<16xi32>
      %lt3A_468 = arith.constant 0 : i32
      %lt3A_469 = arith.cmpi slt, %select_n3A_459, %lt3A_468 : i32
      %add3A_470 = arith.addi %add3A_461, %reduce_sum3A_467 : i32
      %ge3A_471 = arith.cmpi sge, %add3A_470, %sub3A_350 : i32
      %and3A_472 = arith.andi %lt3A_469, %ge3A_471 : i1
      %jit3A_473 = arith.constant 11 : i32
      %select_n3A_474 = arith.select %and3A_472, %jit3A_473, %select_n3A_459 : i32
      %select_n3A_475 = arith.select %and3A_472, %add3A_461, %select_n3A_460 : i32
      %add3A_476 = arith.addi %add3A_461, %reduce_sum3A_467 : i32
      %get3A_477 = arith.constant 160 : index
      %get3A_478 = tpu.vector_load %arg7[%get3A_477] {strides = array<i32>} : memref<256xi32, #tpu.memory_space<vmem>>, vector<16xi32>,
      %reduce_sum3A_479 = arith.constant true
      %reduce_sum3A_480 = vector.broadcast %reduce_sum3A_479 : i1 to vector<16xi1>
      %reduce_sum3A_481 = tpu.scan <sum>, %get3A_478 masked %reduce_sum3A_480 : vector<16xi32>, vector<16xi1> -> vector<16xi32>
      %reduce_sum3A_482 = vector.extract %reduce_sum3A_481[15] : i32 from vector<16xi32>
      %lt3A_483 = arith.constant 0 : i32
      %lt3A_484 = arith.cmpi slt, %select_n3A_474, %lt3A_483 : i32
      %add3A_485 = arith.addi %add3A_476, %reduce_sum3A_482 : i32
      %ge3A_486 = arith.cmpi sge, %add3A_485, %sub3A_350 : i32
      %and3A_487 = arith.andi %lt3A_484, %ge3A_486 : i1
      %jit3A_488 = arith.constant 10 : i32
      %select_n3A_489 = arith.select %and3A_487, %jit3A_488, %select_n3A_474 : i32
      %select_n3A_490 = arith.select %and3A_487, %add3A_476, %select_n3A_475 : i32
      %add3A_491 = arith.addi %add3A_476, %reduce_sum3A_482 : i32
      %get3A_492 = arith.constant 144 : index
      %get3A_493 = tpu.vector_load %arg7[%get3A_492] {strides = array<i32>} : memref<256xi32, #tpu.memory_space<vmem>>, vector<16xi32>,
      %reduce_sum3A_494 = arith.constant true
      %reduce_sum3A_495 = vector.broadcast %reduce_sum3A_494 : i1 to vector<16xi1>
      %reduce_sum3A_496 = tpu.scan <sum>, %get3A_493 masked %reduce_sum3A_495 : vector<16xi32>, vector<16xi1> -> vector<16xi32>
      %reduce_sum3A_497 = vector.extract %reduce_sum3A_496[15] : i32 from vector<16xi32>
      %lt3A_498 = arith.constant 0 : i32
      %lt3A_499 = arith.cmpi slt, %select_n3A_489, %lt3A_498 : i32
      %add3A_500 = arith.addi %add3A_491, %reduce_sum3A_497 : i32
      %ge3A_501 = arith.cmpi sge, %add3A_500, %sub3A_350 : i32
      %and3A_502 = arith.andi %lt3A_499, %ge3A_501 : i1
      %jit3A_503 = arith.constant 9 : i32
      %select_n3A_504 = arith.select %and3A_502, %jit3A_503, %select_n3A_489 : i32
      %select_n3A_505 = arith.select %and3A_502, %add3A_491, %select_n3A_490 : i32
      %add3A_506 = arith.addi %add3A_491, %reduce_sum3A_497 : i32
      %get3A_507 = arith.constant 128 : index
      %get3A_508 = tpu.vector_load %arg7[%get3A_507] {strides = array<i32>} : memref<256xi32, #tpu.memory_space<vmem>>, vector<16xi32>,
      %reduce_sum3A_509 = arith.constant true
      %reduce_sum3A_510 = vector.broadcast %reduce_sum3A_509 : i1 to vector<16xi1>
      %reduce_sum3A_511 = tpu.scan <sum>, %get3A_508 masked %reduce_sum3A_510 : vector<16xi32>, vector<16xi1> -> vector<16xi32>
      %reduce_sum3A_512 = vector.extract %reduce_sum3A_511[15] : i32 from vector<16xi32>
      %lt3A_513 = arith.constant 0 : i32
      %lt3A_514 = arith.cmpi slt, %select_n3A_504, %lt3A_513 : i32
      %add3A_515 = arith.addi %add3A_506, %reduce_sum3A_512 : i32
      %ge3A_516 = arith.cmpi sge, %add3A_515, %sub3A_350 : i32
      %and3A_517 = arith.andi %lt3A_514, %ge3A_516 : i1
      %jit3A_518 = arith.constant 8 : i32
      %select_n3A_519 = arith.select %and3A_517, %jit3A_518, %select_n3A_504 : i32
      %select_n3A_520 = arith.select %and3A_517, %add3A_506, %select_n3A_505 : i32
      %add3A_521 = arith.addi %add3A_506, %reduce_sum3A_512 : i32
      %get3A_522 = arith.constant 112 : index
      %get3A_523 = tpu.vector_load %arg7[%get3A_522] {strides = array<i32>} : memref<256xi32, #tpu.memory_space<vmem>>, vector<16xi32>,
      %reduce_sum3A_524 = arith.constant true
      %reduce_sum3A_525 = vector.broadcast %reduce_sum3A_524 : i1 to vector<16xi1>
      %reduce_sum3A_526 = tpu.scan <sum>, %get3A_523 masked %reduce_sum3A_525 : vector<16xi32>, vector<16xi1> -> vector<16xi32>
      %reduce_sum3A_527 = vector.extract %reduce_sum3A_526[15] : i32 from vector<16xi32>
      %lt3A_528 = arith.constant 0 : i32
      %lt3A_529 = arith.cmpi slt, %select_n3A_519, %lt3A_528 : i32
      %add3A_530 = arith.addi %add3A_521, %reduce_sum3A_527 : i32
      %ge3A_531 = arith.cmpi sge, %add3A_530, %sub3A_350 : i32
      %and3A_532 = arith.andi %lt3A_529, %ge3A_531 : i1
      %jit3A_533 = arith.constant 7 : i32
      %select_n3A_534 = arith.select %and3A_532, %jit3A_533, %select_n3A_519 : i32
      %select_n3A_535 = arith.select %and3A_532, %add3A_521, %select_n3A_520 : i32
      %add3A_536 = arith.addi %add3A_521, %reduce_sum3A_527 : i32
      %get3A_537 = arith.constant 96 : index
      %get3A_538 = tpu.vector_load %arg7[%get3A_537] {strides = array<i32>} : memref<256xi32, #tpu.memory_space<vmem>>, vector<16xi32>,
      %reduce_sum3A_539 = arith.constant true
      %reduce_sum3A_540 = vector.broadcast %reduce_sum3A_539 : i1 to vector<16xi1>
      %reduce_sum3A_541 = tpu.scan <sum>, %get3A_538 masked %reduce_sum3A_540 : vector<16xi32>, vector<16xi1> -> vector<16xi32>
      %reduce_sum3A_542 = vector.extract %reduce_sum3A_541[15] : i32 from vector<16xi32>
      %lt3A_543 = arith.constant 0 : i32
      %lt3A_544 = arith.cmpi slt, %select_n3A_534, %lt3A_543 : i32
      %add3A_545 = arith.addi %add3A_536, %reduce_sum3A_542 : i32
      %ge3A_546 = arith.cmpi sge, %add3A_545, %sub3A_350 : i32
      %and3A_547 = arith.andi %lt3A_544, %ge3A_546 : i1
      %jit3A_548 = arith.constant 6 : i32
      %select_n3A_549 = arith.select %and3A_547, %jit3A_548, %select_n3A_534 : i32
      %select_n3A_550 = arith.select %and3A_547, %add3A_536, %select_n3A_535 : i32
      %add3A_551 = arith.addi %add3A_536, %reduce_sum3A_542 : i32
      %get3A_552 = arith.constant 80 : index
      %get3A_553 = tpu.vector_load %arg7[%get3A_552] {strides = array<i32>} : memref<256xi32, #tpu.memory_space<vmem>>, vector<16xi32>,
      %reduce_sum3A_554 = arith.constant true
      %reduce_sum3A_555 = vector.broadcast %reduce_sum3A_554 : i1 to vector<16xi1>
      %reduce_sum3A_556 = tpu.scan <sum>, %get3A_553 masked %reduce_sum3A_555 : vector<16xi32>, vector<16xi1> -> vector<16xi32>
      %reduce_sum3A_557 = vector.extract %reduce_sum3A_556[15] : i32 from vector<16xi32>
      %lt3A_558 = arith.constant 0 : i32
      %lt3A_559 = arith.cmpi slt, %select_n3A_549, %lt3A_558 : i32
      %add3A_560 = arith.addi %add3A_551, %reduce_sum3A_557 : i32
      %ge3A_561 = arith.cmpi sge, %add3A_560, %sub3A_350 : i32
      %and3A_562 = arith.andi %lt3A_559, %ge3A_561 : i1
      %jit3A_563 = arith.constant 5 : i32
      %select_n3A_564 = arith.select %and3A_562, %jit3A_563, %select_n3A_549 : i32
      %select_n3A_565 = arith.select %and3A_562, %add3A_551, %select_n3A_550 : i32
      %add3A_566 = arith.addi %add3A_551, %reduce_sum3A_557 : i32
      %get3A_567 = arith.constant 64 : index
      %get3A_568 = tpu.vector_load %arg7[%get3A_567] {strides = array<i32>} : memref<256xi32, #tpu.memory_space<vmem>>, vector<16xi32>,
      %reduce_sum3A_569 = arith.constant true
      %reduce_sum3A_570 = vector.broadcast %reduce_sum3A_569 : i1 to vector<16xi1>
      %reduce_sum3A_571 = tpu.scan <sum>, %get3A_568 masked %reduce_sum3A_570 : vector<16xi32>, vector<16xi1> -> vector<16xi32>
      %reduce_sum3A_572 = vector.extract %reduce_sum3A_571[15] : i32 from vector<16xi32>
      %lt3A_573 = arith.constant 0 : i32
      %lt3A_574 = arith.cmpi slt, %select_n3A_564, %lt3A_573 : i32
      %add3A_575 = arith.addi %add3A_566, %reduce_sum3A_572 : i32
      %ge3A_576 = arith.cmpi sge, %add3A_575, %sub3A_350 : i32
      %and3A_577 = arith.andi %lt3A_574, %ge3A_576 : i1
      %jit3A_578 = arith.constant 4 : i32
      %select_n3A_579 = arith.select %and3A_577, %jit3A_578, %select_n3A_564 : i32
      %select_n3A_580 = arith.select %and3A_577, %add3A_566, %select_n3A_565 : i32
      %add3A_581 = arith.addi %add3A_566, %reduce_sum3A_572 : i32
      %get3A_582 = arith.constant 48 : index
      %get3A_583 = tpu.vector_load %arg7[%get3A_582] {strides = array<i32>} : memref<256xi32, #tpu.memory_space<vmem>>, vector<16xi32>,
      %reduce_sum3A_584 = arith.constant true
      %reduce_sum3A_585 = vector.broadcast %reduce_sum3A_584 : i1 to vector<16xi1>
      %reduce_sum3A_586 = tpu.scan <sum>, %get3A_583 masked %reduce_sum3A_585 : vector<16xi32>, vector<16xi1> -> vector<16xi32>
      %reduce_sum3A_587 = vector.extract %reduce_sum3A_586[15] : i32 from vector<16xi32>
      %lt3A_588 = arith.constant 0 : i32
      %lt3A_589 = arith.cmpi slt, %select_n3A_579, %lt3A_588 : i32
      %add3A_590 = arith.addi %add3A_581, %reduce_sum3A_587 : i32
      %ge3A_591 = arith.cmpi sge, %add3A_590, %sub3A_350 : i32
      %and3A_592 = arith.andi %lt3A_589, %ge3A_591 : i1
      %jit3A_593 = arith.constant 3 : i32
      %select_n3A_594 = arith.select %and3A_592, %jit3A_593, %select_n3A_579 : i32
      %select_n3A_595 = arith.select %and3A_592, %add3A_581, %select_n3A_580 : i32
      %add3A_596 = arith.addi %add3A_581, %reduce_sum3A_587 : i32
      %get3A_597 = arith.constant 32 : index
      %get3A_598 = tpu.vector_load %arg7[%get3A_597] {strides = array<i32>} : memref<256xi32, #tpu.memory_space<vmem>>, vector<16xi32>,
      %reduce_sum3A_599 = arith.constant true
      %reduce_sum3A_600 = vector.broadcast %reduce_sum3A_599 : i1 to vector<16xi1>
      %reduce_sum3A_601 = tpu.scan <sum>, %get3A_598 masked %reduce_sum3A_600 : vector<16xi32>, vector<16xi1> -> vector<16xi32>
      %reduce_sum3A_602 = vector.extract %reduce_sum3A_601[15] : i32 from vector<16xi32>
      %lt3A_603 = arith.constant 0 : i32
      %lt3A_604 = arith.cmpi slt, %select_n3A_594, %lt3A_603 : i32
      %add3A_605 = arith.addi %add3A_596, %reduce_sum3A_602 : i32
      %ge3A_606 = arith.cmpi sge, %add3A_605, %sub3A_350 : i32
      %and3A_607 = arith.andi %lt3A_604, %ge3A_606 : i1
      %jit3A_608 = arith.constant 2 : i32
      %select_n3A_609 = arith.select %and3A_607, %jit3A_608, %select_n3A_594 : i32
      %select_n3A_610 = arith.select %and3A_607, %add3A_596, %select_n3A_595 : i32
      %add3A_611 = arith.addi %add3A_596, %reduce_sum3A_602 : i32
      %get3A_612 = arith.constant 16 : index
      %get3A_613 = tpu.vector_load %arg7[%get3A_612] {strides = array<i32>} : memref<256xi32, #tpu.memory_space<vmem>>, vector<16xi32>,
      %reduce_sum3A_614 = arith.constant true
      %reduce_sum3A_615 = vector.broadcast %reduce_sum3A_614 : i1 to vector<16xi1>
      %reduce_sum3A_616 = tpu.scan <sum>, %get3A_613 masked %reduce_sum3A_615 : vector<16xi32>, vector<16xi1> -> vector<16xi32>
      %reduce_sum3A_617 = vector.extract %reduce_sum3A_616[15] : i32 from vector<16xi32>
      %lt3A_618 = arith.constant 0 : i32
      %lt3A_619 = arith.cmpi slt, %select_n3A_609, %lt3A_618 : i32
      %add3A_620 = arith.addi %add3A_611, %reduce_sum3A_617 : i32
      %ge3A_621 = arith.cmpi sge, %add3A_620, %sub3A_350 : i32
      %and3A_622 = arith.andi %lt3A_619, %ge3A_621 : i1
      %jit3A_623 = arith.constant 1 : i32
      %select_n3A_624 = arith.select %and3A_622, %jit3A_623, %select_n3A_609 : i32
      %select_n3A_625 = arith.select %and3A_622, %add3A_611, %select_n3A_610 : i32
      %add3A_626 = arith.addi %add3A_611, %reduce_sum3A_617 : i32
      %get3A_627 = arith.constant 0 : index
      %get3A_628 = tpu.vector_load %arg7[%get3A_627] {strides = array<i32>} : memref<256xi32, #tpu.memory_space<vmem>>, vector<16xi32>,
      %reduce_sum3A_629 = arith.constant true
      %reduce_sum3A_630 = vector.broadcast %reduce_sum3A_629 : i1 to vector<16xi1>
      %reduce_sum3A_631 = tpu.scan <sum>, %get3A_628 masked %reduce_sum3A_630 : vector<16xi32>, vector<16xi1> -> vector<16xi32>
      %reduce_sum3A_632 = vector.extract %reduce_sum3A_631[15] : i32 from vector<16xi32>
      %lt3A_633 = arith.constant 0 : i32
      %lt3A_634 = arith.cmpi slt, %select_n3A_624, %lt3A_633 : i32
      %add3A_635 = arith.addi %add3A_626, %reduce_sum3A_632 : i32
      %ge3A_636 = arith.cmpi sge, %add3A_635, %sub3A_350 : i32
      %and3A_637 = arith.andi %lt3A_634, %ge3A_636 : i1
      %jit3A_638 = arith.constant 0 : i32
      %select_n3A_639 = arith.select %and3A_637, %jit3A_638, %select_n3A_624 : i32
      %select_n3A_640 = arith.select %and3A_637, %add3A_626, %select_n3A_625 : i32
      %add3A_641 = arith.addi %add3A_626, %reduce_sum3A_632 : i32
      %mul3A_642 = arith.constant 16 : i32
      %mul3A_643 = arith.muli %select_n3A_639, %mul3A_642 : i32
      %iota3A_644 = tpu.iota {dimensions = array<i32: 0>} : vector<16xi32>
      %add3A_645 = vector.broadcast %mul3A_643 : i32 to vector<16xi32>
      %add3A_646 = arith.addi %add3A_645, %iota3A_644 : vector<16xi32>
      %gather3A_647 = tpu.vector_load_idx %arg7[%add3A_646] : memref<256xi32, #tpu.memory_space<vmem>>[vector<16xi32>], vector<16xi32>,
      %rev3A_648 = arith.constant 15 : i32
      %rev3A_649 = vector.broadcast %rev3A_648 : i32 to vector<16xi32>
      %rev3A_650 = tpu.iota {dimensions = array<i32: 0>} : vector<16xi32>
      %rev3A_651 = arith.subi %rev3A_649, %rev3A_650 : vector<16xi32>
      %rev3A_652 = tpu.dynamic_gather %gather3A_647[%rev3A_651] in [0] : vector<16xi32>, vector<16xi32> -> vector<16xi32>
      %broadcast_in_dim3A_653 = arith.constant true
      %broadcast_in_dim3A_654 = vector.broadcast %broadcast_in_dim3A_653 : i1 to vector<16xi1>
      %masked_cumsum3A_655 = tpu.scan <sum>, %rev3A_652 masked %broadcast_in_dim3A_654 : vector<16xi32>, vector<16xi1> -> vector<16xi32>
      %rev3A_656 = arith.constant 15 : i32
      %rev3A_657 = vector.broadcast %rev3A_656 : i32 to vector<16xi32>
      %rev3A_658 = tpu.iota {dimensions = array<i32: 0>} : vector<16xi32>
      %rev3A_659 = arith.subi %rev3A_657, %rev3A_658 : vector<16xi32>
      %rev3A_660 = tpu.dynamic_gather %masked_cumsum3A_655[%rev3A_659] in [0] : vector<16xi32>, vector<16xi32> -> vector<16xi32>
      %add3A_661 = vector.broadcast %select_n3A_640 : i32 to vector<16xi32>
      %add3A_662 = arith.addi %add3A_661, %rev3A_660 : vector<16xi32>
      %ge3A_663 = vector.broadcast %sub3A_350 : i32 to vector<16xi32>
      %ge3A_664 = arith.cmpi sge, %add3A_662, %ge3A_663 : vector<16xi32>
      %all_reduce_population_count3A_665 = tpu.all_reduce %ge3A_664 {dim = 0 : i64, kind = #tpu.reduction_kind<sum>} : vector<16xi1> -> vector<16xi32>
      %reduce_max3A_666 = arith.constant true
      %reduce_max3A_667 = vector.broadcast %reduce_max3A_666 : i1 to vector<16xi1>
      %reduce_max3A_668 = arith.constant -2147483648 : i32
      %reduce_max3A_669 = vector.broadcast %reduce_max3A_668 : i32 to vector<16xi32>
      %reduce_max3A_670 = arith.xori %all_reduce_population_count3A_665, %reduce_max3A_669 : vector<16xi32>
      %reduce_max3A_671 = tpu.scan <max>, %reduce_max3A_670 masked %reduce_max3A_667 : vector<16xi32>, vector<16xi1> -> vector<16xi32>
      %reduce_max3A_672 = arith.xori %reduce_max3A_671, %reduce_max3A_669 : vector<16xi32>
      %reduce_max3A_673 = vector.extract %reduce_max3A_672[15] : i32 from vector<16xi32>
      %sub3A_674 = arith.constant 1 : i32
      %sub3A_675 = arith.subi %reduce_max3A_673, %sub3A_674 : i32
      %iota3A_676 = tpu.iota {dimensions = array<i32: 0>} : vector<16xi32>
      %eq3A_677 = vector.broadcast %sub3A_675 : i32 to vector<16xi32>
      %eq3A_678 = arith.cmpi eq, %iota3A_676, %eq3A_677 : vector<16xi32>
      %broadcast_in_dim3A_679 = arith.constant 0 : i32
      %broadcast_in_dim3A_680 = vector.broadcast %broadcast_in_dim3A_679 : i32 to vector<16xi32>
      %select_n3A_681 = arith.select %eq3A_678, %gather3A_647, %broadcast_in_dim3A_680 : vector<16xi1>, vector<16xi32>
      %reduce_sum3A_682 = arith.constant true
      %reduce_sum3A_683 = vector.broadcast %reduce_sum3A_682 : i1 to vector<16xi1>
      %reduce_sum3A_684 = tpu.scan <sum>, %select_n3A_681 masked %reduce_sum3A_683 : vector<16xi32>, vector<16xi1> -> vector<16xi32>
      %reduce_sum3A_685 = vector.extract %reduce_sum3A_684[15] : i32 from vector<16xi32>
      %select_n3A_686 = arith.select %eq3A_678, %rev3A_660, %broadcast_in_dim3A_680 : vector<16xi1>, vector<16xi32>
      %reduce_sum3A_687 = arith.constant true
      %reduce_sum3A_688 = vector.broadcast %reduce_sum3A_687 : i1 to vector<16xi1>
      %reduce_sum3A_689 = tpu.scan <sum>, %select_n3A_686 masked %reduce_sum3A_688 : vector<16xi32>, vector<16xi1> -> vector<16xi32>
      %reduce_sum3A_690 = vector.extract %reduce_sum3A_689[15] : i32 from vector<16xi32>
      %add3A_691 = arith.addi %select_n3A_640, %reduce_sum3A_690 : i32
      %sub3A_692 = arith.subi %add3A_691, %reduce_sum3A_685 : i32
      %sub3A_693 = arith.subi %sub3A_350, %sub3A_692 : i32
      %mul3A_694 = arith.constant 16 : i32
      %mul3A_695 = arith.muli %select_n3A_639, %mul3A_694 : i32
      %add3A_696 = arith.addi %mul3A_695, %sub3A_675 : i32
      %shift_left3A = arith.constant 8 : i32
      %shift_left3A_697 = arith.shli %add3A_353, %shift_left3A : i32
      %or3A = arith.ori %shift_left3A_697, %add3A_696 : i32
      %broadcast_in_dim3A_698 = arith.constant 0 : i32
      %broadcast_in_dim3A_699 = vector.broadcast %broadcast_in_dim3A_698 : i32 to vector<16xi32>
      %swap3A_700 = arith.constant 0 : index
      %swap3A_701 = tpu.vector_load %arg7[%swap3A_700] {strides = array<i32>} : memref<256xi32, #tpu.memory_space<vmem>>, vector<16xi32>,
      tpu.vector_store %arg7[%swap3A_700], %broadcast_in_dim3A_699 {strides = array<i32>} : memref<256xi32, #tpu.memory_space<vmem>>, vector<16xi32>,
      %swap3A_702 = arith.constant 16 : index
      %swap3A_703 = tpu.vector_load %arg7[%swap3A_702] {strides = array<i32>} : memref<256xi32, #tpu.memory_space<vmem>>, vector<16xi32>,
      tpu.vector_store %arg7[%swap3A_702], %broadcast_in_dim3A_699 {strides = array<i32>} : memref<256xi32, #tpu.memory_space<vmem>>, vector<16xi32>,
      %swap3A_704 = arith.constant 32 : index
      %swap3A_705 = tpu.vector_load %arg7[%swap3A_704] {strides = array<i32>} : memref<256xi32, #tpu.memory_space<vmem>>, vector<16xi32>,
      tpu.vector_store %arg7[%swap3A_704], %broadcast_in_dim3A_699 {strides = array<i32>} : memref<256xi32, #tpu.memory_space<vmem>>, vector<16xi32>,
      %swap3A_706 = arith.constant 48 : index
      %swap3A_707 = tpu.vector_load %arg7[%swap3A_706] {strides = array<i32>} : memref<256xi32, #tpu.memory_space<vmem>>, vector<16xi32>,
      tpu.vector_store %arg7[%swap3A_706], %broadcast_in_dim3A_699 {strides = array<i32>} : memref<256xi32, #tpu.memory_space<vmem>>, vector<16xi32>,
      %swap3A_708 = arith.constant 64 : index
      %swap3A_709 = tpu.vector_load %arg7[%swap3A_708] {strides = array<i32>} : memref<256xi32, #tpu.memory_space<vmem>>, vector<16xi32>,
      tpu.vector_store %arg7[%swap3A_708], %broadcast_in_dim3A_699 {strides = array<i32>} : memref<256xi32, #tpu.memory_space<vmem>>, vector<16xi32>,
      %swap3A_710 = arith.constant 80 : index
      %swap3A_711 = tpu.vector_load %arg7[%swap3A_710] {strides = array<i32>} : memref<256xi32, #tpu.memory_space<vmem>>, vector<16xi32>,
      tpu.vector_store %arg7[%swap3A_710], %broadcast_in_dim3A_699 {strides = array<i32>} : memref<256xi32, #tpu.memory_space<vmem>>, vector<16xi32>,
      %swap3A_712 = arith.constant 96 : index
      %swap3A_713 = tpu.vector_load %arg7[%swap3A_712] {strides = array<i32>} : memref<256xi32, #tpu.memory_space<vmem>>, vector<16xi32>,
      tpu.vector_store %arg7[%swap3A_712], %broadcast_in_dim3A_699 {strides = array<i32>} : memref<256xi32, #tpu.memory_space<vmem>>, vector<16xi32>,
      %swap3A_714 = arith.constant 112 : index
      %swap3A_715 = tpu.vector_load %arg7[%swap3A_714] {strides = array<i32>} : memref<256xi32, #tpu.memory_space<vmem>>, vector<16xi32>,
      tpu.vector_store %arg7[%swap3A_714], %broadcast_in_dim3A_699 {strides = array<i32>} : memref<256xi32, #tpu.memory_space<vmem>>, vector<16xi32>,
      %swap3A_716 = arith.constant 128 : index
      %swap3A_717 = tpu.vector_load %arg7[%swap3A_716] {strides = array<i32>} : memref<256xi32, #tpu.memory_space<vmem>>, vector<16xi32>,
      tpu.vector_store %arg7[%swap3A_716], %broadcast_in_dim3A_699 {strides = array<i32>} : memref<256xi32, #tpu.memory_space<vmem>>, vector<16xi32>,
      %swap3A_718 = arith.constant 144 : index
      %swap3A_719 = tpu.vector_load %arg7[%swap3A_718] {strides = array<i32>} : memref<256xi32, #tpu.memory_space<vmem>>, vector<16xi32>,
      tpu.vector_store %arg7[%swap3A_718], %broadcast_in_dim3A_699 {strides = array<i32>} : memref<256xi32, #tpu.memory_space<vmem>>, vector<16xi32>,
      %swap3A_720 = arith.constant 160 : index
      %swap3A_721 = tpu.vector_load %arg7[%swap3A_720] {strides = array<i32>} : memref<256xi32, #tpu.memory_space<vmem>>, vector<16xi32>,
      tpu.vector_store %arg7[%swap3A_720], %broadcast_in_dim3A_699 {strides = array<i32>} : memref<256xi32, #tpu.memory_space<vmem>>, vector<16xi32>,
      %swap3A_722 = arith.constant 176 : index
      %swap3A_723 = tpu.vector_load %arg7[%swap3A_722] {strides = array<i32>} : memref<256xi32, #tpu.memory_space<vmem>>, vector<16xi32>,
      tpu.vector_store %arg7[%swap3A_722], %broadcast_in_dim3A_699 {strides = array<i32>} : memref<256xi32, #tpu.memory_space<vmem>>, vector<16xi32>,
      %swap3A_724 = arith.constant 192 : index
      %swap3A_725 = tpu.vector_load %arg7[%swap3A_724] {strides = array<i32>} : memref<256xi32, #tpu.memory_space<vmem>>, vector<16xi32>,
      tpu.vector_store %arg7[%swap3A_724], %broadcast_in_dim3A_699 {strides = array<i32>} : memref<256xi32, #tpu.memory_space<vmem>>, vector<16xi32>,
      %swap3A_726 = arith.constant 208 : index
      %swap3A_727 = tpu.vector_load %arg7[%swap3A_726] {strides = array<i32>} : memref<256xi32, #tpu.memory_space<vmem>>, vector<16xi32>,
      tpu.vector_store %arg7[%swap3A_726], %broadcast_in_dim3A_699 {strides = array<i32>} : memref<256xi32, #tpu.memory_space<vmem>>, vector<16xi32>,
      %swap3A_728 = arith.constant 224 : index
      %swap3A_729 = tpu.vector_load %arg7[%swap3A_728] {strides = array<i32>} : memref<256xi32, #tpu.memory_space<vmem>>, vector<16xi32>,
      tpu.vector_store %arg7[%swap3A_728], %broadcast_in_dim3A_699 {strides = array<i32>} : memref<256xi32, #tpu.memory_space<vmem>>, vector<16xi32>,
      %swap3A_730 = arith.constant 240 : index
      %swap3A_731 = tpu.vector_load %arg7[%swap3A_730] {strides = array<i32>} : memref<256xi32, #tpu.memory_space<vmem>>, vector<16xi32>,
      tpu.vector_store %arg7[%swap3A_730], %broadcast_in_dim3A_699 {strides = array<i32>} : memref<256xi32, #tpu.memory_space<vmem>>, vector<16xi32>,
      %broadcast_in_dim3A_732 = arith.constant 1 : i32
      %broadcast_in_dim3A_733 = vector.broadcast %broadcast_in_dim3A_732 : i32 to vector<16xi32>
      %scan3A_734 = arith.constant 0 : i32
      %scan3A_735 = arith.constant 0 : i32
      %scan3A_736 = arith.constant 32 : i32
      %scan3A_737 = arith.addi %scan3A_735, %scan3A_736 : i32
      %scan3A_738 = arith.constant 1 : i32
      scf.for %scan3A_1278 = %scan3A_735 to %scan3A_737 step %scan3A_738  : i32 {
        %mul3A_1279 = arith.constant 128 : i32
        %mul3A_1280 = arith.muli %scan3A_1278, %mul3A_1279 : i32
        %add3A_1281 = arith.constant 0 : i32
        %add3A_1282 = arith.addi %mul3A_1280, %add3A_1281 : i32
        %get3A_1283 = arith.index_cast %add3A_1282 : i32 to index
        %get3A_1284 = tpu.vector_load %arg5[%get3A_1283] {strides = array<i32>} : memref<4096xi32, #tpu.memory_space<vmem>>, vector<16xi32>,
        %shift_right_arithmetic3A = arith.constant 15 : i32
        %shift_right_arithmetic3A_1285 = vector.broadcast %shift_right_arithmetic3A : i32 to vector<16xi32>
        %shift_right_arithmetic3A_1286 = arith.shrsi %get3A_1284, %shift_right_arithmetic3A_1285 : vector<16xi32>
        %eq3A_1287 = vector.broadcast %or3A : i32 to vector<16xi32>
        %eq3A_1288 = arith.cmpi eq, %shift_right_arithmetic3A_1286, %eq3A_1287 : vector<16xi32>
        %shift_right_arithmetic3A_1289 = arith.constant 7 : i32
        %shift_right_arithmetic3A_1290 = vector.broadcast %shift_right_arithmetic3A_1289 : i32 to vector<16xi32>
        %shift_right_arithmetic3A_1291 = arith.shrsi %get3A_1284, %shift_right_arithmetic3A_1290 : vector<16xi32>
        %and3A_1292 = arith.constant 255 : i32
        %and3A_1293 = vector.broadcast %and3A_1292 : i32 to vector<16xi32>
        %and3A_1294 = arith.andi %shift_right_arithmetic3A_1291, %and3A_1293 : vector<16xi32>
        tpu.vector_store_idx %arg7[%and3A_1294], %broadcast_in_dim3A_733 masked %eq3A_1288 {add = true} : memref<256xi32, #tpu.memory_space<vmem>>[vector<16xi32>], vector<16xi32>, vector<16xi1>
        %add3A_1295 = arith.constant 16 : i32
        %add3A_1296 = arith.addi %mul3A_1280, %add3A_1295 : i32
        %get3A_1297 = arith.index_cast %add3A_1296 : i32 to index
        %get3A_1298 = tpu.vector_load %arg5[%get3A_1297] {strides = array<i32>} : memref<4096xi32, #tpu.memory_space<vmem>>, vector<16xi32>,
        %shift_right_arithmetic3A_1299 = arith.constant 15 : i32
        %shift_right_arithmetic3A_1300 = vector.broadcast %shift_right_arithmetic3A_1299 : i32 to vector<16xi32>
        %shift_right_arithmetic3A_1301 = arith.shrsi %get3A_1298, %shift_right_arithmetic3A_1300 : vector<16xi32>
        %eq3A_1302 = vector.broadcast %or3A : i32 to vector<16xi32>
        %eq3A_1303 = arith.cmpi eq, %shift_right_arithmetic3A_1301, %eq3A_1302 : vector<16xi32>
        %shift_right_arithmetic3A_1304 = arith.constant 7 : i32
        %shift_right_arithmetic3A_1305 = vector.broadcast %shift_right_arithmetic3A_1304 : i32 to vector<16xi32>
        %shift_right_arithmetic3A_1306 = arith.shrsi %get3A_1298, %shift_right_arithmetic3A_1305 : vector<16xi32>
        %and3A_1307 = arith.constant 255 : i32
        %and3A_1308 = vector.broadcast %and3A_1307 : i32 to vector<16xi32>
        %and3A_1309 = arith.andi %shift_right_arithmetic3A_1306, %and3A_1308 : vector<16xi32>
        tpu.vector_store_idx %arg7[%and3A_1309], %broadcast_in_dim3A_733 masked %eq3A_1303 {add = true} : memref<256xi32, #tpu.memory_space<vmem>>[vector<16xi32>], vector<16xi32>, vector<16xi1>
        %add3A_1310 = arith.constant 32 : i32
        %add3A_1311 = arith.addi %mul3A_1280, %add3A_1310 : i32
        %get3A_1312 = arith.index_cast %add3A_1311 : i32 to index
        %get3A_1313 = tpu.vector_load %arg5[%get3A_1312] {strides = array<i32>} : memref<4096xi32, #tpu.memory_space<vmem>>, vector<16xi32>,
        %shift_right_arithmetic3A_1314 = arith.constant 15 : i32
        %shift_right_arithmetic3A_1315 = vector.broadcast %shift_right_arithmetic3A_1314 : i32 to vector<16xi32>
        %shift_right_arithmetic3A_1316 = arith.shrsi %get3A_1313, %shift_right_arithmetic3A_1315 : vector<16xi32>
        %eq3A_1317 = vector.broadcast %or3A : i32 to vector<16xi32>
        %eq3A_1318 = arith.cmpi eq, %shift_right_arithmetic3A_1316, %eq3A_1317 : vector<16xi32>
        %shift_right_arithmetic3A_1319 = arith.constant 7 : i32
        %shift_right_arithmetic3A_1320 = vector.broadcast %shift_right_arithmetic3A_1319 : i32 to vector<16xi32>
        %shift_right_arithmetic3A_1321 = arith.shrsi %get3A_1313, %shift_right_arithmetic3A_1320 : vector<16xi32>
        %and3A_1322 = arith.constant 255 : i32
        %and3A_1323 = vector.broadcast %and3A_1322 : i32 to vector<16xi32>
        %and3A_1324 = arith.andi %shift_right_arithmetic3A_1321, %and3A_1323 : vector<16xi32>
        tpu.vector_store_idx %arg7[%and3A_1324], %broadcast_in_dim3A_733 masked %eq3A_1318 {add = true} : memref<256xi32, #tpu.memory_space<vmem>>[vector<16xi32>], vector<16xi32>, vector<16xi1>
        %add3A_1325 = arith.constant 48 : i32
        %add3A_1326 = arith.addi %mul3A_1280, %add3A_1325 : i32
        %get3A_1327 = arith.index_cast %add3A_1326 : i32 to index
        %get3A_1328 = tpu.vector_load %arg5[%get3A_1327] {strides = array<i32>} : memref<4096xi32, #tpu.memory_space<vmem>>, vector<16xi32>,
        %shift_right_arithmetic3A_1329 = arith.constant 15 : i32
        %shift_right_arithmetic3A_1330 = vector.broadcast %shift_right_arithmetic3A_1329 : i32 to vector<16xi32>
        %shift_right_arithmetic3A_1331 = arith.shrsi %get3A_1328, %shift_right_arithmetic3A_1330 : vector<16xi32>
        %eq3A_1332 = vector.broadcast %or3A : i32 to vector<16xi32>
        %eq3A_1333 = arith.cmpi eq, %shift_right_arithmetic3A_1331, %eq3A_1332 : vector<16xi32>
        %shift_right_arithmetic3A_1334 = arith.constant 7 : i32
        %shift_right_arithmetic3A_1335 = vector.broadcast %shift_right_arithmetic3A_1334 : i32 to vector<16xi32>
        %shift_right_arithmetic3A_1336 = arith.shrsi %get3A_1328, %shift_right_arithmetic3A_1335 : vector<16xi32>
        %and3A_1337 = arith.constant 255 : i32
        %and3A_1338 = vector.broadcast %and3A_1337 : i32 to vector<16xi32>
        %and3A_1339 = arith.andi %shift_right_arithmetic3A_1336, %and3A_1338 : vector<16xi32>
        tpu.vector_store_idx %arg7[%and3A_1339], %broadcast_in_dim3A_733 masked %eq3A_1333 {add = true} : memref<256xi32, #tpu.memory_space<vmem>>[vector<16xi32>], vector<16xi32>, vector<16xi1>
        %add3A_1340 = arith.constant 64 : i32
        %add3A_1341 = arith.addi %mul3A_1280, %add3A_1340 : i32
        %get3A_1342 = arith.index_cast %add3A_1341 : i32 to index
        %get3A_1343 = tpu.vector_load %arg5[%get3A_1342] {strides = array<i32>} : memref<4096xi32, #tpu.memory_space<vmem>>, vector<16xi32>,
        %shift_right_arithmetic3A_1344 = arith.constant 15 : i32
        %shift_right_arithmetic3A_1345 = vector.broadcast %shift_right_arithmetic3A_1344 : i32 to vector<16xi32>
        %shift_right_arithmetic3A_1346 = arith.shrsi %get3A_1343, %shift_right_arithmetic3A_1345 : vector<16xi32>
        %eq3A_1347 = vector.broadcast %or3A : i32 to vector<16xi32>
        %eq3A_1348 = arith.cmpi eq, %shift_right_arithmetic3A_1346, %eq3A_1347 : vector<16xi32>
        %shift_right_arithmetic3A_1349 = arith.constant 7 : i32
        %shift_right_arithmetic3A_1350 = vector.broadcast %shift_right_arithmetic3A_1349 : i32 to vector<16xi32>
        %shift_right_arithmetic3A_1351 = arith.shrsi %get3A_1343, %shift_right_arithmetic3A_1350 : vector<16xi32>
        %and3A_1352 = arith.constant 255 : i32
        %and3A_1353 = vector.broadcast %and3A_1352 : i32 to vector<16xi32>
        %and3A_1354 = arith.andi %shift_right_arithmetic3A_1351, %and3A_1353 : vector<16xi32>
        tpu.vector_store_idx %arg7[%and3A_1354], %broadcast_in_dim3A_733 masked %eq3A_1348 {add = true} : memref<256xi32, #tpu.memory_space<vmem>>[vector<16xi32>], vector<16xi32>, vector<16xi1>
        %add3A_1355 = arith.constant 80 : i32
        %add3A_1356 = arith.addi %mul3A_1280, %add3A_1355 : i32
        %get3A_1357 = arith.index_cast %add3A_1356 : i32 to index
        %get3A_1358 = tpu.vector_load %arg5[%get3A_1357] {strides = array<i32>} : memref<4096xi32, #tpu.memory_space<vmem>>, vector<16xi32>,
        %shift_right_arithmetic3A_1359 = arith.constant 15 : i32
        %shift_right_arithmetic3A_1360 = vector.broadcast %shift_right_arithmetic3A_1359 : i32 to vector<16xi32>
        %shift_right_arithmetic3A_1361 = arith.shrsi %get3A_1358, %shift_right_arithmetic3A_1360 : vector<16xi32>
        %eq3A_1362 = vector.broadcast %or3A : i32 to vector<16xi32>
        %eq3A_1363 = arith.cmpi eq, %shift_right_arithmetic3A_1361, %eq3A_1362 : vector<16xi32>
        %shift_right_arithmetic3A_1364 = arith.constant 7 : i32
        %shift_right_arithmetic3A_1365 = vector.broadcast %shift_right_arithmetic3A_1364 : i32 to vector<16xi32>
        %shift_right_arithmetic3A_1366 = arith.shrsi %get3A_1358, %shift_right_arithmetic3A_1365 : vector<16xi32>
        %and3A_1367 = arith.constant 255 : i32
        %and3A_1368 = vector.broadcast %and3A_1367 : i32 to vector<16xi32>
        %and3A_1369 = arith.andi %shift_right_arithmetic3A_1366, %and3A_1368 : vector<16xi32>
        tpu.vector_store_idx %arg7[%and3A_1369], %broadcast_in_dim3A_733 masked %eq3A_1363 {add = true} : memref<256xi32, #tpu.memory_space<vmem>>[vector<16xi32>], vector<16xi32>, vector<16xi1>
        %add3A_1370 = arith.constant 96 : i32
        %add3A_1371 = arith.addi %mul3A_1280, %add3A_1370 : i32
        %get3A_1372 = arith.index_cast %add3A_1371 : i32 to index
        %get3A_1373 = tpu.vector_load %arg5[%get3A_1372] {strides = array<i32>} : memref<4096xi32, #tpu.memory_space<vmem>>, vector<16xi32>,
        %shift_right_arithmetic3A_1374 = arith.constant 15 : i32
        %shift_right_arithmetic3A_1375 = vector.broadcast %shift_right_arithmetic3A_1374 : i32 to vector<16xi32>
        %shift_right_arithmetic3A_1376 = arith.shrsi %get3A_1373, %shift_right_arithmetic3A_1375 : vector<16xi32>
        %eq3A_1377 = vector.broadcast %or3A : i32 to vector<16xi32>
        %eq3A_1378 = arith.cmpi eq, %shift_right_arithmetic3A_1376, %eq3A_1377 : vector<16xi32>
        %shift_right_arithmetic3A_1379 = arith.constant 7 : i32
        %shift_right_arithmetic3A_1380 = vector.broadcast %shift_right_arithmetic3A_1379 : i32 to vector<16xi32>
        %shift_right_arithmetic3A_1381 = arith.shrsi %get3A_1373, %shift_right_arithmetic3A_1380 : vector<16xi32>
        %and3A_1382 = arith.constant 255 : i32
        %and3A_1383 = vector.broadcast %and3A_1382 : i32 to vector<16xi32>
        %and3A_1384 = arith.andi %shift_right_arithmetic3A_1381, %and3A_1383 : vector<16xi32>
        tpu.vector_store_idx %arg7[%and3A_1384], %broadcast_in_dim3A_733 masked %eq3A_1378 {add = true} : memref<256xi32, #tpu.memory_space<vmem>>[vector<16xi32>], vector<16xi32>, vector<16xi1>
        %add3A_1385 = arith.constant 112 : i32
        %add3A_1386 = arith.addi %mul3A_1280, %add3A_1385 : i32
        %get3A_1387 = arith.index_cast %add3A_1386 : i32 to index
        %get3A_1388 = tpu.vector_load %arg5[%get3A_1387] {strides = array<i32>} : memref<4096xi32, #tpu.memory_space<vmem>>, vector<16xi32>,
        %shift_right_arithmetic3A_1389 = arith.constant 15 : i32
        %shift_right_arithmetic3A_1390 = vector.broadcast %shift_right_arithmetic3A_1389 : i32 to vector<16xi32>
        %shift_right_arithmetic3A_1391 = arith.shrsi %get3A_1388, %shift_right_arithmetic3A_1390 : vector<16xi32>
        %eq3A_1392 = vector.broadcast %or3A : i32 to vector<16xi32>
        %eq3A_1393 = arith.cmpi eq, %shift_right_arithmetic3A_1391, %eq3A_1392 : vector<16xi32>
        %shift_right_arithmetic3A_1394 = arith.constant 7 : i32
        %shift_right_arithmetic3A_1395 = vector.broadcast %shift_right_arithmetic3A_1394 : i32 to vector<16xi32>
        %shift_right_arithmetic3A_1396 = arith.shrsi %get3A_1388, %shift_right_arithmetic3A_1395 : vector<16xi32>
        %and3A_1397 = arith.constant 255 : i32
        %and3A_1398 = vector.broadcast %and3A_1397 : i32 to vector<16xi32>
        %and3A_1399 = arith.andi %shift_right_arithmetic3A_1396, %and3A_1398 : vector<16xi32>
        tpu.vector_store_idx %arg7[%and3A_1399], %broadcast_in_dim3A_733 masked %eq3A_1393 {add = true} : memref<256xi32, #tpu.memory_space<vmem>>[vector<16xi32>], vector<16xi32>, vector<16xi1>
      }
      %scan3A_739 = arith.constant 32 : i32
      %get3A_740 = arith.constant 240 : index
      %get3A_741 = tpu.vector_load %arg7[%get3A_740] {strides = array<i32>} : memref<256xi32, #tpu.memory_space<vmem>>, vector<16xi32>,
      %reduce_sum3A_742 = arith.constant true
      %reduce_sum3A_743 = vector.broadcast %reduce_sum3A_742 : i1 to vector<16xi1>
      %reduce_sum3A_744 = tpu.scan <sum>, %get3A_741 masked %reduce_sum3A_743 : vector<16xi32>, vector<16xi1> -> vector<16xi32>
      %reduce_sum3A_745 = vector.extract %reduce_sum3A_744[15] : i32 from vector<16xi32>
      %lt3A_746 = arith.constant -1 : i32
      %lt3A_747 = arith.constant 0 : i32
      %lt3A_748 = arith.cmpi slt, %lt3A_746, %lt3A_747 : i32
      %add3A_749 = arith.constant 0 : i32
      %add3A_750 = arith.addi %add3A_749, %reduce_sum3A_745 : i32
      %ge3A_751 = arith.cmpi sge, %add3A_750, %sub3A_693 : i32
      %and3A_752 = arith.andi %lt3A_748, %ge3A_751 : i1
      %jit3A_753 = arith.constant 15 : i32
      %jit3A_754 = arith.constant -1 : i32
      %select_n3A_755 = arith.select %and3A_752, %jit3A_753, %jit3A_754 : i32
      %jit3A_756 = arith.constant 0 : i32
      %jit3A_757 = arith.constant 0 : i32
      %select_n3A_758 = arith.select %and3A_752, %jit3A_756, %jit3A_757 : i32
      %add3A_759 = arith.constant 0 : i32
      %add3A_760 = arith.addi %add3A_759, %reduce_sum3A_745 : i32
      %get3A_761 = arith.constant 224 : index
      %get3A_762 = tpu.vector_load %arg7[%get3A_761] {strides = array<i32>} : memref<256xi32, #tpu.memory_space<vmem>>, vector<16xi32>,
      %reduce_sum3A_763 = arith.constant true
      %reduce_sum3A_764 = vector.broadcast %reduce_sum3A_763 : i1 to vector<16xi1>
      %reduce_sum3A_765 = tpu.scan <sum>, %get3A_762 masked %reduce_sum3A_764 : vector<16xi32>, vector<16xi1> -> vector<16xi32>
      %reduce_sum3A_766 = vector.extract %reduce_sum3A_765[15] : i32 from vector<16xi32>
      %lt3A_767 = arith.constant 0 : i32
      %lt3A_768 = arith.cmpi slt, %select_n3A_755, %lt3A_767 : i32
      %add3A_769 = arith.addi %add3A_760, %reduce_sum3A_766 : i32
      %ge3A_770 = arith.cmpi sge, %add3A_769, %sub3A_693 : i32
      %and3A_771 = arith.andi %lt3A_768, %ge3A_770 : i1
      %jit3A_772 = arith.constant 14 : i32
      %select_n3A_773 = arith.select %and3A_771, %jit3A_772, %select_n3A_755 : i32
      %select_n3A_774 = arith.select %and3A_771, %add3A_760, %select_n3A_758 : i32
      %add3A_775 = arith.addi %add3A_760, %reduce_sum3A_766 : i32
      %get3A_776 = arith.constant 208 : index
      %get3A_777 = tpu.vector_load %arg7[%get3A_776] {strides = array<i32>} : memref<256xi32, #tpu.memory_space<vmem>>, vector<16xi32>,
      %reduce_sum3A_778 = arith.constant true
      %reduce_sum3A_779 = vector.broadcast %reduce_sum3A_778 : i1 to vector<16xi1>
      %reduce_sum3A_780 = tpu.scan <sum>, %get3A_777 masked %reduce_sum3A_779 : vector<16xi32>, vector<16xi1> -> vector<16xi32>
      %reduce_sum3A_781 = vector.extract %reduce_sum3A_780[15] : i32 from vector<16xi32>
      %lt3A_782 = arith.constant 0 : i32
      %lt3A_783 = arith.cmpi slt, %select_n3A_773, %lt3A_782 : i32
      %add3A_784 = arith.addi %add3A_775, %reduce_sum3A_781 : i32
      %ge3A_785 = arith.cmpi sge, %add3A_784, %sub3A_693 : i32
      %and3A_786 = arith.andi %lt3A_783, %ge3A_785 : i1
      %jit3A_787 = arith.constant 13 : i32
      %select_n3A_788 = arith.select %and3A_786, %jit3A_787, %select_n3A_773 : i32
      %select_n3A_789 = arith.select %and3A_786, %add3A_775, %select_n3A_774 : i32
      %add3A_790 = arith.addi %add3A_775, %reduce_sum3A_781 : i32
      %get3A_791 = arith.constant 192 : index
      %get3A_792 = tpu.vector_load %arg7[%get3A_791] {strides = array<i32>} : memref<256xi32, #tpu.memory_space<vmem>>, vector<16xi32>,
      %reduce_sum3A_793 = arith.constant true
      %reduce_sum3A_794 = vector.broadcast %reduce_sum3A_793 : i1 to vector<16xi1>
      %reduce_sum3A_795 = tpu.scan <sum>, %get3A_792 masked %reduce_sum3A_794 : vector<16xi32>, vector<16xi1> -> vector<16xi32>
      %reduce_sum3A_796 = vector.extract %reduce_sum3A_795[15] : i32 from vector<16xi32>
      %lt3A_797 = arith.constant 0 : i32
      %lt3A_798 = arith.cmpi slt, %select_n3A_788, %lt3A_797 : i32
      %add3A_799 = arith.addi %add3A_790, %reduce_sum3A_796 : i32
      %ge3A_800 = arith.cmpi sge, %add3A_799, %sub3A_693 : i32
      %and3A_801 = arith.andi %lt3A_798, %ge3A_800 : i1
      %jit3A_802 = arith.constant 12 : i32
      %select_n3A_803 = arith.select %and3A_801, %jit3A_802, %select_n3A_788 : i32
      %select_n3A_804 = arith.select %and3A_801, %add3A_790, %select_n3A_789 : i32
      %add3A_805 = arith.addi %add3A_790, %reduce_sum3A_796 : i32
      %get3A_806 = arith.constant 176 : index
      %get3A_807 = tpu.vector_load %arg7[%get3A_806] {strides = array<i32>} : memref<256xi32, #tpu.memory_space<vmem>>, vector<16xi32>,
      %reduce_sum3A_808 = arith.constant true
      %reduce_sum3A_809 = vector.broadcast %reduce_sum3A_808 : i1 to vector<16xi1>
      %reduce_sum3A_810 = tpu.scan <sum>, %get3A_807 masked %reduce_sum3A_809 : vector<16xi32>, vector<16xi1> -> vector<16xi32>
      %reduce_sum3A_811 = vector.extract %reduce_sum3A_810[15] : i32 from vector<16xi32>
      %lt3A_812 = arith.constant 0 : i32
      %lt3A_813 = arith.cmpi slt, %select_n3A_803, %lt3A_812 : i32
      %add3A_814 = arith.addi %add3A_805, %reduce_sum3A_811 : i32
      %ge3A_815 = arith.cmpi sge, %add3A_814, %sub3A_693 : i32
      %and3A_816 = arith.andi %lt3A_813, %ge3A_815 : i1
      %jit3A_817 = arith.constant 11 : i32
      %select_n3A_818 = arith.select %and3A_816, %jit3A_817, %select_n3A_803 : i32
      %select_n3A_819 = arith.select %and3A_816, %add3A_805, %select_n3A_804 : i32
      %add3A_820 = arith.addi %add3A_805, %reduce_sum3A_811 : i32
      %get3A_821 = arith.constant 160 : index
      %get3A_822 = tpu.vector_load %arg7[%get3A_821] {strides = array<i32>} : memref<256xi32, #tpu.memory_space<vmem>>, vector<16xi32>,
      %reduce_sum3A_823 = arith.constant true
      %reduce_sum3A_824 = vector.broadcast %reduce_sum3A_823 : i1 to vector<16xi1>
      %reduce_sum3A_825 = tpu.scan <sum>, %get3A_822 masked %reduce_sum3A_824 : vector<16xi32>, vector<16xi1> -> vector<16xi32>
      %reduce_sum3A_826 = vector.extract %reduce_sum3A_825[15] : i32 from vector<16xi32>
      %lt3A_827 = arith.constant 0 : i32
      %lt3A_828 = arith.cmpi slt, %select_n3A_818, %lt3A_827 : i32
      %add3A_829 = arith.addi %add3A_820, %reduce_sum3A_826 : i32
      %ge3A_830 = arith.cmpi sge, %add3A_829, %sub3A_693 : i32
      %and3A_831 = arith.andi %lt3A_828, %ge3A_830 : i1
      %jit3A_832 = arith.constant 10 : i32
      %select_n3A_833 = arith.select %and3A_831, %jit3A_832, %select_n3A_818 : i32
      %select_n3A_834 = arith.select %and3A_831, %add3A_820, %select_n3A_819 : i32
      %add3A_835 = arith.addi %add3A_820, %reduce_sum3A_826 : i32
      %get3A_836 = arith.constant 144 : index
      %get3A_837 = tpu.vector_load %arg7[%get3A_836] {strides = array<i32>} : memref<256xi32, #tpu.memory_space<vmem>>, vector<16xi32>,
      %reduce_sum3A_838 = arith.constant true
      %reduce_sum3A_839 = vector.broadcast %reduce_sum3A_838 : i1 to vector<16xi1>
      %reduce_sum3A_840 = tpu.scan <sum>, %get3A_837 masked %reduce_sum3A_839 : vector<16xi32>, vector<16xi1> -> vector<16xi32>
      %reduce_sum3A_841 = vector.extract %reduce_sum3A_840[15] : i32 from vector<16xi32>
      %lt3A_842 = arith.constant 0 : i32
      %lt3A_843 = arith.cmpi slt, %select_n3A_833, %lt3A_842 : i32
      %add3A_844 = arith.addi %add3A_835, %reduce_sum3A_841 : i32
      %ge3A_845 = arith.cmpi sge, %add3A_844, %sub3A_693 : i32
      %and3A_846 = arith.andi %lt3A_843, %ge3A_845 : i1
      %jit3A_847 = arith.constant 9 : i32
      %select_n3A_848 = arith.select %and3A_846, %jit3A_847, %select_n3A_833 : i32
      %select_n3A_849 = arith.select %and3A_846, %add3A_835, %select_n3A_834 : i32
      %add3A_850 = arith.addi %add3A_835, %reduce_sum3A_841 : i32
      %get3A_851 = arith.constant 128 : index
      %get3A_852 = tpu.vector_load %arg7[%get3A_851] {strides = array<i32>} : memref<256xi32, #tpu.memory_space<vmem>>, vector<16xi32>,
      %reduce_sum3A_853 = arith.constant true
      %reduce_sum3A_854 = vector.broadcast %reduce_sum3A_853 : i1 to vector<16xi1>
      %reduce_sum3A_855 = tpu.scan <sum>, %get3A_852 masked %reduce_sum3A_854 : vector<16xi32>, vector<16xi1> -> vector<16xi32>
      %reduce_sum3A_856 = vector.extract %reduce_sum3A_855[15] : i32 from vector<16xi32>
      %lt3A_857 = arith.constant 0 : i32
      %lt3A_858 = arith.cmpi slt, %select_n3A_848, %lt3A_857 : i32
      %add3A_859 = arith.addi %add3A_850, %reduce_sum3A_856 : i32
      %ge3A_860 = arith.cmpi sge, %add3A_859, %sub3A_693 : i32
      %and3A_861 = arith.andi %lt3A_858, %ge3A_860 : i1
      %jit3A_862 = arith.constant 8 : i32
      %select_n3A_863 = arith.select %and3A_861, %jit3A_862, %select_n3A_848 : i32
      %select_n3A_864 = arith.select %and3A_861, %add3A_850, %select_n3A_849 : i32
      %add3A_865 = arith.addi %add3A_850, %reduce_sum3A_856 : i32
      %get3A_866 = arith.constant 112 : index
      %get3A_867 = tpu.vector_load %arg7[%get3A_866] {strides = array<i32>} : memref<256xi32, #tpu.memory_space<vmem>>, vector<16xi32>,
      %reduce_sum3A_868 = arith.constant true
      %reduce_sum3A_869 = vector.broadcast %reduce_sum3A_868 : i1 to vector<16xi1>
      %reduce_sum3A_870 = tpu.scan <sum>, %get3A_867 masked %reduce_sum3A_869 : vector<16xi32>, vector<16xi1> -> vector<16xi32>
      %reduce_sum3A_871 = vector.extract %reduce_sum3A_870[15] : i32 from vector<16xi32>
      %lt3A_872 = arith.constant 0 : i32
      %lt3A_873 = arith.cmpi slt, %select_n3A_863, %lt3A_872 : i32
      %add3A_874 = arith.addi %add3A_865, %reduce_sum3A_871 : i32
      %ge3A_875 = arith.cmpi sge, %add3A_874, %sub3A_693 : i32
      %and3A_876 = arith.andi %lt3A_873, %ge3A_875 : i1
      %jit3A_877 = arith.constant 7 : i32
      %select_n3A_878 = arith.select %and3A_876, %jit3A_877, %select_n3A_863 : i32
      %select_n3A_879 = arith.select %and3A_876, %add3A_865, %select_n3A_864 : i32
      %add3A_880 = arith.addi %add3A_865, %reduce_sum3A_871 : i32
      %get3A_881 = arith.constant 96 : index
      %get3A_882 = tpu.vector_load %arg7[%get3A_881] {strides = array<i32>} : memref<256xi32, #tpu.memory_space<vmem>>, vector<16xi32>,
      %reduce_sum3A_883 = arith.constant true
      %reduce_sum3A_884 = vector.broadcast %reduce_sum3A_883 : i1 to vector<16xi1>
      %reduce_sum3A_885 = tpu.scan <sum>, %get3A_882 masked %reduce_sum3A_884 : vector<16xi32>, vector<16xi1> -> vector<16xi32>
      %reduce_sum3A_886 = vector.extract %reduce_sum3A_885[15] : i32 from vector<16xi32>
      %lt3A_887 = arith.constant 0 : i32
      %lt3A_888 = arith.cmpi slt, %select_n3A_878, %lt3A_887 : i32
      %add3A_889 = arith.addi %add3A_880, %reduce_sum3A_886 : i32
      %ge3A_890 = arith.cmpi sge, %add3A_889, %sub3A_693 : i32
      %and3A_891 = arith.andi %lt3A_888, %ge3A_890 : i1
      %jit3A_892 = arith.constant 6 : i32
      %select_n3A_893 = arith.select %and3A_891, %jit3A_892, %select_n3A_878 : i32
      %select_n3A_894 = arith.select %and3A_891, %add3A_880, %select_n3A_879 : i32
      %add3A_895 = arith.addi %add3A_880, %reduce_sum3A_886 : i32
      %get3A_896 = arith.constant 80 : index
      %get3A_897 = tpu.vector_load %arg7[%get3A_896] {strides = array<i32>} : memref<256xi32, #tpu.memory_space<vmem>>, vector<16xi32>,
      %reduce_sum3A_898 = arith.constant true
      %reduce_sum3A_899 = vector.broadcast %reduce_sum3A_898 : i1 to vector<16xi1>
      %reduce_sum3A_900 = tpu.scan <sum>, %get3A_897 masked %reduce_sum3A_899 : vector<16xi32>, vector<16xi1> -> vector<16xi32>
      %reduce_sum3A_901 = vector.extract %reduce_sum3A_900[15] : i32 from vector<16xi32>
      %lt3A_902 = arith.constant 0 : i32
      %lt3A_903 = arith.cmpi slt, %select_n3A_893, %lt3A_902 : i32
      %add3A_904 = arith.addi %add3A_895, %reduce_sum3A_901 : i32
      %ge3A_905 = arith.cmpi sge, %add3A_904, %sub3A_693 : i32
      %and3A_906 = arith.andi %lt3A_903, %ge3A_905 : i1
      %jit3A_907 = arith.constant 5 : i32
      %select_n3A_908 = arith.select %and3A_906, %jit3A_907, %select_n3A_893 : i32
      %select_n3A_909 = arith.select %and3A_906, %add3A_895, %select_n3A_894 : i32
      %add3A_910 = arith.addi %add3A_895, %reduce_sum3A_901 : i32
      %get3A_911 = arith.constant 64 : index
      %get3A_912 = tpu.vector_load %arg7[%get3A_911] {strides = array<i32>} : memref<256xi32, #tpu.memory_space<vmem>>, vector<16xi32>,
      %reduce_sum3A_913 = arith.constant true
      %reduce_sum3A_914 = vector.broadcast %reduce_sum3A_913 : i1 to vector<16xi1>
      %reduce_sum3A_915 = tpu.scan <sum>, %get3A_912 masked %reduce_sum3A_914 : vector<16xi32>, vector<16xi1> -> vector<16xi32>
      %reduce_sum3A_916 = vector.extract %reduce_sum3A_915[15] : i32 from vector<16xi32>
      %lt3A_917 = arith.constant 0 : i32
      %lt3A_918 = arith.cmpi slt, %select_n3A_908, %lt3A_917 : i32
      %add3A_919 = arith.addi %add3A_910, %reduce_sum3A_916 : i32
      %ge3A_920 = arith.cmpi sge, %add3A_919, %sub3A_693 : i32
      %and3A_921 = arith.andi %lt3A_918, %ge3A_920 : i1
      %jit3A_922 = arith.constant 4 : i32
      %select_n3A_923 = arith.select %and3A_921, %jit3A_922, %select_n3A_908 : i32
      %select_n3A_924 = arith.select %and3A_921, %add3A_910, %select_n3A_909 : i32
      %add3A_925 = arith.addi %add3A_910, %reduce_sum3A_916 : i32
      %get3A_926 = arith.constant 48 : index
      %get3A_927 = tpu.vector_load %arg7[%get3A_926] {strides = array<i32>} : memref<256xi32, #tpu.memory_space<vmem>>, vector<16xi32>,
      %reduce_sum3A_928 = arith.constant true
      %reduce_sum3A_929 = vector.broadcast %reduce_sum3A_928 : i1 to vector<16xi1>
      %reduce_sum3A_930 = tpu.scan <sum>, %get3A_927 masked %reduce_sum3A_929 : vector<16xi32>, vector<16xi1> -> vector<16xi32>
      %reduce_sum3A_931 = vector.extract %reduce_sum3A_930[15] : i32 from vector<16xi32>
      %lt3A_932 = arith.constant 0 : i32
      %lt3A_933 = arith.cmpi slt, %select_n3A_923, %lt3A_932 : i32
      %add3A_934 = arith.addi %add3A_925, %reduce_sum3A_931 : i32
      %ge3A_935 = arith.cmpi sge, %add3A_934, %sub3A_693 : i32
      %and3A_936 = arith.andi %lt3A_933, %ge3A_935 : i1
      %jit3A_937 = arith.constant 3 : i32
      %select_n3A_938 = arith.select %and3A_936, %jit3A_937, %select_n3A_923 : i32
      %select_n3A_939 = arith.select %and3A_936, %add3A_925, %select_n3A_924 : i32
      %add3A_940 = arith.addi %add3A_925, %reduce_sum3A_931 : i32
      %get3A_941 = arith.constant 32 : index
      %get3A_942 = tpu.vector_load %arg7[%get3A_941] {strides = array<i32>} : memref<256xi32, #tpu.memory_space<vmem>>, vector<16xi32>,
      %reduce_sum3A_943 = arith.constant true
      %reduce_sum3A_944 = vector.broadcast %reduce_sum3A_943 : i1 to vector<16xi1>
      %reduce_sum3A_945 = tpu.scan <sum>, %get3A_942 masked %reduce_sum3A_944 : vector<16xi32>, vector<16xi1> -> vector<16xi32>
      %reduce_sum3A_946 = vector.extract %reduce_sum3A_945[15] : i32 from vector<16xi32>
      %lt3A_947 = arith.constant 0 : i32
      %lt3A_948 = arith.cmpi slt, %select_n3A_938, %lt3A_947 : i32
      %add3A_949 = arith.addi %add3A_940, %reduce_sum3A_946 : i32
      %ge3A_950 = arith.cmpi sge, %add3A_949, %sub3A_693 : i32
      %and3A_951 = arith.andi %lt3A_948, %ge3A_950 : i1
      %jit3A_952 = arith.constant 2 : i32
      %select_n3A_953 = arith.select %and3A_951, %jit3A_952, %select_n3A_938 : i32
      %select_n3A_954 = arith.select %and3A_951, %add3A_940, %select_n3A_939 : i32
      %add3A_955 = arith.addi %add3A_940, %reduce_sum3A_946 : i32
      %get3A_956 = arith.constant 16 : index
      %get3A_957 = tpu.vector_load %arg7[%get3A_956] {strides = array<i32>} : memref<256xi32, #tpu.memory_space<vmem>>, vector<16xi32>,
      %reduce_sum3A_958 = arith.constant true
      %reduce_sum3A_959 = vector.broadcast %reduce_sum3A_958 : i1 to vector<16xi1>
      %reduce_sum3A_960 = tpu.scan <sum>, %get3A_957 masked %reduce_sum3A_959 : vector<16xi32>, vector<16xi1> -> vector<16xi32>
      %reduce_sum3A_961 = vector.extract %reduce_sum3A_960[15] : i32 from vector<16xi32>
      %lt3A_962 = arith.constant 0 : i32
      %lt3A_963 = arith.cmpi slt, %select_n3A_953, %lt3A_962 : i32
      %add3A_964 = arith.addi %add3A_955, %reduce_sum3A_961 : i32
      %ge3A_965 = arith.cmpi sge, %add3A_964, %sub3A_693 : i32
      %and3A_966 = arith.andi %lt3A_963, %ge3A_965 : i1
      %jit3A_967 = arith.constant 1 : i32
      %select_n3A_968 = arith.select %and3A_966, %jit3A_967, %select_n3A_953 : i32
      %select_n3A_969 = arith.select %and3A_966, %add3A_955, %select_n3A_954 : i32
      %add3A_970 = arith.addi %add3A_955, %reduce_sum3A_961 : i32
      %get3A_971 = arith.constant 0 : index
      %get3A_972 = tpu.vector_load %arg7[%get3A_971] {strides = array<i32>} : memref<256xi32, #tpu.memory_space<vmem>>, vector<16xi32>,
      %reduce_sum3A_973 = arith.constant true
      %reduce_sum3A_974 = vector.broadcast %reduce_sum3A_973 : i1 to vector<16xi1>
      %reduce_sum3A_975 = tpu.scan <sum>, %get3A_972 masked %reduce_sum3A_974 : vector<16xi32>, vector<16xi1> -> vector<16xi32>
      %reduce_sum3A_976 = vector.extract %reduce_sum3A_975[15] : i32 from vector<16xi32>
      %lt3A_977 = arith.constant 0 : i32
      %lt3A_978 = arith.cmpi slt, %select_n3A_968, %lt3A_977 : i32
      %add3A_979 = arith.addi %add3A_970, %reduce_sum3A_976 : i32
      %ge3A_980 = arith.cmpi sge, %add3A_979, %sub3A_693 : i32
      %and3A_981 = arith.andi %lt3A_978, %ge3A_980 : i1
      %jit3A_982 = arith.constant 0 : i32
      %select_n3A_983 = arith.select %and3A_981, %jit3A_982, %select_n3A_968 : i32
      %select_n3A_984 = arith.select %and3A_981, %add3A_970, %select_n3A_969 : i32
      %add3A_985 = arith.addi %add3A_970, %reduce_sum3A_976 : i32
      %mul3A_986 = arith.constant 16 : i32
      %mul3A_987 = arith.muli %select_n3A_983, %mul3A_986 : i32
      %iota3A_988 = tpu.iota {dimensions = array<i32: 0>} : vector<16xi32>
      %add3A_989 = vector.broadcast %mul3A_987 : i32 to vector<16xi32>
      %add3A_990 = arith.addi %add3A_989, %iota3A_988 : vector<16xi32>
      %gather3A_991 = tpu.vector_load_idx %arg7[%add3A_990] : memref<256xi32, #tpu.memory_space<vmem>>[vector<16xi32>], vector<16xi32>,
      %rev3A_992 = arith.constant 15 : i32
      %rev3A_993 = vector.broadcast %rev3A_992 : i32 to vector<16xi32>
      %rev3A_994 = tpu.iota {dimensions = array<i32: 0>} : vector<16xi32>
      %rev3A_995 = arith.subi %rev3A_993, %rev3A_994 : vector<16xi32>
      %rev3A_996 = tpu.dynamic_gather %gather3A_991[%rev3A_995] in [0] : vector<16xi32>, vector<16xi32> -> vector<16xi32>
      %broadcast_in_dim3A_997 = arith.constant true
      %broadcast_in_dim3A_998 = vector.broadcast %broadcast_in_dim3A_997 : i1 to vector<16xi1>
      %masked_cumsum3A_999 = tpu.scan <sum>, %rev3A_996 masked %broadcast_in_dim3A_998 : vector<16xi32>, vector<16xi1> -> vector<16xi32>
      %rev3A_1000 = arith.constant 15 : i32
      %rev3A_1001 = vector.broadcast %rev3A_1000 : i32 to vector<16xi32>
      %rev3A_1002 = tpu.iota {dimensions = array<i32: 0>} : vector<16xi32>
      %rev3A_1003 = arith.subi %rev3A_1001, %rev3A_1002 : vector<16xi32>
      %rev3A_1004 = tpu.dynamic_gather %masked_cumsum3A_999[%rev3A_1003] in [0] : vector<16xi32>, vector<16xi32> -> vector<16xi32>
      %add3A_1005 = vector.broadcast %select_n3A_984 : i32 to vector<16xi32>
      %add3A_1006 = arith.addi %add3A_1005, %rev3A_1004 : vector<16xi32>
      %ge3A_1007 = vector.broadcast %sub3A_693 : i32 to vector<16xi32>
      %ge3A_1008 = arith.cmpi sge, %add3A_1006, %ge3A_1007 : vector<16xi32>
      %all_reduce_population_count3A_1009 = tpu.all_reduce %ge3A_1008 {dim = 0 : i64, kind = #tpu.reduction_kind<sum>} : vector<16xi1> -> vector<16xi32>
      %reduce_max3A_1010 = arith.constant true
      %reduce_max3A_1011 = vector.broadcast %reduce_max3A_1010 : i1 to vector<16xi1>
      %reduce_max3A_1012 = arith.constant -2147483648 : i32
      %reduce_max3A_1013 = vector.broadcast %reduce_max3A_1012 : i32 to vector<16xi32>
      %reduce_max3A_1014 = arith.xori %all_reduce_population_count3A_1009, %reduce_max3A_1013 : vector<16xi32>
      %reduce_max3A_1015 = tpu.scan <max>, %reduce_max3A_1014 masked %reduce_max3A_1011 : vector<16xi32>, vector<16xi1> -> vector<16xi32>
      %reduce_max3A_1016 = arith.xori %reduce_max3A_1015, %reduce_max3A_1013 : vector<16xi32>
      %reduce_max3A_1017 = vector.extract %reduce_max3A_1016[15] : i32 from vector<16xi32>
      %sub3A_1018 = arith.constant 1 : i32
      %sub3A_1019 = arith.subi %reduce_max3A_1017, %sub3A_1018 : i32
      %iota3A_1020 = tpu.iota {dimensions = array<i32: 0>} : vector<16xi32>
      %eq3A_1021 = vector.broadcast %sub3A_1019 : i32 to vector<16xi32>
      %eq3A_1022 = arith.cmpi eq, %iota3A_1020, %eq3A_1021 : vector<16xi32>
      %broadcast_in_dim3A_1023 = arith.constant 0 : i32
      %broadcast_in_dim3A_1024 = vector.broadcast %broadcast_in_dim3A_1023 : i32 to vector<16xi32>
      %select_n3A_1025 = arith.select %eq3A_1022, %gather3A_991, %broadcast_in_dim3A_1024 : vector<16xi1>, vector<16xi32>
      %reduce_sum3A_1026 = arith.constant true
      %reduce_sum3A_1027 = vector.broadcast %reduce_sum3A_1026 : i1 to vector<16xi1>
      %reduce_sum3A_1028 = tpu.scan <sum>, %select_n3A_1025 masked %reduce_sum3A_1027 : vector<16xi32>, vector<16xi1> -> vector<16xi32>
      %reduce_sum3A_1029 = vector.extract %reduce_sum3A_1028[15] : i32 from vector<16xi32>
      %select_n3A_1030 = arith.select %eq3A_1022, %rev3A_1004, %broadcast_in_dim3A_1024 : vector<16xi1>, vector<16xi32>
      %reduce_sum3A_1031 = arith.constant true
      %reduce_sum3A_1032 = vector.broadcast %reduce_sum3A_1031 : i1 to vector<16xi1>
      %reduce_sum3A_1033 = tpu.scan <sum>, %select_n3A_1030 masked %reduce_sum3A_1032 : vector<16xi32>, vector<16xi1> -> vector<16xi32>
      %reduce_sum3A_1034 = vector.extract %reduce_sum3A_1033[15] : i32 from vector<16xi32>
      %add3A_1035 = arith.addi %select_n3A_984, %reduce_sum3A_1034 : i32
      %sub3A_1036 = arith.subi %add3A_1035, %reduce_sum3A_1029 : i32
      %sub3A_1037 = arith.subi %sub3A_693, %sub3A_1036 : i32
      %mul3A_1038 = arith.constant 16 : i32
      %mul3A_1039 = arith.muli %select_n3A_983, %mul3A_1038 : i32
      %add3A_1040 = arith.addi %mul3A_1039, %sub3A_1019 : i32
      %shift_left3A_1041 = arith.constant 8 : i32
      %shift_left3A_1042 = arith.shli %or3A, %shift_left3A_1041 : i32
      %or3A_1043 = arith.ori %shift_left3A_1042, %add3A_1040 : i32
      %broadcast_in_dim3A_1044 = arith.constant 0 : i32
      %broadcast_in_dim3A_1045 = vector.broadcast %broadcast_in_dim3A_1044 : i32 to vector<16xi32>
      %swap3A_1046 = arith.constant 0 : index
      %swap3A_1047 = tpu.vector_load %arg7[%swap3A_1046] {strides = array<i32>} : memref<256xi32, #tpu.memory_space<vmem>>, vector<16xi32>,
      tpu.vector_store %arg7[%swap3A_1046], %broadcast_in_dim3A_1045 {strides = array<i32>} : memref<256xi32, #tpu.memory_space<vmem>>, vector<16xi32>,
      %swap3A_1048 = arith.constant 16 : index
      %swap3A_1049 = tpu.vector_load %arg7[%swap3A_1048] {strides = array<i32>} : memref<256xi32, #tpu.memory_space<vmem>>, vector<16xi32>,
      tpu.vector_store %arg7[%swap3A_1048], %broadcast_in_dim3A_1045 {strides = array<i32>} : memref<256xi32, #tpu.memory_space<vmem>>, vector<16xi32>,
      %swap3A_1050 = arith.constant 32 : index
      %swap3A_1051 = tpu.vector_load %arg7[%swap3A_1050] {strides = array<i32>} : memref<256xi32, #tpu.memory_space<vmem>>, vector<16xi32>,
      tpu.vector_store %arg7[%swap3A_1050], %broadcast_in_dim3A_1045 {strides = array<i32>} : memref<256xi32, #tpu.memory_space<vmem>>, vector<16xi32>,
      %swap3A_1052 = arith.constant 48 : index
      %swap3A_1053 = tpu.vector_load %arg7[%swap3A_1052] {strides = array<i32>} : memref<256xi32, #tpu.memory_space<vmem>>, vector<16xi32>,
      tpu.vector_store %arg7[%swap3A_1052], %broadcast_in_dim3A_1045 {strides = array<i32>} : memref<256xi32, #tpu.memory_space<vmem>>, vector<16xi32>,
      %swap3A_1054 = arith.constant 64 : index
      %swap3A_1055 = tpu.vector_load %arg7[%swap3A_1054] {strides = array<i32>} : memref<256xi32, #tpu.memory_space<vmem>>, vector<16xi32>,
      tpu.vector_store %arg7[%swap3A_1054], %broadcast_in_dim3A_1045 {strides = array<i32>} : memref<256xi32, #tpu.memory_space<vmem>>, vector<16xi32>,
      %swap3A_1056 = arith.constant 80 : index
      %swap3A_1057 = tpu.vector_load %arg7[%swap3A_1056] {strides = array<i32>} : memref<256xi32, #tpu.memory_space<vmem>>, vector<16xi32>,
      tpu.vector_store %arg7[%swap3A_1056], %broadcast_in_dim3A_1045 {strides = array<i32>} : memref<256xi32, #tpu.memory_space<vmem>>, vector<16xi32>,
      %swap3A_1058 = arith.constant 96 : index
      %swap3A_1059 = tpu.vector_load %arg7[%swap3A_1058] {strides = array<i32>} : memref<256xi32, #tpu.memory_space<vmem>>, vector<16xi32>,
      tpu.vector_store %arg7[%swap3A_1058], %broadcast_in_dim3A_1045 {strides = array<i32>} : memref<256xi32, #tpu.memory_space<vmem>>, vector<16xi32>,
      %swap3A_1060 = arith.constant 112 : index
      %swap3A_1061 = tpu.vector_load %arg7[%swap3A_1060] {strides = array<i32>} : memref<256xi32, #tpu.memory_space<vmem>>, vector<16xi32>,
      tpu.vector_store %arg7[%swap3A_1060], %broadcast_in_dim3A_1045 {strides = array<i32>} : memref<256xi32, #tpu.memory_space<vmem>>, vector<16xi32>,
      %broadcast_in_dim3A_1062 = arith.constant 1 : i32
      %broadcast_in_dim3A_1063 = vector.broadcast %broadcast_in_dim3A_1062 : i32 to vector<16xi32>
      %scan3A_1064 = arith.constant 0 : i32
      %scan3A_1065 = arith.constant 0 : i32
      %scan3A_1066 = arith.constant 32 : i32
      %scan3A_1067 = arith.addi %scan3A_1065, %scan3A_1066 : i32
      %scan3A_1068 = arith.constant 1 : i32
      scf.for %scan3A_1278 = %scan3A_1065 to %scan3A_1067 step %scan3A_1068  : i32 {
        %mul3A_1279 = arith.constant 128 : i32
        %mul3A_1280 = arith.muli %scan3A_1278, %mul3A_1279 : i32
        %add3A_1281 = arith.constant 0 : i32
        %add3A_1282 = arith.addi %mul3A_1280, %add3A_1281 : i32
        %get3A_1283 = arith.index_cast %add3A_1282 : i32 to index
        %get3A_1284 = tpu.vector_load %arg5[%get3A_1283] {strides = array<i32>} : memref<4096xi32, #tpu.memory_space<vmem>>, vector<16xi32>,
        %shift_right_arithmetic3A = arith.constant 7 : i32
        %shift_right_arithmetic3A_1285 = vector.broadcast %shift_right_arithmetic3A : i32 to vector<16xi32>
        %shift_right_arithmetic3A_1286 = arith.shrsi %get3A_1284, %shift_right_arithmetic3A_1285 : vector<16xi32>
        %eq3A_1287 = vector.broadcast %or3A_1043 : i32 to vector<16xi32>
        %eq3A_1288 = arith.cmpi eq, %shift_right_arithmetic3A_1286, %eq3A_1287 : vector<16xi32>
        %shift_right_arithmetic3A_1289 = arith.constant 0 : i32
        %shift_right_arithmetic3A_1290 = vector.broadcast %shift_right_arithmetic3A_1289 : i32 to vector<16xi32>
        %shift_right_arithmetic3A_1291 = arith.shrsi %get3A_1284, %shift_right_arithmetic3A_1290 : vector<16xi32>
        %and3A_1292 = arith.constant 127 : i32
        %and3A_1293 = vector.broadcast %and3A_1292 : i32 to vector<16xi32>
        %and3A_1294 = arith.andi %shift_right_arithmetic3A_1291, %and3A_1293 : vector<16xi32>
        tpu.vector_store_idx %arg7[%and3A_1294], %broadcast_in_dim3A_1063 masked %eq3A_1288 {add = true} : memref<256xi32, #tpu.memory_space<vmem>>[vector<16xi32>], vector<16xi32>, vector<16xi1>
        %add3A_1295 = arith.constant 16 : i32
        %add3A_1296 = arith.addi %mul3A_1280, %add3A_1295 : i32
        %get3A_1297 = arith.index_cast %add3A_1296 : i32 to index
        %get3A_1298 = tpu.vector_load %arg5[%get3A_1297] {strides = array<i32>} : memref<4096xi32, #tpu.memory_space<vmem>>, vector<16xi32>,
        %shift_right_arithmetic3A_1299 = arith.constant 7 : i32
        %shift_right_arithmetic3A_1300 = vector.broadcast %shift_right_arithmetic3A_1299 : i32 to vector<16xi32>
        %shift_right_arithmetic3A_1301 = arith.shrsi %get3A_1298, %shift_right_arithmetic3A_1300 : vector<16xi32>
        %eq3A_1302 = vector.broadcast %or3A_1043 : i32 to vector<16xi32>
        %eq3A_1303 = arith.cmpi eq, %shift_right_arithmetic3A_1301, %eq3A_1302 : vector<16xi32>
        %shift_right_arithmetic3A_1304 = arith.constant 0 : i32
        %shift_right_arithmetic3A_1305 = vector.broadcast %shift_right_arithmetic3A_1304 : i32 to vector<16xi32>
        %shift_right_arithmetic3A_1306 = arith.shrsi %get3A_1298, %shift_right_arithmetic3A_1305 : vector<16xi32>
        %and3A_1307 = arith.constant 127 : i32
        %and3A_1308 = vector.broadcast %and3A_1307 : i32 to vector<16xi32>
        %and3A_1309 = arith.andi %shift_right_arithmetic3A_1306, %and3A_1308 : vector<16xi32>
        tpu.vector_store_idx %arg7[%and3A_1309], %broadcast_in_dim3A_1063 masked %eq3A_1303 {add = true} : memref<256xi32, #tpu.memory_space<vmem>>[vector<16xi32>], vector<16xi32>, vector<16xi1>
        %add3A_1310 = arith.constant 32 : i32
        %add3A_1311 = arith.addi %mul3A_1280, %add3A_1310 : i32
        %get3A_1312 = arith.index_cast %add3A_1311 : i32 to index
        %get3A_1313 = tpu.vector_load %arg5[%get3A_1312] {strides = array<i32>} : memref<4096xi32, #tpu.memory_space<vmem>>, vector<16xi32>,
        %shift_right_arithmetic3A_1314 = arith.constant 7 : i32
        %shift_right_arithmetic3A_1315 = vector.broadcast %shift_right_arithmetic3A_1314 : i32 to vector<16xi32>
        %shift_right_arithmetic3A_1316 = arith.shrsi %get3A_1313, %shift_right_arithmetic3A_1315 : vector<16xi32>
        %eq3A_1317 = vector.broadcast %or3A_1043 : i32 to vector<16xi32>
        %eq3A_1318 = arith.cmpi eq, %shift_right_arithmetic3A_1316, %eq3A_1317 : vector<16xi32>
        %shift_right_arithmetic3A_1319 = arith.constant 0 : i32
        %shift_right_arithmetic3A_1320 = vector.broadcast %shift_right_arithmetic3A_1319 : i32 to vector<16xi32>
        %shift_right_arithmetic3A_1321 = arith.shrsi %get3A_1313, %shift_right_arithmetic3A_1320 : vector<16xi32>
        %and3A_1322 = arith.constant 127 : i32
        %and3A_1323 = vector.broadcast %and3A_1322 : i32 to vector<16xi32>
        %and3A_1324 = arith.andi %shift_right_arithmetic3A_1321, %and3A_1323 : vector<16xi32>
        tpu.vector_store_idx %arg7[%and3A_1324], %broadcast_in_dim3A_1063 masked %eq3A_1318 {add = true} : memref<256xi32, #tpu.memory_space<vmem>>[vector<16xi32>], vector<16xi32>, vector<16xi1>
        %add3A_1325 = arith.constant 48 : i32
        %add3A_1326 = arith.addi %mul3A_1280, %add3A_1325 : i32
        %get3A_1327 = arith.index_cast %add3A_1326 : i32 to index
        %get3A_1328 = tpu.vector_load %arg5[%get3A_1327] {strides = array<i32>} : memref<4096xi32, #tpu.memory_space<vmem>>, vector<16xi32>,
        %shift_right_arithmetic3A_1329 = arith.constant 7 : i32
        %shift_right_arithmetic3A_1330 = vector.broadcast %shift_right_arithmetic3A_1329 : i32 to vector<16xi32>
        %shift_right_arithmetic3A_1331 = arith.shrsi %get3A_1328, %shift_right_arithmetic3A_1330 : vector<16xi32>
        %eq3A_1332 = vector.broadcast %or3A_1043 : i32 to vector<16xi32>
        %eq3A_1333 = arith.cmpi eq, %shift_right_arithmetic3A_1331, %eq3A_1332 : vector<16xi32>
        %shift_right_arithmetic3A_1334 = arith.constant 0 : i32
        %shift_right_arithmetic3A_1335 = vector.broadcast %shift_right_arithmetic3A_1334 : i32 to vector<16xi32>
        %shift_right_arithmetic3A_1336 = arith.shrsi %get3A_1328, %shift_right_arithmetic3A_1335 : vector<16xi32>
        %and3A_1337 = arith.constant 127 : i32
        %and3A_1338 = vector.broadcast %and3A_1337 : i32 to vector<16xi32>
        %and3A_1339 = arith.andi %shift_right_arithmetic3A_1336, %and3A_1338 : vector<16xi32>
        tpu.vector_store_idx %arg7[%and3A_1339], %broadcast_in_dim3A_1063 masked %eq3A_1333 {add = true} : memref<256xi32, #tpu.memory_space<vmem>>[vector<16xi32>], vector<16xi32>, vector<16xi1>
        %add3A_1340 = arith.constant 64 : i32
        %add3A_1341 = arith.addi %mul3A_1280, %add3A_1340 : i32
        %get3A_1342 = arith.index_cast %add3A_1341 : i32 to index
        %get3A_1343 = tpu.vector_load %arg5[%get3A_1342] {strides = array<i32>} : memref<4096xi32, #tpu.memory_space<vmem>>, vector<16xi32>,
        %shift_right_arithmetic3A_1344 = arith.constant 7 : i32
        %shift_right_arithmetic3A_1345 = vector.broadcast %shift_right_arithmetic3A_1344 : i32 to vector<16xi32>
        %shift_right_arithmetic3A_1346 = arith.shrsi %get3A_1343, %shift_right_arithmetic3A_1345 : vector<16xi32>
        %eq3A_1347 = vector.broadcast %or3A_1043 : i32 to vector<16xi32>
        %eq3A_1348 = arith.cmpi eq, %shift_right_arithmetic3A_1346, %eq3A_1347 : vector<16xi32>
        %shift_right_arithmetic3A_1349 = arith.constant 0 : i32
        %shift_right_arithmetic3A_1350 = vector.broadcast %shift_right_arithmetic3A_1349 : i32 to vector<16xi32>
        %shift_right_arithmetic3A_1351 = arith.shrsi %get3A_1343, %shift_right_arithmetic3A_1350 : vector<16xi32>
        %and3A_1352 = arith.constant 127 : i32
        %and3A_1353 = vector.broadcast %and3A_1352 : i32 to vector<16xi32>
        %and3A_1354 = arith.andi %shift_right_arithmetic3A_1351, %and3A_1353 : vector<16xi32>
        tpu.vector_store_idx %arg7[%and3A_1354], %broadcast_in_dim3A_1063 masked %eq3A_1348 {add = true} : memref<256xi32, #tpu.memory_space<vmem>>[vector<16xi32>], vector<16xi32>, vector<16xi1>
        %add3A_1355 = arith.constant 80 : i32
        %add3A_1356 = arith.addi %mul3A_1280, %add3A_1355 : i32
        %get3A_1357 = arith.index_cast %add3A_1356 : i32 to index
        %get3A_1358 = tpu.vector_load %arg5[%get3A_1357] {strides = array<i32>} : memref<4096xi32, #tpu.memory_space<vmem>>, vector<16xi32>,
        %shift_right_arithmetic3A_1359 = arith.constant 7 : i32
        %shift_right_arithmetic3A_1360 = vector.broadcast %shift_right_arithmetic3A_1359 : i32 to vector<16xi32>
        %shift_right_arithmetic3A_1361 = arith.shrsi %get3A_1358, %shift_right_arithmetic3A_1360 : vector<16xi32>
        %eq3A_1362 = vector.broadcast %or3A_1043 : i32 to vector<16xi32>
        %eq3A_1363 = arith.cmpi eq, %shift_right_arithmetic3A_1361, %eq3A_1362 : vector<16xi32>
        %shift_right_arithmetic3A_1364 = arith.constant 0 : i32
        %shift_right_arithmetic3A_1365 = vector.broadcast %shift_right_arithmetic3A_1364 : i32 to vector<16xi32>
        %shift_right_arithmetic3A_1366 = arith.shrsi %get3A_1358, %shift_right_arithmetic3A_1365 : vector<16xi32>
        %and3A_1367 = arith.constant 127 : i32
        %and3A_1368 = vector.broadcast %and3A_1367 : i32 to vector<16xi32>
        %and3A_1369 = arith.andi %shift_right_arithmetic3A_1366, %and3A_1368 : vector<16xi32>
        tpu.vector_store_idx %arg7[%and3A_1369], %broadcast_in_dim3A_1063 masked %eq3A_1363 {add = true} : memref<256xi32, #tpu.memory_space<vmem>>[vector<16xi32>], vector<16xi32>, vector<16xi1>
        %add3A_1370 = arith.constant 96 : i32
        %add3A_1371 = arith.addi %mul3A_1280, %add3A_1370 : i32
        %get3A_1372 = arith.index_cast %add3A_1371 : i32 to index
        %get3A_1373 = tpu.vector_load %arg5[%get3A_1372] {strides = array<i32>} : memref<4096xi32, #tpu.memory_space<vmem>>, vector<16xi32>,
        %shift_right_arithmetic3A_1374 = arith.constant 7 : i32
        %shift_right_arithmetic3A_1375 = vector.broadcast %shift_right_arithmetic3A_1374 : i32 to vector<16xi32>
        %shift_right_arithmetic3A_1376 = arith.shrsi %get3A_1373, %shift_right_arithmetic3A_1375 : vector<16xi32>
        %eq3A_1377 = vector.broadcast %or3A_1043 : i32 to vector<16xi32>
        %eq3A_1378 = arith.cmpi eq, %shift_right_arithmetic3A_1376, %eq3A_1377 : vector<16xi32>
        %shift_right_arithmetic3A_1379 = arith.constant 0 : i32
        %shift_right_arithmetic3A_1380 = vector.broadcast %shift_right_arithmetic3A_1379 : i32 to vector<16xi32>
        %shift_right_arithmetic3A_1381 = arith.shrsi %get3A_1373, %shift_right_arithmetic3A_1380 : vector<16xi32>
        %and3A_1382 = arith.constant 127 : i32
        %and3A_1383 = vector.broadcast %and3A_1382 : i32 to vector<16xi32>
        %and3A_1384 = arith.andi %shift_right_arithmetic3A_1381, %and3A_1383 : vector<16xi32>
        tpu.vector_store_idx %arg7[%and3A_1384], %broadcast_in_dim3A_1063 masked %eq3A_1378 {add = true} : memref<256xi32, #tpu.memory_space<vmem>>[vector<16xi32>], vector<16xi32>, vector<16xi1>
        %add3A_1385 = arith.constant 112 : i32
        %add3A_1386 = arith.addi %mul3A_1280, %add3A_1385 : i32
        %get3A_1387 = arith.index_cast %add3A_1386 : i32 to index
        %get3A_1388 = tpu.vector_load %arg5[%get3A_1387] {strides = array<i32>} : memref<4096xi32, #tpu.memory_space<vmem>>, vector<16xi32>,
        %shift_right_arithmetic3A_1389 = arith.constant 7 : i32
        %shift_right_arithmetic3A_1390 = vector.broadcast %shift_right_arithmetic3A_1389 : i32 to vector<16xi32>
        %shift_right_arithmetic3A_1391 = arith.shrsi %get3A_1388, %shift_right_arithmetic3A_1390 : vector<16xi32>
        %eq3A_1392 = vector.broadcast %or3A_1043 : i32 to vector<16xi32>
        %eq3A_1393 = arith.cmpi eq, %shift_right_arithmetic3A_1391, %eq3A_1392 : vector<16xi32>
        %shift_right_arithmetic3A_1394 = arith.constant 0 : i32
        %shift_right_arithmetic3A_1395 = vector.broadcast %shift_right_arithmetic3A_1394 : i32 to vector<16xi32>
        %shift_right_arithmetic3A_1396 = arith.shrsi %get3A_1388, %shift_right_arithmetic3A_1395 : vector<16xi32>
        %and3A_1397 = arith.constant 127 : i32
        %and3A_1398 = vector.broadcast %and3A_1397 : i32 to vector<16xi32>
        %and3A_1399 = arith.andi %shift_right_arithmetic3A_1396, %and3A_1398 : vector<16xi32>
        tpu.vector_store_idx %arg7[%and3A_1399], %broadcast_in_dim3A_1063 masked %eq3A_1393 {add = true} : memref<256xi32, #tpu.memory_space<vmem>>[vector<16xi32>], vector<16xi32>, vector<16xi1>
      }
      %scan3A_1069 = arith.constant 32 : i32
      %get3A_1070 = arith.constant 112 : index
      %get3A_1071 = tpu.vector_load %arg7[%get3A_1070] {strides = array<i32>} : memref<256xi32, #tpu.memory_space<vmem>>, vector<16xi32>,
      %reduce_sum3A_1072 = arith.constant true
      %reduce_sum3A_1073 = vector.broadcast %reduce_sum3A_1072 : i1 to vector<16xi1>
      %reduce_sum3A_1074 = tpu.scan <sum>, %get3A_1071 masked %reduce_sum3A_1073 : vector<16xi32>, vector<16xi1> -> vector<16xi32>
      %reduce_sum3A_1075 = vector.extract %reduce_sum3A_1074[15] : i32 from vector<16xi32>
      %lt3A_1076 = arith.constant -1 : i32
      %lt3A_1077 = arith.constant 0 : i32
      %lt3A_1078 = arith.cmpi slt, %lt3A_1076, %lt3A_1077 : i32
      %add3A_1079 = arith.constant 0 : i32
      %add3A_1080 = arith.addi %add3A_1079, %reduce_sum3A_1075 : i32
      %ge3A_1081 = arith.cmpi sge, %add3A_1080, %sub3A_1037 : i32
      %and3A_1082 = arith.andi %lt3A_1078, %ge3A_1081 : i1
      %jit3A_1083 = arith.constant 7 : i32
      %jit3A_1084 = arith.constant -1 : i32
      %select_n3A_1085 = arith.select %and3A_1082, %jit3A_1083, %jit3A_1084 : i32
      %jit3A_1086 = arith.constant 0 : i32
      %jit3A_1087 = arith.constant 0 : i32
      %select_n3A_1088 = arith.select %and3A_1082, %jit3A_1086, %jit3A_1087 : i32
      %add3A_1089 = arith.constant 0 : i32
      %add3A_1090 = arith.addi %add3A_1089, %reduce_sum3A_1075 : i32
      %get3A_1091 = arith.constant 96 : index
      %get3A_1092 = tpu.vector_load %arg7[%get3A_1091] {strides = array<i32>} : memref<256xi32, #tpu.memory_space<vmem>>, vector<16xi32>,
      %reduce_sum3A_1093 = arith.constant true
      %reduce_sum3A_1094 = vector.broadcast %reduce_sum3A_1093 : i1 to vector<16xi1>
      %reduce_sum3A_1095 = tpu.scan <sum>, %get3A_1092 masked %reduce_sum3A_1094 : vector<16xi32>, vector<16xi1> -> vector<16xi32>
      %reduce_sum3A_1096 = vector.extract %reduce_sum3A_1095[15] : i32 from vector<16xi32>
      %lt3A_1097 = arith.constant 0 : i32
      %lt3A_1098 = arith.cmpi slt, %select_n3A_1085, %lt3A_1097 : i32
      %add3A_1099 = arith.addi %add3A_1090, %reduce_sum3A_1096 : i32
      %ge3A_1100 = arith.cmpi sge, %add3A_1099, %sub3A_1037 : i32
      %and3A_1101 = arith.andi %lt3A_1098, %ge3A_1100 : i1
      %jit3A_1102 = arith.constant 6 : i32
      %select_n3A_1103 = arith.select %and3A_1101, %jit3A_1102, %select_n3A_1085 : i32
      %select_n3A_1104 = arith.select %and3A_1101, %add3A_1090, %select_n3A_1088 : i32
      %add3A_1105 = arith.addi %add3A_1090, %reduce_sum3A_1096 : i32
      %get3A_1106 = arith.constant 80 : index
      %get3A_1107 = tpu.vector_load %arg7[%get3A_1106] {strides = array<i32>} : memref<256xi32, #tpu.memory_space<vmem>>, vector<16xi32>,
      %reduce_sum3A_1108 = arith.constant true
      %reduce_sum3A_1109 = vector.broadcast %reduce_sum3A_1108 : i1 to vector<16xi1>
      %reduce_sum3A_1110 = tpu.scan <sum>, %get3A_1107 masked %reduce_sum3A_1109 : vector<16xi32>, vector<16xi1> -> vector<16xi32>
      %reduce_sum3A_1111 = vector.extract %reduce_sum3A_1110[15] : i32 from vector<16xi32>
      %lt3A_1112 = arith.constant 0 : i32
      %lt3A_1113 = arith.cmpi slt, %select_n3A_1103, %lt3A_1112 : i32
      %add3A_1114 = arith.addi %add3A_1105, %reduce_sum3A_1111 : i32
      %ge3A_1115 = arith.cmpi sge, %add3A_1114, %sub3A_1037 : i32
      %and3A_1116 = arith.andi %lt3A_1113, %ge3A_1115 : i1
      %jit3A_1117 = arith.constant 5 : i32
      %select_n3A_1118 = arith.select %and3A_1116, %jit3A_1117, %select_n3A_1103 : i32
      %select_n3A_1119 = arith.select %and3A_1116, %add3A_1105, %select_n3A_1104 : i32
      %add3A_1120 = arith.addi %add3A_1105, %reduce_sum3A_1111 : i32
      %get3A_1121 = arith.constant 64 : index
      %get3A_1122 = tpu.vector_load %arg7[%get3A_1121] {strides = array<i32>} : memref<256xi32, #tpu.memory_space<vmem>>, vector<16xi32>,
      %reduce_sum3A_1123 = arith.constant true
      %reduce_sum3A_1124 = vector.broadcast %reduce_sum3A_1123 : i1 to vector<16xi1>
      %reduce_sum3A_1125 = tpu.scan <sum>, %get3A_1122 masked %reduce_sum3A_1124 : vector<16xi32>, vector<16xi1> -> vector<16xi32>
      %reduce_sum3A_1126 = vector.extract %reduce_sum3A_1125[15] : i32 from vector<16xi32>
      %lt3A_1127 = arith.constant 0 : i32
      %lt3A_1128 = arith.cmpi slt, %select_n3A_1118, %lt3A_1127 : i32
      %add3A_1129 = arith.addi %add3A_1120, %reduce_sum3A_1126 : i32
      %ge3A_1130 = arith.cmpi sge, %add3A_1129, %sub3A_1037 : i32
      %and3A_1131 = arith.andi %lt3A_1128, %ge3A_1130 : i1
      %jit3A_1132 = arith.constant 4 : i32
      %select_n3A_1133 = arith.select %and3A_1131, %jit3A_1132, %select_n3A_1118 : i32
      %select_n3A_1134 = arith.select %and3A_1131, %add3A_1120, %select_n3A_1119 : i32
      %add3A_1135 = arith.addi %add3A_1120, %reduce_sum3A_1126 : i32
      %get3A_1136 = arith.constant 48 : index
      %get3A_1137 = tpu.vector_load %arg7[%get3A_1136] {strides = array<i32>} : memref<256xi32, #tpu.memory_space<vmem>>, vector<16xi32>,
      %reduce_sum3A_1138 = arith.constant true
      %reduce_sum3A_1139 = vector.broadcast %reduce_sum3A_1138 : i1 to vector<16xi1>
      %reduce_sum3A_1140 = tpu.scan <sum>, %get3A_1137 masked %reduce_sum3A_1139 : vector<16xi32>, vector<16xi1> -> vector<16xi32>
      %reduce_sum3A_1141 = vector.extract %reduce_sum3A_1140[15] : i32 from vector<16xi32>
      %lt3A_1142 = arith.constant 0 : i32
      %lt3A_1143 = arith.cmpi slt, %select_n3A_1133, %lt3A_1142 : i32
      %add3A_1144 = arith.addi %add3A_1135, %reduce_sum3A_1141 : i32
      %ge3A_1145 = arith.cmpi sge, %add3A_1144, %sub3A_1037 : i32
      %and3A_1146 = arith.andi %lt3A_1143, %ge3A_1145 : i1
      %jit3A_1147 = arith.constant 3 : i32
      %select_n3A_1148 = arith.select %and3A_1146, %jit3A_1147, %select_n3A_1133 : i32
      %select_n3A_1149 = arith.select %and3A_1146, %add3A_1135, %select_n3A_1134 : i32
      %add3A_1150 = arith.addi %add3A_1135, %reduce_sum3A_1141 : i32
      %get3A_1151 = arith.constant 32 : index
      %get3A_1152 = tpu.vector_load %arg7[%get3A_1151] {strides = array<i32>} : memref<256xi32, #tpu.memory_space<vmem>>, vector<16xi32>,
      %reduce_sum3A_1153 = arith.constant true
      %reduce_sum3A_1154 = vector.broadcast %reduce_sum3A_1153 : i1 to vector<16xi1>
      %reduce_sum3A_1155 = tpu.scan <sum>, %get3A_1152 masked %reduce_sum3A_1154 : vector<16xi32>, vector<16xi1> -> vector<16xi32>
      %reduce_sum3A_1156 = vector.extract %reduce_sum3A_1155[15] : i32 from vector<16xi32>
      %lt3A_1157 = arith.constant 0 : i32
      %lt3A_1158 = arith.cmpi slt, %select_n3A_1148, %lt3A_1157 : i32
      %add3A_1159 = arith.addi %add3A_1150, %reduce_sum3A_1156 : i32
      %ge3A_1160 = arith.cmpi sge, %add3A_1159, %sub3A_1037 : i32
      %and3A_1161 = arith.andi %lt3A_1158, %ge3A_1160 : i1
      %jit3A_1162 = arith.constant 2 : i32
      %select_n3A_1163 = arith.select %and3A_1161, %jit3A_1162, %select_n3A_1148 : i32
      %select_n3A_1164 = arith.select %and3A_1161, %add3A_1150, %select_n3A_1149 : i32
      %add3A_1165 = arith.addi %add3A_1150, %reduce_sum3A_1156 : i32
      %get3A_1166 = arith.constant 16 : index
      %get3A_1167 = tpu.vector_load %arg7[%get3A_1166] {strides = array<i32>} : memref<256xi32, #tpu.memory_space<vmem>>, vector<16xi32>,
      %reduce_sum3A_1168 = arith.constant true
      %reduce_sum3A_1169 = vector.broadcast %reduce_sum3A_1168 : i1 to vector<16xi1>
      %reduce_sum3A_1170 = tpu.scan <sum>, %get3A_1167 masked %reduce_sum3A_1169 : vector<16xi32>, vector<16xi1> -> vector<16xi32>
      %reduce_sum3A_1171 = vector.extract %reduce_sum3A_1170[15] : i32 from vector<16xi32>
      %lt3A_1172 = arith.constant 0 : i32
      %lt3A_1173 = arith.cmpi slt, %select_n3A_1163, %lt3A_1172 : i32
      %add3A_1174 = arith.addi %add3A_1165, %reduce_sum3A_1171 : i32
      %ge3A_1175 = arith.cmpi sge, %add3A_1174, %sub3A_1037 : i32
      %and3A_1176 = arith.andi %lt3A_1173, %ge3A_1175 : i1
      %jit3A_1177 = arith.constant 1 : i32
      %select_n3A_1178 = arith.select %and3A_1176, %jit3A_1177, %select_n3A_1163 : i32
      %select_n3A_1179 = arith.select %and3A_1176, %add3A_1165, %select_n3A_1164 : i32
      %add3A_1180 = arith.addi %add3A_1165, %reduce_sum3A_1171 : i32
      %get3A_1181 = arith.constant 0 : index
      %get3A_1182 = tpu.vector_load %arg7[%get3A_1181] {strides = array<i32>} : memref<256xi32, #tpu.memory_space<vmem>>, vector<16xi32>,
      %reduce_sum3A_1183 = arith.constant true
      %reduce_sum3A_1184 = vector.broadcast %reduce_sum3A_1183 : i1 to vector<16xi1>
      %reduce_sum3A_1185 = tpu.scan <sum>, %get3A_1182 masked %reduce_sum3A_1184 : vector<16xi32>, vector<16xi1> -> vector<16xi32>
      %reduce_sum3A_1186 = vector.extract %reduce_sum3A_1185[15] : i32 from vector<16xi32>
      %lt3A_1187 = arith.constant 0 : i32
      %lt3A_1188 = arith.cmpi slt, %select_n3A_1178, %lt3A_1187 : i32
      %add3A_1189 = arith.addi %add3A_1180, %reduce_sum3A_1186 : i32
      %ge3A_1190 = arith.cmpi sge, %add3A_1189, %sub3A_1037 : i32
      %and3A_1191 = arith.andi %lt3A_1188, %ge3A_1190 : i1
      %jit3A_1192 = arith.constant 0 : i32
      %select_n3A_1193 = arith.select %and3A_1191, %jit3A_1192, %select_n3A_1178 : i32
      %select_n3A_1194 = arith.select %and3A_1191, %add3A_1180, %select_n3A_1179 : i32
      %add3A_1195 = arith.addi %add3A_1180, %reduce_sum3A_1186 : i32
      %mul3A_1196 = arith.constant 16 : i32
      %mul3A_1197 = arith.muli %select_n3A_1193, %mul3A_1196 : i32
      %iota3A_1198 = tpu.iota {dimensions = array<i32: 0>} : vector<16xi32>
      %add3A_1199 = vector.broadcast %mul3A_1197 : i32 to vector<16xi32>
      %add3A_1200 = arith.addi %add3A_1199, %iota3A_1198 : vector<16xi32>
      %gather3A_1201 = tpu.vector_load_idx %arg7[%add3A_1200] : memref<256xi32, #tpu.memory_space<vmem>>[vector<16xi32>], vector<16xi32>,
      %rev3A_1202 = arith.constant 15 : i32
      %rev3A_1203 = vector.broadcast %rev3A_1202 : i32 to vector<16xi32>
      %rev3A_1204 = tpu.iota {dimensions = array<i32: 0>} : vector<16xi32>
      %rev3A_1205 = arith.subi %rev3A_1203, %rev3A_1204 : vector<16xi32>
      %rev3A_1206 = tpu.dynamic_gather %gather3A_1201[%rev3A_1205] in [0] : vector<16xi32>, vector<16xi32> -> vector<16xi32>
      %broadcast_in_dim3A_1207 = arith.constant true
      %broadcast_in_dim3A_1208 = vector.broadcast %broadcast_in_dim3A_1207 : i1 to vector<16xi1>
      %masked_cumsum3A_1209 = tpu.scan <sum>, %rev3A_1206 masked %broadcast_in_dim3A_1208 : vector<16xi32>, vector<16xi1> -> vector<16xi32>
      %rev3A_1210 = arith.constant 15 : i32
      %rev3A_1211 = vector.broadcast %rev3A_1210 : i32 to vector<16xi32>
      %rev3A_1212 = tpu.iota {dimensions = array<i32: 0>} : vector<16xi32>
      %rev3A_1213 = arith.subi %rev3A_1211, %rev3A_1212 : vector<16xi32>
      %rev3A_1214 = tpu.dynamic_gather %masked_cumsum3A_1209[%rev3A_1213] in [0] : vector<16xi32>, vector<16xi32> -> vector<16xi32>
      %add3A_1215 = vector.broadcast %select_n3A_1194 : i32 to vector<16xi32>
      %add3A_1216 = arith.addi %add3A_1215, %rev3A_1214 : vector<16xi32>
      %ge3A_1217 = vector.broadcast %sub3A_1037 : i32 to vector<16xi32>
      %ge3A_1218 = arith.cmpi sge, %add3A_1216, %ge3A_1217 : vector<16xi32>
      %all_reduce_population_count3A_1219 = tpu.all_reduce %ge3A_1218 {dim = 0 : i64, kind = #tpu.reduction_kind<sum>} : vector<16xi1> -> vector<16xi32>
      %reduce_max3A_1220 = arith.constant true
      %reduce_max3A_1221 = vector.broadcast %reduce_max3A_1220 : i1 to vector<16xi1>
      %reduce_max3A_1222 = arith.constant -2147483648 : i32
      %reduce_max3A_1223 = vector.broadcast %reduce_max3A_1222 : i32 to vector<16xi32>
      %reduce_max3A_1224 = arith.xori %all_reduce_population_count3A_1219, %reduce_max3A_1223 : vector<16xi32>
      %reduce_max3A_1225 = tpu.scan <max>, %reduce_max3A_1224 masked %reduce_max3A_1221 : vector<16xi32>, vector<16xi1> -> vector<16xi32>
      %reduce_max3A_1226 = arith.xori %reduce_max3A_1225, %reduce_max3A_1223 : vector<16xi32>
      %reduce_max3A_1227 = vector.extract %reduce_max3A_1226[15] : i32 from vector<16xi32>
      %sub3A_1228 = arith.constant 1 : i32
      %sub3A_1229 = arith.subi %reduce_max3A_1227, %sub3A_1228 : i32
      %iota3A_1230 = tpu.iota {dimensions = array<i32: 0>} : vector<16xi32>
      %eq3A_1231 = vector.broadcast %sub3A_1229 : i32 to vector<16xi32>
      %eq3A_1232 = arith.cmpi eq, %iota3A_1230, %eq3A_1231 : vector<16xi32>
      %broadcast_in_dim3A_1233 = arith.constant 0 : i32
      %broadcast_in_dim3A_1234 = vector.broadcast %broadcast_in_dim3A_1233 : i32 to vector<16xi32>
      %select_n3A_1235 = arith.select %eq3A_1232, %gather3A_1201, %broadcast_in_dim3A_1234 : vector<16xi1>, vector<16xi32>
      %reduce_sum3A_1236 = arith.constant true
      %reduce_sum3A_1237 = vector.broadcast %reduce_sum3A_1236 : i1 to vector<16xi1>
      %reduce_sum3A_1238 = tpu.scan <sum>, %select_n3A_1235 masked %reduce_sum3A_1237 : vector<16xi32>, vector<16xi1> -> vector<16xi32>
      %reduce_sum3A_1239 = vector.extract %reduce_sum3A_1238[15] : i32 from vector<16xi32>
      %select_n3A_1240 = arith.select %eq3A_1232, %rev3A_1214, %broadcast_in_dim3A_1234 : vector<16xi1>, vector<16xi32>
      %reduce_sum3A_1241 = arith.constant true
      %reduce_sum3A_1242 = vector.broadcast %reduce_sum3A_1241 : i1 to vector<16xi1>
      %reduce_sum3A_1243 = tpu.scan <sum>, %select_n3A_1240 masked %reduce_sum3A_1242 : vector<16xi32>, vector<16xi1> -> vector<16xi32>
      %reduce_sum3A_1244 = vector.extract %reduce_sum3A_1243[15] : i32 from vector<16xi32>
      %add3A_1245 = arith.addi %select_n3A_1194, %reduce_sum3A_1244 : i32
      %sub3A_1246 = arith.subi %add3A_1245, %reduce_sum3A_1239 : i32
      %sub3A_1247 = arith.subi %sub3A_1037, %sub3A_1246 : i32
      %mul3A_1248 = arith.constant 16 : i32
      %mul3A_1249 = arith.muli %select_n3A_1193, %mul3A_1248 : i32
      %add3A_1250 = arith.addi %mul3A_1249, %sub3A_1229 : i32
      %shift_left3A_1251 = arith.constant 7 : i32
      %shift_left3A_1252 = arith.shli %or3A_1043, %shift_left3A_1251 : i32
      %or3A_1253 = arith.ori %shift_left3A_1252, %add3A_1250 : i32
      %jit3A_1254 = arith.constant 4096 : i32
      %eq3A_1255 = arith.constant 0 : i32
      %eq3A_1256 = arith.cmpi eq, %jit3A_1254, %eq3A_1255 : i32
      %jit3A_1257 = arith.constant 1 : i32
      %select_n3A_1258 = arith.select %eq3A_1256, %jit3A_1257, %jit3A_1254 : i32
      %rem3A = arith.remsi %add3A_9, %select_n3A_1258 : i32
      %ne3A = arith.constant 0 : i32
      %ne3A_1259 = arith.cmpi ne, %rem3A, %ne3A : i32
      %lt3A_1260 = arith.constant 0 : i32
      %lt3A_1261 = arith.cmpi slt, %rem3A, %lt3A_1260 : i32
      %lt3A_1262 = arith.constant 0 : i32
      %lt3A_1263 = arith.cmpi slt, %select_n3A_1258, %lt3A_1262 : i32
      %ne3A_1264 = arith.xori %lt3A_1261, %lt3A_1263 : i1
      %and3A_1265 = arith.andi %ne3A_1264, %ne3A_1259 : i1
      %add3A_1266 = arith.addi %rem3A, %select_n3A_1258 : i32
      %select_n3A_1267 = arith.select %and3A_1265, %add3A_1266, %rem3A : i32
      %lt3A_1268 = arith.constant 41 : i32
      %lt3A_1269 = arith.cmpi slt, %select_n3A_1267, %lt3A_1268 : i32
      %jit3A_1270 = arith.constant 0 : i32
      %select_n3A_1271 = arith.select %lt3A_1269, %jit3A_1270, %or3A_1253 : i32
      %scan3A_1272 = arith.constant 0 : i32
      %scan3A_1273 = arith.constant 0 : i32
      %scan3A_1274 = arith.constant 32 : i32
      %scan3A_1275 = arith.addi %scan3A_1273, %scan3A_1274 : i32
      %scan3A_1276 = arith.constant 1 : i32
      scf.for %scan3A_1278 = %scan3A_1273 to %scan3A_1275 step %scan3A_1276  : i32 {
        %mul3A_1279 = arith.constant 128 : i32
        %mul3A_1280 = arith.muli %scan3A_1278, %mul3A_1279 : i32
        %add3A_1281 = arith.constant 0 : i32
        %add3A_1282 = arith.addi %mul3A_1280, %add3A_1281 : i32
        %get3A_1283 = arith.index_cast %add3A_1282 : i32 to index
        %get3A_1284 = tpu.vector_load %arg5[%get3A_1283] {strides = array<i32>} : memref<4096xi32, #tpu.memory_space<vmem>>, vector<16xi32>,
        %ge3A_1285 = vector.broadcast %select_n3A_1271 : i32 to vector<16xi32>
        %ge3A_1286 = arith.cmpi sge, %get3A_1284, %ge3A_1285 : vector<16xi32>
        %jit3A_1287 = arith.constant 1.000000e+00 : f32
        %jit3A_1288 = arith.constant 0.000000e+00 : f32
        %broadcast_in_dim3A_1289 = vector.broadcast %jit3A_1287 : f32 to vector<16xf32>
        %broadcast_in_dim3A_1290 = vector.broadcast %jit3A_1288 : f32 to vector<16xf32>
        %select_n3A_1291 = arith.select %ge3A_1286, %broadcast_in_dim3A_1289, %broadcast_in_dim3A_1290 : vector<16xi1>, vector<16xf32>
        %swap3A_1292 = arith.index_cast %add3A_1282 : i32 to index
        %swap3A_1293 = tpu.vector_load %arg6[%swap3A_1292] {strides = array<i32>} : memref<4096xf32, #tpu.memory_space<vmem>>, vector<16xf32>,
        tpu.vector_store %arg6[%swap3A_1292], %select_n3A_1291 {strides = array<i32>} : memref<4096xf32, #tpu.memory_space<vmem>>, vector<16xf32>,
        %add3A_1294 = arith.constant 16 : i32
        %add3A_1295 = arith.addi %mul3A_1280, %add3A_1294 : i32
        %get3A_1296 = arith.index_cast %add3A_1295 : i32 to index
        %get3A_1297 = tpu.vector_load %arg5[%get3A_1296] {strides = array<i32>} : memref<4096xi32, #tpu.memory_space<vmem>>, vector<16xi32>,
        %ge3A_1298 = vector.broadcast %select_n3A_1271 : i32 to vector<16xi32>
        %ge3A_1299 = arith.cmpi sge, %get3A_1297, %ge3A_1298 : vector<16xi32>
        %jit3A_1300 = arith.constant 1.000000e+00 : f32
        %jit3A_1301 = arith.constant 0.000000e+00 : f32
        %broadcast_in_dim3A_1302 = vector.broadcast %jit3A_1300 : f32 to vector<16xf32>
        %broadcast_in_dim3A_1303 = vector.broadcast %jit3A_1301 : f32 to vector<16xf32>
        %select_n3A_1304 = arith.select %ge3A_1299, %broadcast_in_dim3A_1302, %broadcast_in_dim3A_1303 : vector<16xi1>, vector<16xf32>
        %swap3A_1305 = arith.index_cast %add3A_1295 : i32 to index
        %swap3A_1306 = tpu.vector_load %arg6[%swap3A_1305] {strides = array<i32>} : memref<4096xf32, #tpu.memory_space<vmem>>, vector<16xf32>,
        tpu.vector_store %arg6[%swap3A_1305], %select_n3A_1304 {strides = array<i32>} : memref<4096xf32, #tpu.memory_space<vmem>>, vector<16xf32>,
        %add3A_1307 = arith.constant 32 : i32
        %add3A_1308 = arith.addi %mul3A_1280, %add3A_1307 : i32
        %get3A_1309 = arith.index_cast %add3A_1308 : i32 to index
        %get3A_1310 = tpu.vector_load %arg5[%get3A_1309] {strides = array<i32>} : memref<4096xi32, #tpu.memory_space<vmem>>, vector<16xi32>,
        %ge3A_1311 = vector.broadcast %select_n3A_1271 : i32 to vector<16xi32>
        %ge3A_1312 = arith.cmpi sge, %get3A_1310, %ge3A_1311 : vector<16xi32>
        %jit3A_1313 = arith.constant 1.000000e+00 : f32
        %jit3A_1314 = arith.constant 0.000000e+00 : f32
        %broadcast_in_dim3A_1315 = vector.broadcast %jit3A_1313 : f32 to vector<16xf32>
        %broadcast_in_dim3A_1316 = vector.broadcast %jit3A_1314 : f32 to vector<16xf32>
        %select_n3A_1317 = arith.select %ge3A_1312, %broadcast_in_dim3A_1315, %broadcast_in_dim3A_1316 : vector<16xi1>, vector<16xf32>
        %swap3A_1318 = arith.index_cast %add3A_1308 : i32 to index
        %swap3A_1319 = tpu.vector_load %arg6[%swap3A_1318] {strides = array<i32>} : memref<4096xf32, #tpu.memory_space<vmem>>, vector<16xf32>,
        tpu.vector_store %arg6[%swap3A_1318], %select_n3A_1317 {strides = array<i32>} : memref<4096xf32, #tpu.memory_space<vmem>>, vector<16xf32>,
        %add3A_1320 = arith.constant 48 : i32
        %add3A_1321 = arith.addi %mul3A_1280, %add3A_1320 : i32
        %get3A_1322 = arith.index_cast %add3A_1321 : i32 to index
        %get3A_1323 = tpu.vector_load %arg5[%get3A_1322] {strides = array<i32>} : memref<4096xi32, #tpu.memory_space<vmem>>, vector<16xi32>,
        %ge3A_1324 = vector.broadcast %select_n3A_1271 : i32 to vector<16xi32>
        %ge3A_1325 = arith.cmpi sge, %get3A_1323, %ge3A_1324 : vector<16xi32>
        %jit3A_1326 = arith.constant 1.000000e+00 : f32
        %jit3A_1327 = arith.constant 0.000000e+00 : f32
        %broadcast_in_dim3A_1328 = vector.broadcast %jit3A_1326 : f32 to vector<16xf32>
        %broadcast_in_dim3A_1329 = vector.broadcast %jit3A_1327 : f32 to vector<16xf32>
        %select_n3A_1330 = arith.select %ge3A_1325, %broadcast_in_dim3A_1328, %broadcast_in_dim3A_1329 : vector<16xi1>, vector<16xf32>
        %swap3A_1331 = arith.index_cast %add3A_1321 : i32 to index
        %swap3A_1332 = tpu.vector_load %arg6[%swap3A_1331] {strides = array<i32>} : memref<4096xf32, #tpu.memory_space<vmem>>, vector<16xf32>,
        tpu.vector_store %arg6[%swap3A_1331], %select_n3A_1330 {strides = array<i32>} : memref<4096xf32, #tpu.memory_space<vmem>>, vector<16xf32>,
        %add3A_1333 = arith.constant 64 : i32
        %add3A_1334 = arith.addi %mul3A_1280, %add3A_1333 : i32
        %get3A_1335 = arith.index_cast %add3A_1334 : i32 to index
        %get3A_1336 = tpu.vector_load %arg5[%get3A_1335] {strides = array<i32>} : memref<4096xi32, #tpu.memory_space<vmem>>, vector<16xi32>,
        %ge3A_1337 = vector.broadcast %select_n3A_1271 : i32 to vector<16xi32>
        %ge3A_1338 = arith.cmpi sge, %get3A_1336, %ge3A_1337 : vector<16xi32>
        %jit3A_1339 = arith.constant 1.000000e+00 : f32
        %jit3A_1340 = arith.constant 0.000000e+00 : f32
        %broadcast_in_dim3A_1341 = vector.broadcast %jit3A_1339 : f32 to vector<16xf32>
        %broadcast_in_dim3A_1342 = vector.broadcast %jit3A_1340 : f32 to vector<16xf32>
        %select_n3A_1343 = arith.select %ge3A_1338, %broadcast_in_dim3A_1341, %broadcast_in_dim3A_1342 : vector<16xi1>, vector<16xf32>
        %swap3A_1344 = arith.index_cast %add3A_1334 : i32 to index
        %swap3A_1345 = tpu.vector_load %arg6[%swap3A_1344] {strides = array<i32>} : memref<4096xf32, #tpu.memory_space<vmem>>, vector<16xf32>,
        tpu.vector_store %arg6[%swap3A_1344], %select_n3A_1343 {strides = array<i32>} : memref<4096xf32, #tpu.memory_space<vmem>>, vector<16xf32>,
        %add3A_1346 = arith.constant 80 : i32
        %add3A_1347 = arith.addi %mul3A_1280, %add3A_1346 : i32
        %get3A_1348 = arith.index_cast %add3A_1347 : i32 to index
        %get3A_1349 = tpu.vector_load %arg5[%get3A_1348] {strides = array<i32>} : memref<4096xi32, #tpu.memory_space<vmem>>, vector<16xi32>,
        %ge3A_1350 = vector.broadcast %select_n3A_1271 : i32 to vector<16xi32>
        %ge3A_1351 = arith.cmpi sge, %get3A_1349, %ge3A_1350 : vector<16xi32>
        %jit3A_1352 = arith.constant 1.000000e+00 : f32
        %jit3A_1353 = arith.constant 0.000000e+00 : f32
        %broadcast_in_dim3A_1354 = vector.broadcast %jit3A_1352 : f32 to vector<16xf32>
        %broadcast_in_dim3A_1355 = vector.broadcast %jit3A_1353 : f32 to vector<16xf32>
        %select_n3A_1356 = arith.select %ge3A_1351, %broadcast_in_dim3A_1354, %broadcast_in_dim3A_1355 : vector<16xi1>, vector<16xf32>
        %swap3A_1357 = arith.index_cast %add3A_1347 : i32 to index
        %swap3A_1358 = tpu.vector_load %arg6[%swap3A_1357] {strides = array<i32>} : memref<4096xf32, #tpu.memory_space<vmem>>, vector<16xf32>,
        tpu.vector_store %arg6[%swap3A_1357], %select_n3A_1356 {strides = array<i32>} : memref<4096xf32, #tpu.memory_space<vmem>>, vector<16xf32>,
        %add3A_1359 = arith.constant 96 : i32
        %add3A_1360 = arith.addi %mul3A_1280, %add3A_1359 : i32
        %get3A_1361 = arith.index_cast %add3A_1360 : i32 to index
        %get3A_1362 = tpu.vector_load %arg5[%get3A_1361] {strides = array<i32>} : memref<4096xi32, #tpu.memory_space<vmem>>, vector<16xi32>,
        %ge3A_1363 = vector.broadcast %select_n3A_1271 : i32 to vector<16xi32>
        %ge3A_1364 = arith.cmpi sge, %get3A_1362, %ge3A_1363 : vector<16xi32>
        %jit3A_1365 = arith.constant 1.000000e+00 : f32
        %jit3A_1366 = arith.constant 0.000000e+00 : f32
        %broadcast_in_dim3A_1367 = vector.broadcast %jit3A_1365 : f32 to vector<16xf32>
        %broadcast_in_dim3A_1368 = vector.broadcast %jit3A_1366 : f32 to vector<16xf32>
        %select_n3A_1369 = arith.select %ge3A_1364, %broadcast_in_dim3A_1367, %broadcast_in_dim3A_1368 : vector<16xi1>, vector<16xf32>
        %swap3A_1370 = arith.index_cast %add3A_1360 : i32 to index
        %swap3A_1371 = tpu.vector_load %arg6[%swap3A_1370] {strides = array<i32>} : memref<4096xf32, #tpu.memory_space<vmem>>, vector<16xf32>,
        tpu.vector_store %arg6[%swap3A_1370], %select_n3A_1369 {strides = array<i32>} : memref<4096xf32, #tpu.memory_space<vmem>>, vector<16xf32>,
        %add3A_1372 = arith.constant 112 : i32
        %add3A_1373 = arith.addi %mul3A_1280, %add3A_1372 : i32
        %get3A_1374 = arith.index_cast %add3A_1373 : i32 to index
        %get3A_1375 = tpu.vector_load %arg5[%get3A_1374] {strides = array<i32>} : memref<4096xi32, #tpu.memory_space<vmem>>, vector<16xi32>,
        %ge3A_1376 = vector.broadcast %select_n3A_1271 : i32 to vector<16xi32>
        %ge3A_1377 = arith.cmpi sge, %get3A_1375, %ge3A_1376 : vector<16xi32>
        %jit3A_1378 = arith.constant 1.000000e+00 : f32
        %jit3A_1379 = arith.constant 0.000000e+00 : f32
        %broadcast_in_dim3A_1380 = vector.broadcast %jit3A_1378 : f32 to vector<16xf32>
        %broadcast_in_dim3A_1381 = vector.broadcast %jit3A_1379 : f32 to vector<16xf32>
        %select_n3A_1382 = arith.select %ge3A_1377, %broadcast_in_dim3A_1380, %broadcast_in_dim3A_1381 : vector<16xi1>, vector<16xf32>
        %swap3A_1383 = arith.index_cast %add3A_1373 : i32 to index
        %swap3A_1384 = tpu.vector_load %arg6[%swap3A_1383] {strides = array<i32>} : memref<4096xf32, #tpu.memory_space<vmem>>, vector<16xf32>,
        tpu.vector_store %arg6[%swap3A_1383], %select_n3A_1382 {strides = array<i32>} : memref<4096xf32, #tpu.memory_space<vmem>>, vector<16xf32>,
      }
      %scan3A_1277 = arith.constant 32 : i32
      "tpu.region"() ({
        %run_scoped3A = tpu.sem_alloc : memref<!tpu.dma_semaphore, #tpu.memory_space<semaphore_mem>>
        %dma_start3A = arith.constant 0 : i32
        %dma_start3A_1278 = tpu.memref_slice %arg3[%add3A_9, %dma_start3A] : memref<4096x4096xf32, #tpu.memory_space<hbm>> -> memref<1x4096xf32, #tpu.memory_space<hbm>>
        %dma_start3A_1279 = tpu.memref_squeeze %dma_start3A_1278 : memref<1x4096xf32, #tpu.memory_space<hbm>> -> memref<4096xf32, #tpu.memory_space<hbm>>
        %dma_start3A_1280 = arith.constant 0 : i32
        %dma_start3A_1281 = tpu.memref_slice %arg3[%add3A_9, %dma_start3A_1280] : memref<4096x4096xf32, #tpu.memory_space<hbm>> -> memref<1x4096xf32, #tpu.memory_space<hbm>>
        %dma_start3A_1282 = tpu.memref_squeeze %dma_start3A_1281 : memref<1x4096xf32, #tpu.memory_space<hbm>> -> memref<4096xf32, #tpu.memory_space<hbm>>
        tpu.enqueue_dma source(%arg6 : memref<4096xf32, #tpu.memory_space<vmem>>) target(%dma_start3A_1282 : memref<4096xf32, #tpu.memory_space<hbm>>) target_semaphore(%run_scoped3A : memref<!tpu.dma_semaphore, #tpu.memory_space<semaphore_mem>>)
        %dma_wait3A = arith.constant 0 : i32
        %dma_wait3A_1283 = tpu.memref_slice %arg3[%add3A_9, %dma_wait3A] : memref<4096x4096xf32, #tpu.memory_space<hbm>> -> memref<1x4096xf32, #tpu.memory_space<hbm>>
        %dma_wait3A_1284 = tpu.memref_squeeze %dma_wait3A_1283 : memref<1x4096xf32, #tpu.memory_space<hbm>> -> memref<4096xf32, #tpu.memory_space<hbm>>
        %dma_wait3A_1285 = arith.constant 0 : i32
        %dma_wait3A_1286 = tpu.memref_slice %arg3[%add3A_9, %dma_wait3A_1285] : memref<4096x4096xf32, #tpu.memory_space<hbm>> -> memref<1x4096xf32, #tpu.memory_space<hbm>>
        %dma_wait3A_1287 = tpu.memref_squeeze %dma_wait3A_1286 : memref<1x4096xf32, #tpu.memory_space<hbm>> -> memref<4096xf32, #tpu.memory_space<hbm>>
        tpu.wait_dma2 semaphore(%run_scoped3A : memref<!tpu.dma_semaphore, #tpu.memory_space<semaphore_mem>>) src(%arg6 : memref<4096xf32, #tpu.memory_space<vmem>>) dst(%dma_wait3A_1287 : memref<4096xf32, #tpu.memory_space<hbm>>)
        tpu.yield
      }) : () -> ()
    }
    %scan3A_5 = arith.constant 128 : i32
    return
  }
}

module attributes {stable_mosaic.version = 14 : i64} {
  func.func @_topk_mask_body(%arg0: i32, %arg1: memref<256x4096xf32, #tpu.memory_space<vmem>>, %arg2: memref<256x4096xf32, #tpu.memory_space<vmem>>) attributes {dimension_semantics = [#tpu.dimension_semantics<arbitrary>], iteration_bounds = array<i64: 16>, scalar_prefetch = 0 : i64, scratch_operands = 0 : i64, tpu.core_type = #tpu.core_type<tc>, window_params = [{transform_indices = @transform_0, window_bounds = array<i64: 256, 4096>}, {transform_indices = @transform_1, window_bounds = array<i64: 256, 4096>}]} {
    %get3A = arith.constant 0 : index
    %get3A_0 = arith.constant 0 : index
    %get3A_1 = vector.load %arg1[%get3A, %get3A_0] : memref<256x4096xf32, #tpu.memory_space<vmem>>, vector<256x4096xf32>
    %abs3A = math.absf %get3A_1 : vector<256x4096xf32>
    %bitcast_convert_type3A = tpu.bitcast %abs3A : vector<256x4096xf32> -> vector<256x4096xi32>
    %broadcast_in_dim3A = arith.constant 0 : i32
    %broadcast_in_dim3A_2 = vector.broadcast %broadcast_in_dim3A : i32 to vector<256x1xi32>
    %or3A = arith.constant 1073741824 : i32
    %or3A_3 = vector.broadcast %or3A : i32 to vector<256x1xi32>
    %or3A_4 = arith.ori %broadcast_in_dim3A_2, %or3A_3 : vector<256x1xi32>
    %ge3A = vector.broadcast %or3A_4 : vector<256x1xi32> to vector<256x4096xi32>
    %ge3A_5 = arith.cmpi sge, %bitcast_convert_type3A, %ge3A : vector<256x4096xi32>
    %convert_element_type3A = arith.extui %ge3A_5 : vector<256x4096xi1> to vector<256x4096xi32>
    %reduce_sum3A = arith.constant dense<0> : vector<256xi32>
    %reduce_sum3A_6 = vector.multi_reduction <add>, %convert_element_type3A, %reduce_sum3A [1] : vector<256x4096xi32> to vector<256xi32>
    %broadcast_in_dim3A_7 = vector.shape_cast %reduce_sum3A_6 : vector<256xi32> to vector<256x1xi32>
    %ge3A_8 = arith.constant 2048 : i32
    %ge3A_9 = vector.broadcast %ge3A_8 : i32 to vector<256x1xi32>
    %ge3A_10 = arith.cmpi sge, %broadcast_in_dim3A_7, %ge3A_9 : vector<256x1xi32>
    %select_n3A = arith.select %ge3A_10, %or3A_4, %broadcast_in_dim3A_2 : vector<256x1xi1>, vector<256x1xi32>
    %or3A_11 = arith.constant 536870912 : i32
    %or3A_12 = vector.broadcast %or3A_11 : i32 to vector<256x1xi32>
    %or3A_13 = arith.ori %select_n3A, %or3A_12 : vector<256x1xi32>
    %ge3A_14 = vector.broadcast %or3A_13 : vector<256x1xi32> to vector<256x4096xi32>
    %ge3A_15 = arith.cmpi sge, %bitcast_convert_type3A, %ge3A_14 : vector<256x4096xi32>
    %convert_element_type3A_16 = arith.extui %ge3A_15 : vector<256x4096xi1> to vector<256x4096xi32>
    %reduce_sum3A_17 = arith.constant dense<0> : vector<256xi32>
    %reduce_sum3A_18 = vector.multi_reduction <add>, %convert_element_type3A_16, %reduce_sum3A_17 [1] : vector<256x4096xi32> to vector<256xi32>
    %broadcast_in_dim3A_19 = vector.shape_cast %reduce_sum3A_18 : vector<256xi32> to vector<256x1xi32>
    %ge3A_20 = arith.constant 2048 : i32
    %ge3A_21 = vector.broadcast %ge3A_20 : i32 to vector<256x1xi32>
    %ge3A_22 = arith.cmpi sge, %broadcast_in_dim3A_19, %ge3A_21 : vector<256x1xi32>
    %select_n3A_23 = arith.select %ge3A_22, %or3A_13, %select_n3A : vector<256x1xi1>, vector<256x1xi32>
    %or3A_24 = arith.constant 268435456 : i32
    %or3A_25 = vector.broadcast %or3A_24 : i32 to vector<256x1xi32>
    %or3A_26 = arith.ori %select_n3A_23, %or3A_25 : vector<256x1xi32>
    %ge3A_27 = vector.broadcast %or3A_26 : vector<256x1xi32> to vector<256x4096xi32>
    %ge3A_28 = arith.cmpi sge, %bitcast_convert_type3A, %ge3A_27 : vector<256x4096xi32>
    %convert_element_type3A_29 = arith.extui %ge3A_28 : vector<256x4096xi1> to vector<256x4096xi32>
    %reduce_sum3A_30 = arith.constant dense<0> : vector<256xi32>
    %reduce_sum3A_31 = vector.multi_reduction <add>, %convert_element_type3A_29, %reduce_sum3A_30 [1] : vector<256x4096xi32> to vector<256xi32>
    %broadcast_in_dim3A_32 = vector.shape_cast %reduce_sum3A_31 : vector<256xi32> to vector<256x1xi32>
    %ge3A_33 = arith.constant 2048 : i32
    %ge3A_34 = vector.broadcast %ge3A_33 : i32 to vector<256x1xi32>
    %ge3A_35 = arith.cmpi sge, %broadcast_in_dim3A_32, %ge3A_34 : vector<256x1xi32>
    %select_n3A_36 = arith.select %ge3A_35, %or3A_26, %select_n3A_23 : vector<256x1xi1>, vector<256x1xi32>
    %or3A_37 = arith.constant 134217728 : i32
    %or3A_38 = vector.broadcast %or3A_37 : i32 to vector<256x1xi32>
    %or3A_39 = arith.ori %select_n3A_36, %or3A_38 : vector<256x1xi32>
    %ge3A_40 = vector.broadcast %or3A_39 : vector<256x1xi32> to vector<256x4096xi32>
    %ge3A_41 = arith.cmpi sge, %bitcast_convert_type3A, %ge3A_40 : vector<256x4096xi32>
    %convert_element_type3A_42 = arith.extui %ge3A_41 : vector<256x4096xi1> to vector<256x4096xi32>
    %reduce_sum3A_43 = arith.constant dense<0> : vector<256xi32>
    %reduce_sum3A_44 = vector.multi_reduction <add>, %convert_element_type3A_42, %reduce_sum3A_43 [1] : vector<256x4096xi32> to vector<256xi32>
    %broadcast_in_dim3A_45 = vector.shape_cast %reduce_sum3A_44 : vector<256xi32> to vector<256x1xi32>
    %ge3A_46 = arith.constant 2048 : i32
    %ge3A_47 = vector.broadcast %ge3A_46 : i32 to vector<256x1xi32>
    %ge3A_48 = arith.cmpi sge, %broadcast_in_dim3A_45, %ge3A_47 : vector<256x1xi32>
    %select_n3A_49 = arith.select %ge3A_48, %or3A_39, %select_n3A_36 : vector<256x1xi1>, vector<256x1xi32>
    %or3A_50 = arith.constant 67108864 : i32
    %or3A_51 = vector.broadcast %or3A_50 : i32 to vector<256x1xi32>
    %or3A_52 = arith.ori %select_n3A_49, %or3A_51 : vector<256x1xi32>
    %ge3A_53 = vector.broadcast %or3A_52 : vector<256x1xi32> to vector<256x4096xi32>
    %ge3A_54 = arith.cmpi sge, %bitcast_convert_type3A, %ge3A_53 : vector<256x4096xi32>
    %convert_element_type3A_55 = arith.extui %ge3A_54 : vector<256x4096xi1> to vector<256x4096xi32>
    %reduce_sum3A_56 = arith.constant dense<0> : vector<256xi32>
    %reduce_sum3A_57 = vector.multi_reduction <add>, %convert_element_type3A_55, %reduce_sum3A_56 [1] : vector<256x4096xi32> to vector<256xi32>
    %broadcast_in_dim3A_58 = vector.shape_cast %reduce_sum3A_57 : vector<256xi32> to vector<256x1xi32>
    %ge3A_59 = arith.constant 2048 : i32
    %ge3A_60 = vector.broadcast %ge3A_59 : i32 to vector<256x1xi32>
    %ge3A_61 = arith.cmpi sge, %broadcast_in_dim3A_58, %ge3A_60 : vector<256x1xi32>
    %select_n3A_62 = arith.select %ge3A_61, %or3A_52, %select_n3A_49 : vector<256x1xi1>, vector<256x1xi32>
    %or3A_63 = arith.constant 33554432 : i32
    %or3A_64 = vector.broadcast %or3A_63 : i32 to vector<256x1xi32>
    %or3A_65 = arith.ori %select_n3A_62, %or3A_64 : vector<256x1xi32>
    %ge3A_66 = vector.broadcast %or3A_65 : vector<256x1xi32> to vector<256x4096xi32>
    %ge3A_67 = arith.cmpi sge, %bitcast_convert_type3A, %ge3A_66 : vector<256x4096xi32>
    %convert_element_type3A_68 = arith.extui %ge3A_67 : vector<256x4096xi1> to vector<256x4096xi32>
    %reduce_sum3A_69 = arith.constant dense<0> : vector<256xi32>
    %reduce_sum3A_70 = vector.multi_reduction <add>, %convert_element_type3A_68, %reduce_sum3A_69 [1] : vector<256x4096xi32> to vector<256xi32>
    %broadcast_in_dim3A_71 = vector.shape_cast %reduce_sum3A_70 : vector<256xi32> to vector<256x1xi32>
    %ge3A_72 = arith.constant 2048 : i32
    %ge3A_73 = vector.broadcast %ge3A_72 : i32 to vector<256x1xi32>
    %ge3A_74 = arith.cmpi sge, %broadcast_in_dim3A_71, %ge3A_73 : vector<256x1xi32>
    %select_n3A_75 = arith.select %ge3A_74, %or3A_65, %select_n3A_62 : vector<256x1xi1>, vector<256x1xi32>
    %or3A_76 = arith.constant 16777216 : i32
    %or3A_77 = vector.broadcast %or3A_76 : i32 to vector<256x1xi32>
    %or3A_78 = arith.ori %select_n3A_75, %or3A_77 : vector<256x1xi32>
    %ge3A_79 = vector.broadcast %or3A_78 : vector<256x1xi32> to vector<256x4096xi32>
    %ge3A_80 = arith.cmpi sge, %bitcast_convert_type3A, %ge3A_79 : vector<256x4096xi32>
    %convert_element_type3A_81 = arith.extui %ge3A_80 : vector<256x4096xi1> to vector<256x4096xi32>
    %reduce_sum3A_82 = arith.constant dense<0> : vector<256xi32>
    %reduce_sum3A_83 = vector.multi_reduction <add>, %convert_element_type3A_81, %reduce_sum3A_82 [1] : vector<256x4096xi32> to vector<256xi32>
    %broadcast_in_dim3A_84 = vector.shape_cast %reduce_sum3A_83 : vector<256xi32> to vector<256x1xi32>
    %ge3A_85 = arith.constant 2048 : i32
    %ge3A_86 = vector.broadcast %ge3A_85 : i32 to vector<256x1xi32>
    %ge3A_87 = arith.cmpi sge, %broadcast_in_dim3A_84, %ge3A_86 : vector<256x1xi32>
    %select_n3A_88 = arith.select %ge3A_87, %or3A_78, %select_n3A_75 : vector<256x1xi1>, vector<256x1xi32>
    %or3A_89 = arith.constant 8388608 : i32
    %or3A_90 = vector.broadcast %or3A_89 : i32 to vector<256x1xi32>
    %or3A_91 = arith.ori %select_n3A_88, %or3A_90 : vector<256x1xi32>
    %ge3A_92 = vector.broadcast %or3A_91 : vector<256x1xi32> to vector<256x4096xi32>
    %ge3A_93 = arith.cmpi sge, %bitcast_convert_type3A, %ge3A_92 : vector<256x4096xi32>
    %convert_element_type3A_94 = arith.extui %ge3A_93 : vector<256x4096xi1> to vector<256x4096xi32>
    %reduce_sum3A_95 = arith.constant dense<0> : vector<256xi32>
    %reduce_sum3A_96 = vector.multi_reduction <add>, %convert_element_type3A_94, %reduce_sum3A_95 [1] : vector<256x4096xi32> to vector<256xi32>
    %broadcast_in_dim3A_97 = vector.shape_cast %reduce_sum3A_96 : vector<256xi32> to vector<256x1xi32>
    %ge3A_98 = arith.constant 2048 : i32
    %ge3A_99 = vector.broadcast %ge3A_98 : i32 to vector<256x1xi32>
    %ge3A_100 = arith.cmpi sge, %broadcast_in_dim3A_97, %ge3A_99 : vector<256x1xi32>
    %select_n3A_101 = arith.select %ge3A_100, %or3A_91, %select_n3A_88 : vector<256x1xi1>, vector<256x1xi32>
    %or3A_102 = arith.constant 4194304 : i32
    %or3A_103 = vector.broadcast %or3A_102 : i32 to vector<256x1xi32>
    %or3A_104 = arith.ori %select_n3A_101, %or3A_103 : vector<256x1xi32>
    %ge3A_105 = vector.broadcast %or3A_104 : vector<256x1xi32> to vector<256x4096xi32>
    %ge3A_106 = arith.cmpi sge, %bitcast_convert_type3A, %ge3A_105 : vector<256x4096xi32>
    %convert_element_type3A_107 = arith.extui %ge3A_106 : vector<256x4096xi1> to vector<256x4096xi32>
    %reduce_sum3A_108 = arith.constant dense<0> : vector<256xi32>
    %reduce_sum3A_109 = vector.multi_reduction <add>, %convert_element_type3A_107, %reduce_sum3A_108 [1] : vector<256x4096xi32> to vector<256xi32>
    %broadcast_in_dim3A_110 = vector.shape_cast %reduce_sum3A_109 : vector<256xi32> to vector<256x1xi32>
    %ge3A_111 = arith.constant 2048 : i32
    %ge3A_112 = vector.broadcast %ge3A_111 : i32 to vector<256x1xi32>
    %ge3A_113 = arith.cmpi sge, %broadcast_in_dim3A_110, %ge3A_112 : vector<256x1xi32>
    %select_n3A_114 = arith.select %ge3A_113, %or3A_104, %select_n3A_101 : vector<256x1xi1>, vector<256x1xi32>
    %or3A_115 = arith.constant 2097152 : i32
    %or3A_116 = vector.broadcast %or3A_115 : i32 to vector<256x1xi32>
    %or3A_117 = arith.ori %select_n3A_114, %or3A_116 : vector<256x1xi32>
    %ge3A_118 = vector.broadcast %or3A_117 : vector<256x1xi32> to vector<256x4096xi32>
    %ge3A_119 = arith.cmpi sge, %bitcast_convert_type3A, %ge3A_118 : vector<256x4096xi32>
    %convert_element_type3A_120 = arith.extui %ge3A_119 : vector<256x4096xi1> to vector<256x4096xi32>
    %reduce_sum3A_121 = arith.constant dense<0> : vector<256xi32>
    %reduce_sum3A_122 = vector.multi_reduction <add>, %convert_element_type3A_120, %reduce_sum3A_121 [1] : vector<256x4096xi32> to vector<256xi32>
    %broadcast_in_dim3A_123 = vector.shape_cast %reduce_sum3A_122 : vector<256xi32> to vector<256x1xi32>
    %ge3A_124 = arith.constant 2048 : i32
    %ge3A_125 = vector.broadcast %ge3A_124 : i32 to vector<256x1xi32>
    %ge3A_126 = arith.cmpi sge, %broadcast_in_dim3A_123, %ge3A_125 : vector<256x1xi32>
    %select_n3A_127 = arith.select %ge3A_126, %or3A_117, %select_n3A_114 : vector<256x1xi1>, vector<256x1xi32>
    %or3A_128 = arith.constant 1048576 : i32
    %or3A_129 = vector.broadcast %or3A_128 : i32 to vector<256x1xi32>
    %or3A_130 = arith.ori %select_n3A_127, %or3A_129 : vector<256x1xi32>
    %ge3A_131 = vector.broadcast %or3A_130 : vector<256x1xi32> to vector<256x4096xi32>
    %ge3A_132 = arith.cmpi sge, %bitcast_convert_type3A, %ge3A_131 : vector<256x4096xi32>
    %convert_element_type3A_133 = arith.extui %ge3A_132 : vector<256x4096xi1> to vector<256x4096xi32>
    %reduce_sum3A_134 = arith.constant dense<0> : vector<256xi32>
    %reduce_sum3A_135 = vector.multi_reduction <add>, %convert_element_type3A_133, %reduce_sum3A_134 [1] : vector<256x4096xi32> to vector<256xi32>
    %broadcast_in_dim3A_136 = vector.shape_cast %reduce_sum3A_135 : vector<256xi32> to vector<256x1xi32>
    %ge3A_137 = arith.constant 2048 : i32
    %ge3A_138 = vector.broadcast %ge3A_137 : i32 to vector<256x1xi32>
    %ge3A_139 = arith.cmpi sge, %broadcast_in_dim3A_136, %ge3A_138 : vector<256x1xi32>
    %select_n3A_140 = arith.select %ge3A_139, %or3A_130, %select_n3A_127 : vector<256x1xi1>, vector<256x1xi32>
    %or3A_141 = arith.constant 524288 : i32
    %or3A_142 = vector.broadcast %or3A_141 : i32 to vector<256x1xi32>
    %or3A_143 = arith.ori %select_n3A_140, %or3A_142 : vector<256x1xi32>
    %ge3A_144 = vector.broadcast %or3A_143 : vector<256x1xi32> to vector<256x4096xi32>
    %ge3A_145 = arith.cmpi sge, %bitcast_convert_type3A, %ge3A_144 : vector<256x4096xi32>
    %convert_element_type3A_146 = arith.extui %ge3A_145 : vector<256x4096xi1> to vector<256x4096xi32>
    %reduce_sum3A_147 = arith.constant dense<0> : vector<256xi32>
    %reduce_sum3A_148 = vector.multi_reduction <add>, %convert_element_type3A_146, %reduce_sum3A_147 [1] : vector<256x4096xi32> to vector<256xi32>
    %broadcast_in_dim3A_149 = vector.shape_cast %reduce_sum3A_148 : vector<256xi32> to vector<256x1xi32>
    %ge3A_150 = arith.constant 2048 : i32
    %ge3A_151 = vector.broadcast %ge3A_150 : i32 to vector<256x1xi32>
    %ge3A_152 = arith.cmpi sge, %broadcast_in_dim3A_149, %ge3A_151 : vector<256x1xi32>
    %select_n3A_153 = arith.select %ge3A_152, %or3A_143, %select_n3A_140 : vector<256x1xi1>, vector<256x1xi32>
    %or3A_154 = arith.constant 262144 : i32
    %or3A_155 = vector.broadcast %or3A_154 : i32 to vector<256x1xi32>
    %or3A_156 = arith.ori %select_n3A_153, %or3A_155 : vector<256x1xi32>
    %ge3A_157 = vector.broadcast %or3A_156 : vector<256x1xi32> to vector<256x4096xi32>
    %ge3A_158 = arith.cmpi sge, %bitcast_convert_type3A, %ge3A_157 : vector<256x4096xi32>
    %convert_element_type3A_159 = arith.extui %ge3A_158 : vector<256x4096xi1> to vector<256x4096xi32>
    %reduce_sum3A_160 = arith.constant dense<0> : vector<256xi32>
    %reduce_sum3A_161 = vector.multi_reduction <add>, %convert_element_type3A_159, %reduce_sum3A_160 [1] : vector<256x4096xi32> to vector<256xi32>
    %broadcast_in_dim3A_162 = vector.shape_cast %reduce_sum3A_161 : vector<256xi32> to vector<256x1xi32>
    %ge3A_163 = arith.constant 2048 : i32
    %ge3A_164 = vector.broadcast %ge3A_163 : i32 to vector<256x1xi32>
    %ge3A_165 = arith.cmpi sge, %broadcast_in_dim3A_162, %ge3A_164 : vector<256x1xi32>
    %select_n3A_166 = arith.select %ge3A_165, %or3A_156, %select_n3A_153 : vector<256x1xi1>, vector<256x1xi32>
    %or3A_167 = arith.constant 131072 : i32
    %or3A_168 = vector.broadcast %or3A_167 : i32 to vector<256x1xi32>
    %or3A_169 = arith.ori %select_n3A_166, %or3A_168 : vector<256x1xi32>
    %ge3A_170 = vector.broadcast %or3A_169 : vector<256x1xi32> to vector<256x4096xi32>
    %ge3A_171 = arith.cmpi sge, %bitcast_convert_type3A, %ge3A_170 : vector<256x4096xi32>
    %convert_element_type3A_172 = arith.extui %ge3A_171 : vector<256x4096xi1> to vector<256x4096xi32>
    %reduce_sum3A_173 = arith.constant dense<0> : vector<256xi32>
    %reduce_sum3A_174 = vector.multi_reduction <add>, %convert_element_type3A_172, %reduce_sum3A_173 [1] : vector<256x4096xi32> to vector<256xi32>
    %broadcast_in_dim3A_175 = vector.shape_cast %reduce_sum3A_174 : vector<256xi32> to vector<256x1xi32>
    %ge3A_176 = arith.constant 2048 : i32
    %ge3A_177 = vector.broadcast %ge3A_176 : i32 to vector<256x1xi32>
    %ge3A_178 = arith.cmpi sge, %broadcast_in_dim3A_175, %ge3A_177 : vector<256x1xi32>
    %select_n3A_179 = arith.select %ge3A_178, %or3A_169, %select_n3A_166 : vector<256x1xi1>, vector<256x1xi32>
    %or3A_180 = arith.constant 65536 : i32
    %or3A_181 = vector.broadcast %or3A_180 : i32 to vector<256x1xi32>
    %or3A_182 = arith.ori %select_n3A_179, %or3A_181 : vector<256x1xi32>
    %ge3A_183 = vector.broadcast %or3A_182 : vector<256x1xi32> to vector<256x4096xi32>
    %ge3A_184 = arith.cmpi sge, %bitcast_convert_type3A, %ge3A_183 : vector<256x4096xi32>
    %convert_element_type3A_185 = arith.extui %ge3A_184 : vector<256x4096xi1> to vector<256x4096xi32>
    %reduce_sum3A_186 = arith.constant dense<0> : vector<256xi32>
    %reduce_sum3A_187 = vector.multi_reduction <add>, %convert_element_type3A_185, %reduce_sum3A_186 [1] : vector<256x4096xi32> to vector<256xi32>
    %broadcast_in_dim3A_188 = vector.shape_cast %reduce_sum3A_187 : vector<256xi32> to vector<256x1xi32>
    %ge3A_189 = arith.constant 2048 : i32
    %ge3A_190 = vector.broadcast %ge3A_189 : i32 to vector<256x1xi32>
    %ge3A_191 = arith.cmpi sge, %broadcast_in_dim3A_188, %ge3A_190 : vector<256x1xi32>
    %select_n3A_192 = arith.select %ge3A_191, %or3A_182, %select_n3A_179 : vector<256x1xi1>, vector<256x1xi32>
    %or3A_193 = arith.constant 32768 : i32
    %or3A_194 = vector.broadcast %or3A_193 : i32 to vector<256x1xi32>
    %or3A_195 = arith.ori %select_n3A_192, %or3A_194 : vector<256x1xi32>
    %ge3A_196 = vector.broadcast %or3A_195 : vector<256x1xi32> to vector<256x4096xi32>
    %ge3A_197 = arith.cmpi sge, %bitcast_convert_type3A, %ge3A_196 : vector<256x4096xi32>
    %convert_element_type3A_198 = arith.extui %ge3A_197 : vector<256x4096xi1> to vector<256x4096xi32>
    %reduce_sum3A_199 = arith.constant dense<0> : vector<256xi32>
    %reduce_sum3A_200 = vector.multi_reduction <add>, %convert_element_type3A_198, %reduce_sum3A_199 [1] : vector<256x4096xi32> to vector<256xi32>
    %broadcast_in_dim3A_201 = vector.shape_cast %reduce_sum3A_200 : vector<256xi32> to vector<256x1xi32>
    %ge3A_202 = arith.constant 2048 : i32
    %ge3A_203 = vector.broadcast %ge3A_202 : i32 to vector<256x1xi32>
    %ge3A_204 = arith.cmpi sge, %broadcast_in_dim3A_201, %ge3A_203 : vector<256x1xi32>
    %select_n3A_205 = arith.select %ge3A_204, %or3A_195, %select_n3A_192 : vector<256x1xi1>, vector<256x1xi32>
    %or3A_206 = arith.constant 16384 : i32
    %or3A_207 = vector.broadcast %or3A_206 : i32 to vector<256x1xi32>
    %or3A_208 = arith.ori %select_n3A_205, %or3A_207 : vector<256x1xi32>
    %ge3A_209 = vector.broadcast %or3A_208 : vector<256x1xi32> to vector<256x4096xi32>
    %ge3A_210 = arith.cmpi sge, %bitcast_convert_type3A, %ge3A_209 : vector<256x4096xi32>
    %convert_element_type3A_211 = arith.extui %ge3A_210 : vector<256x4096xi1> to vector<256x4096xi32>
    %reduce_sum3A_212 = arith.constant dense<0> : vector<256xi32>
    %reduce_sum3A_213 = vector.multi_reduction <add>, %convert_element_type3A_211, %reduce_sum3A_212 [1] : vector<256x4096xi32> to vector<256xi32>
    %broadcast_in_dim3A_214 = vector.shape_cast %reduce_sum3A_213 : vector<256xi32> to vector<256x1xi32>
    %ge3A_215 = arith.constant 2048 : i32
    %ge3A_216 = vector.broadcast %ge3A_215 : i32 to vector<256x1xi32>
    %ge3A_217 = arith.cmpi sge, %broadcast_in_dim3A_214, %ge3A_216 : vector<256x1xi32>
    %select_n3A_218 = arith.select %ge3A_217, %or3A_208, %select_n3A_205 : vector<256x1xi1>, vector<256x1xi32>
    %or3A_219 = arith.constant 8192 : i32
    %or3A_220 = vector.broadcast %or3A_219 : i32 to vector<256x1xi32>
    %or3A_221 = arith.ori %select_n3A_218, %or3A_220 : vector<256x1xi32>
    %ge3A_222 = vector.broadcast %or3A_221 : vector<256x1xi32> to vector<256x4096xi32>
    %ge3A_223 = arith.cmpi sge, %bitcast_convert_type3A, %ge3A_222 : vector<256x4096xi32>
    %convert_element_type3A_224 = arith.extui %ge3A_223 : vector<256x4096xi1> to vector<256x4096xi32>
    %reduce_sum3A_225 = arith.constant dense<0> : vector<256xi32>
    %reduce_sum3A_226 = vector.multi_reduction <add>, %convert_element_type3A_224, %reduce_sum3A_225 [1] : vector<256x4096xi32> to vector<256xi32>
    %broadcast_in_dim3A_227 = vector.shape_cast %reduce_sum3A_226 : vector<256xi32> to vector<256x1xi32>
    %ge3A_228 = arith.constant 2048 : i32
    %ge3A_229 = vector.broadcast %ge3A_228 : i32 to vector<256x1xi32>
    %ge3A_230 = arith.cmpi sge, %broadcast_in_dim3A_227, %ge3A_229 : vector<256x1xi32>
    %select_n3A_231 = arith.select %ge3A_230, %or3A_221, %select_n3A_218 : vector<256x1xi1>, vector<256x1xi32>
    %or3A_232 = arith.constant 4096 : i32
    %or3A_233 = vector.broadcast %or3A_232 : i32 to vector<256x1xi32>
    %or3A_234 = arith.ori %select_n3A_231, %or3A_233 : vector<256x1xi32>
    %ge3A_235 = vector.broadcast %or3A_234 : vector<256x1xi32> to vector<256x4096xi32>
    %ge3A_236 = arith.cmpi sge, %bitcast_convert_type3A, %ge3A_235 : vector<256x4096xi32>
    %convert_element_type3A_237 = arith.extui %ge3A_236 : vector<256x4096xi1> to vector<256x4096xi32>
    %reduce_sum3A_238 = arith.constant dense<0> : vector<256xi32>
    %reduce_sum3A_239 = vector.multi_reduction <add>, %convert_element_type3A_237, %reduce_sum3A_238 [1] : vector<256x4096xi32> to vector<256xi32>
    %broadcast_in_dim3A_240 = vector.shape_cast %reduce_sum3A_239 : vector<256xi32> to vector<256x1xi32>
    %ge3A_241 = arith.constant 2048 : i32
    %ge3A_242 = vector.broadcast %ge3A_241 : i32 to vector<256x1xi32>
    %ge3A_243 = arith.cmpi sge, %broadcast_in_dim3A_240, %ge3A_242 : vector<256x1xi32>
    %select_n3A_244 = arith.select %ge3A_243, %or3A_234, %select_n3A_231 : vector<256x1xi1>, vector<256x1xi32>
    %or3A_245 = arith.constant 2048 : i32
    %or3A_246 = vector.broadcast %or3A_245 : i32 to vector<256x1xi32>
    %or3A_247 = arith.ori %select_n3A_244, %or3A_246 : vector<256x1xi32>
    %ge3A_248 = vector.broadcast %or3A_247 : vector<256x1xi32> to vector<256x4096xi32>
    %ge3A_249 = arith.cmpi sge, %bitcast_convert_type3A, %ge3A_248 : vector<256x4096xi32>
    %convert_element_type3A_250 = arith.extui %ge3A_249 : vector<256x4096xi1> to vector<256x4096xi32>
    %reduce_sum3A_251 = arith.constant dense<0> : vector<256xi32>
    %reduce_sum3A_252 = vector.multi_reduction <add>, %convert_element_type3A_250, %reduce_sum3A_251 [1] : vector<256x4096xi32> to vector<256xi32>
    %broadcast_in_dim3A_253 = vector.shape_cast %reduce_sum3A_252 : vector<256xi32> to vector<256x1xi32>
    %ge3A_254 = arith.constant 2048 : i32
    %ge3A_255 = vector.broadcast %ge3A_254 : i32 to vector<256x1xi32>
    %ge3A_256 = arith.cmpi sge, %broadcast_in_dim3A_253, %ge3A_255 : vector<256x1xi32>
    %select_n3A_257 = arith.select %ge3A_256, %or3A_247, %select_n3A_244 : vector<256x1xi1>, vector<256x1xi32>
    %or3A_258 = arith.constant 1024 : i32
    %or3A_259 = vector.broadcast %or3A_258 : i32 to vector<256x1xi32>
    %or3A_260 = arith.ori %select_n3A_257, %or3A_259 : vector<256x1xi32>
    %ge3A_261 = vector.broadcast %or3A_260 : vector<256x1xi32> to vector<256x4096xi32>
    %ge3A_262 = arith.cmpi sge, %bitcast_convert_type3A, %ge3A_261 : vector<256x4096xi32>
    %convert_element_type3A_263 = arith.extui %ge3A_262 : vector<256x4096xi1> to vector<256x4096xi32>
    %reduce_sum3A_264 = arith.constant dense<0> : vector<256xi32>
    %reduce_sum3A_265 = vector.multi_reduction <add>, %convert_element_type3A_263, %reduce_sum3A_264 [1] : vector<256x4096xi32> to vector<256xi32>
    %broadcast_in_dim3A_266 = vector.shape_cast %reduce_sum3A_265 : vector<256xi32> to vector<256x1xi32>
    %ge3A_267 = arith.constant 2048 : i32
    %ge3A_268 = vector.broadcast %ge3A_267 : i32 to vector<256x1xi32>
    %ge3A_269 = arith.cmpi sge, %broadcast_in_dim3A_266, %ge3A_268 : vector<256x1xi32>
    %select_n3A_270 = arith.select %ge3A_269, %or3A_260, %select_n3A_257 : vector<256x1xi1>, vector<256x1xi32>
    %or3A_271 = arith.constant 512 : i32
    %or3A_272 = vector.broadcast %or3A_271 : i32 to vector<256x1xi32>
    %or3A_273 = arith.ori %select_n3A_270, %or3A_272 : vector<256x1xi32>
    %ge3A_274 = vector.broadcast %or3A_273 : vector<256x1xi32> to vector<256x4096xi32>
    %ge3A_275 = arith.cmpi sge, %bitcast_convert_type3A, %ge3A_274 : vector<256x4096xi32>
    %convert_element_type3A_276 = arith.extui %ge3A_275 : vector<256x4096xi1> to vector<256x4096xi32>
    %reduce_sum3A_277 = arith.constant dense<0> : vector<256xi32>
    %reduce_sum3A_278 = vector.multi_reduction <add>, %convert_element_type3A_276, %reduce_sum3A_277 [1] : vector<256x4096xi32> to vector<256xi32>
    %broadcast_in_dim3A_279 = vector.shape_cast %reduce_sum3A_278 : vector<256xi32> to vector<256x1xi32>
    %ge3A_280 = arith.constant 2048 : i32
    %ge3A_281 = vector.broadcast %ge3A_280 : i32 to vector<256x1xi32>
    %ge3A_282 = arith.cmpi sge, %broadcast_in_dim3A_279, %ge3A_281 : vector<256x1xi32>
    %select_n3A_283 = arith.select %ge3A_282, %or3A_273, %select_n3A_270 : vector<256x1xi1>, vector<256x1xi32>
    %or3A_284 = arith.constant 256 : i32
    %or3A_285 = vector.broadcast %or3A_284 : i32 to vector<256x1xi32>
    %or3A_286 = arith.ori %select_n3A_283, %or3A_285 : vector<256x1xi32>
    %ge3A_287 = vector.broadcast %or3A_286 : vector<256x1xi32> to vector<256x4096xi32>
    %ge3A_288 = arith.cmpi sge, %bitcast_convert_type3A, %ge3A_287 : vector<256x4096xi32>
    %convert_element_type3A_289 = arith.extui %ge3A_288 : vector<256x4096xi1> to vector<256x4096xi32>
    %reduce_sum3A_290 = arith.constant dense<0> : vector<256xi32>
    %reduce_sum3A_291 = vector.multi_reduction <add>, %convert_element_type3A_289, %reduce_sum3A_290 [1] : vector<256x4096xi32> to vector<256xi32>
    %broadcast_in_dim3A_292 = vector.shape_cast %reduce_sum3A_291 : vector<256xi32> to vector<256x1xi32>
    %ge3A_293 = arith.constant 2048 : i32
    %ge3A_294 = vector.broadcast %ge3A_293 : i32 to vector<256x1xi32>
    %ge3A_295 = arith.cmpi sge, %broadcast_in_dim3A_292, %ge3A_294 : vector<256x1xi32>
    %select_n3A_296 = arith.select %ge3A_295, %or3A_286, %select_n3A_283 : vector<256x1xi1>, vector<256x1xi32>
    %or3A_297 = arith.constant 128 : i32
    %or3A_298 = vector.broadcast %or3A_297 : i32 to vector<256x1xi32>
    %or3A_299 = arith.ori %select_n3A_296, %or3A_298 : vector<256x1xi32>
    %ge3A_300 = vector.broadcast %or3A_299 : vector<256x1xi32> to vector<256x4096xi32>
    %ge3A_301 = arith.cmpi sge, %bitcast_convert_type3A, %ge3A_300 : vector<256x4096xi32>
    %convert_element_type3A_302 = arith.extui %ge3A_301 : vector<256x4096xi1> to vector<256x4096xi32>
    %reduce_sum3A_303 = arith.constant dense<0> : vector<256xi32>
    %reduce_sum3A_304 = vector.multi_reduction <add>, %convert_element_type3A_302, %reduce_sum3A_303 [1] : vector<256x4096xi32> to vector<256xi32>
    %broadcast_in_dim3A_305 = vector.shape_cast %reduce_sum3A_304 : vector<256xi32> to vector<256x1xi32>
    %ge3A_306 = arith.constant 2048 : i32
    %ge3A_307 = vector.broadcast %ge3A_306 : i32 to vector<256x1xi32>
    %ge3A_308 = arith.cmpi sge, %broadcast_in_dim3A_305, %ge3A_307 : vector<256x1xi32>
    %select_n3A_309 = arith.select %ge3A_308, %or3A_299, %select_n3A_296 : vector<256x1xi1>, vector<256x1xi32>
    %or3A_310 = arith.constant 64 : i32
    %or3A_311 = vector.broadcast %or3A_310 : i32 to vector<256x1xi32>
    %or3A_312 = arith.ori %select_n3A_309, %or3A_311 : vector<256x1xi32>
    %ge3A_313 = vector.broadcast %or3A_312 : vector<256x1xi32> to vector<256x4096xi32>
    %ge3A_314 = arith.cmpi sge, %bitcast_convert_type3A, %ge3A_313 : vector<256x4096xi32>
    %convert_element_type3A_315 = arith.extui %ge3A_314 : vector<256x4096xi1> to vector<256x4096xi32>
    %reduce_sum3A_316 = arith.constant dense<0> : vector<256xi32>
    %reduce_sum3A_317 = vector.multi_reduction <add>, %convert_element_type3A_315, %reduce_sum3A_316 [1] : vector<256x4096xi32> to vector<256xi32>
    %broadcast_in_dim3A_318 = vector.shape_cast %reduce_sum3A_317 : vector<256xi32> to vector<256x1xi32>
    %ge3A_319 = arith.constant 2048 : i32
    %ge3A_320 = vector.broadcast %ge3A_319 : i32 to vector<256x1xi32>
    %ge3A_321 = arith.cmpi sge, %broadcast_in_dim3A_318, %ge3A_320 : vector<256x1xi32>
    %select_n3A_322 = arith.select %ge3A_321, %or3A_312, %select_n3A_309 : vector<256x1xi1>, vector<256x1xi32>
    %or3A_323 = arith.constant 32 : i32
    %or3A_324 = vector.broadcast %or3A_323 : i32 to vector<256x1xi32>
    %or3A_325 = arith.ori %select_n3A_322, %or3A_324 : vector<256x1xi32>
    %ge3A_326 = vector.broadcast %or3A_325 : vector<256x1xi32> to vector<256x4096xi32>
    %ge3A_327 = arith.cmpi sge, %bitcast_convert_type3A, %ge3A_326 : vector<256x4096xi32>
    %convert_element_type3A_328 = arith.extui %ge3A_327 : vector<256x4096xi1> to vector<256x4096xi32>
    %reduce_sum3A_329 = arith.constant dense<0> : vector<256xi32>
    %reduce_sum3A_330 = vector.multi_reduction <add>, %convert_element_type3A_328, %reduce_sum3A_329 [1] : vector<256x4096xi32> to vector<256xi32>
    %broadcast_in_dim3A_331 = vector.shape_cast %reduce_sum3A_330 : vector<256xi32> to vector<256x1xi32>
    %ge3A_332 = arith.constant 2048 : i32
    %ge3A_333 = vector.broadcast %ge3A_332 : i32 to vector<256x1xi32>
    %ge3A_334 = arith.cmpi sge, %broadcast_in_dim3A_331, %ge3A_333 : vector<256x1xi32>
    %select_n3A_335 = arith.select %ge3A_334, %or3A_325, %select_n3A_322 : vector<256x1xi1>, vector<256x1xi32>
    %or3A_336 = arith.constant 16 : i32
    %or3A_337 = vector.broadcast %or3A_336 : i32 to vector<256x1xi32>
    %or3A_338 = arith.ori %select_n3A_335, %or3A_337 : vector<256x1xi32>
    %ge3A_339 = vector.broadcast %or3A_338 : vector<256x1xi32> to vector<256x4096xi32>
    %ge3A_340 = arith.cmpi sge, %bitcast_convert_type3A, %ge3A_339 : vector<256x4096xi32>
    %convert_element_type3A_341 = arith.extui %ge3A_340 : vector<256x4096xi1> to vector<256x4096xi32>
    %reduce_sum3A_342 = arith.constant dense<0> : vector<256xi32>
    %reduce_sum3A_343 = vector.multi_reduction <add>, %convert_element_type3A_341, %reduce_sum3A_342 [1] : vector<256x4096xi32> to vector<256xi32>
    %broadcast_in_dim3A_344 = vector.shape_cast %reduce_sum3A_343 : vector<256xi32> to vector<256x1xi32>
    %ge3A_345 = arith.constant 2048 : i32
    %ge3A_346 = vector.broadcast %ge3A_345 : i32 to vector<256x1xi32>
    %ge3A_347 = arith.cmpi sge, %broadcast_in_dim3A_344, %ge3A_346 : vector<256x1xi32>
    %select_n3A_348 = arith.select %ge3A_347, %or3A_338, %select_n3A_335 : vector<256x1xi1>, vector<256x1xi32>
    %or3A_349 = arith.constant 8 : i32
    %or3A_350 = vector.broadcast %or3A_349 : i32 to vector<256x1xi32>
    %or3A_351 = arith.ori %select_n3A_348, %or3A_350 : vector<256x1xi32>
    %ge3A_352 = vector.broadcast %or3A_351 : vector<256x1xi32> to vector<256x4096xi32>
    %ge3A_353 = arith.cmpi sge, %bitcast_convert_type3A, %ge3A_352 : vector<256x4096xi32>
    %convert_element_type3A_354 = arith.extui %ge3A_353 : vector<256x4096xi1> to vector<256x4096xi32>
    %reduce_sum3A_355 = arith.constant dense<0> : vector<256xi32>
    %reduce_sum3A_356 = vector.multi_reduction <add>, %convert_element_type3A_354, %reduce_sum3A_355 [1] : vector<256x4096xi32> to vector<256xi32>
    %broadcast_in_dim3A_357 = vector.shape_cast %reduce_sum3A_356 : vector<256xi32> to vector<256x1xi32>
    %ge3A_358 = arith.constant 2048 : i32
    %ge3A_359 = vector.broadcast %ge3A_358 : i32 to vector<256x1xi32>
    %ge3A_360 = arith.cmpi sge, %broadcast_in_dim3A_357, %ge3A_359 : vector<256x1xi32>
    %select_n3A_361 = arith.select %ge3A_360, %or3A_351, %select_n3A_348 : vector<256x1xi1>, vector<256x1xi32>
    %or3A_362 = arith.constant 4 : i32
    %or3A_363 = vector.broadcast %or3A_362 : i32 to vector<256x1xi32>
    %or3A_364 = arith.ori %select_n3A_361, %or3A_363 : vector<256x1xi32>
    %ge3A_365 = vector.broadcast %or3A_364 : vector<256x1xi32> to vector<256x4096xi32>
    %ge3A_366 = arith.cmpi sge, %bitcast_convert_type3A, %ge3A_365 : vector<256x4096xi32>
    %convert_element_type3A_367 = arith.extui %ge3A_366 : vector<256x4096xi1> to vector<256x4096xi32>
    %reduce_sum3A_368 = arith.constant dense<0> : vector<256xi32>
    %reduce_sum3A_369 = vector.multi_reduction <add>, %convert_element_type3A_367, %reduce_sum3A_368 [1] : vector<256x4096xi32> to vector<256xi32>
    %broadcast_in_dim3A_370 = vector.shape_cast %reduce_sum3A_369 : vector<256xi32> to vector<256x1xi32>
    %ge3A_371 = arith.constant 2048 : i32
    %ge3A_372 = vector.broadcast %ge3A_371 : i32 to vector<256x1xi32>
    %ge3A_373 = arith.cmpi sge, %broadcast_in_dim3A_370, %ge3A_372 : vector<256x1xi32>
    %select_n3A_374 = arith.select %ge3A_373, %or3A_364, %select_n3A_361 : vector<256x1xi1>, vector<256x1xi32>
    %or3A_375 = arith.constant 2 : i32
    %or3A_376 = vector.broadcast %or3A_375 : i32 to vector<256x1xi32>
    %or3A_377 = arith.ori %select_n3A_374, %or3A_376 : vector<256x1xi32>
    %ge3A_378 = vector.broadcast %or3A_377 : vector<256x1xi32> to vector<256x4096xi32>
    %ge3A_379 = arith.cmpi sge, %bitcast_convert_type3A, %ge3A_378 : vector<256x4096xi32>
    %convert_element_type3A_380 = arith.extui %ge3A_379 : vector<256x4096xi1> to vector<256x4096xi32>
    %reduce_sum3A_381 = arith.constant dense<0> : vector<256xi32>
    %reduce_sum3A_382 = vector.multi_reduction <add>, %convert_element_type3A_380, %reduce_sum3A_381 [1] : vector<256x4096xi32> to vector<256xi32>
    %broadcast_in_dim3A_383 = vector.shape_cast %reduce_sum3A_382 : vector<256xi32> to vector<256x1xi32>
    %ge3A_384 = arith.constant 2048 : i32
    %ge3A_385 = vector.broadcast %ge3A_384 : i32 to vector<256x1xi32>
    %ge3A_386 = arith.cmpi sge, %broadcast_in_dim3A_383, %ge3A_385 : vector<256x1xi32>
    %select_n3A_387 = arith.select %ge3A_386, %or3A_377, %select_n3A_374 : vector<256x1xi1>, vector<256x1xi32>
    %or3A_388 = arith.constant 1 : i32
    %or3A_389 = vector.broadcast %or3A_388 : i32 to vector<256x1xi32>
    %or3A_390 = arith.ori %select_n3A_387, %or3A_389 : vector<256x1xi32>
    %ge3A_391 = vector.broadcast %or3A_390 : vector<256x1xi32> to vector<256x4096xi32>
    %ge3A_392 = arith.cmpi sge, %bitcast_convert_type3A, %ge3A_391 : vector<256x4096xi32>
    %convert_element_type3A_393 = arith.extui %ge3A_392 : vector<256x4096xi1> to vector<256x4096xi32>
    %reduce_sum3A_394 = arith.constant dense<0> : vector<256xi32>
    %reduce_sum3A_395 = vector.multi_reduction <add>, %convert_element_type3A_393, %reduce_sum3A_394 [1] : vector<256x4096xi32> to vector<256xi32>
    %broadcast_in_dim3A_396 = vector.shape_cast %reduce_sum3A_395 : vector<256xi32> to vector<256x1xi32>
    %ge3A_397 = arith.constant 2048 : i32
    %ge3A_398 = vector.broadcast %ge3A_397 : i32 to vector<256x1xi32>
    %ge3A_399 = arith.cmpi sge, %broadcast_in_dim3A_396, %ge3A_398 : vector<256x1xi32>
    %select_n3A_400 = arith.select %ge3A_399, %or3A_390, %select_n3A_387 : vector<256x1xi1>, vector<256x1xi32>
    %ge3A_401 = vector.broadcast %select_n3A_400 : vector<256x1xi32> to vector<256x4096xi32>
    %ge3A_402 = arith.cmpi sge, %bitcast_convert_type3A, %ge3A_401 : vector<256x4096xi32>
    %convert_element_type3A_403 = arith.extui %ge3A_402 : vector<256x4096xi1> to vector<256x4096xi32>
    %convert_element_type3A_404 = arith.sitofp %convert_element_type3A_403 : vector<256x4096xi32> to vector<256x4096xf32>
    %mul3A = arith.constant 256 : i32
    %mul3A_405 = arith.muli %arg0, %mul3A : i32
    %add3A = arith.constant 4096 : i32
    %add3A_406 = arith.addi %add3A, %mul3A_405 : i32
    %iota3A = tpu.iota {dimensions = array<i32: 0>} : vector<256x1xi32>
    %add3A_407 = vector.broadcast %add3A_406 : i32 to vector<256x1xi32>
    %add3A_408 = arith.addi %add3A_407, %iota3A : vector<256x1xi32>
    %jit3A = arith.constant 4096 : i32
    %eq3A = arith.constant 0 : i32
    %eq3A_409 = arith.cmpi eq, %jit3A, %eq3A : i32
    %jit3A_410 = arith.constant 1 : i32
    %select_n3A_411 = arith.select %eq3A_409, %jit3A_410, %jit3A : i32
    %rem3A = vector.broadcast %select_n3A_411 : i32 to vector<256x1xi32>
    %rem3A_412 = arith.remsi %add3A_408, %rem3A : vector<256x1xi32>
    %ne3A = arith.constant 0 : i32
    %ne3A_413 = vector.broadcast %ne3A : i32 to vector<256x1xi32>
    %ne3A_414 = arith.cmpi ne, %rem3A_412, %ne3A_413 : vector<256x1xi32>
    %lt3A = arith.constant 0 : i32
    %lt3A_415 = vector.broadcast %lt3A : i32 to vector<256x1xi32>
    %lt3A_416 = arith.cmpi slt, %rem3A_412, %lt3A_415 : vector<256x1xi32>
    %lt3A_417 = arith.constant 0 : i32
    %lt3A_418 = arith.cmpi slt, %select_n3A_411, %lt3A_417 : i32
    %ne3A_419 = vector.broadcast %lt3A_418 : i1 to vector<256x1xi1>
    %ne3A_420 = vector.broadcast %ne3A_419 : vector<256x1xi1> to vector<256x1xi1>
    %ne3A_421 = arith.xori %lt3A_416, %ne3A_420 : vector<256x1xi1>
    %and3A = arith.andi %ne3A_421, %ne3A_414 : vector<256x1xi1>
    %add3A_422 = vector.broadcast %select_n3A_411 : i32 to vector<256x1xi32>
    %add3A_423 = arith.addi %rem3A_412, %add3A_422 : vector<256x1xi32>
    %select_n3A_424 = arith.select %and3A, %add3A_423, %rem3A_412 : vector<256x1xi1>, vector<256x1xi32>
    %lt3A_425 = arith.constant 41 : i32
    %lt3A_426 = vector.broadcast %lt3A_425 : i32 to vector<256x1xi32>
    %lt3A_427 = arith.cmpi slt, %select_n3A_424, %lt3A_426 : vector<256x1xi32>
    %jit3A_428 = arith.constant 1.000000e+00 : f32
    %broadcast_in_dim3A_429 = vector.shape_cast %lt3A_427 : vector<256x1xi1> to vector<256x1xi1>
    %broadcast_in_dim3A_430 = vector.broadcast %broadcast_in_dim3A_429 : vector<256x1xi1> to vector<256x4096xi1>
    %broadcast_in_dim3A_431 = vector.broadcast %jit3A_428 : f32 to vector<256x4096xf32>
    %select_n3A_432 = arith.select %broadcast_in_dim3A_430, %broadcast_in_dim3A_431, %convert_element_type3A_404 : vector<256x4096xi1>, vector<256x4096xf32>
    %swap3A = arith.constant 0 : index
    %swap3A_433 = arith.constant 0 : index
    %swap3A_434 = vector.load %arg2[%swap3A, %swap3A_433] : memref<256x4096xf32, #tpu.memory_space<vmem>>, vector<256x4096xf32>
    tpu.vector_store %arg2[%swap3A, %swap3A_433], %select_n3A_432 {strides = array<i32>} : memref<256x4096xf32, #tpu.memory_space<vmem>>, vector<256x4096xf32>,
    return
  }
  func.func @transform_0(%arg0: i32) -> (i32, i32) {
    %c0_i32 = arith.constant 0 : i32
    %c0_i32_0 = arith.constant 0 : i32
    return %arg0, %c0_i32 : i32, i32
  }
  func.func @transform_1(%arg0: i32) -> (i32, i32) {
    %c0_i32 = arith.constant 0 : i32
    %c0_i32_0 = arith.constant 0 : i32
    return %arg0, %c0_i32 : i32, i32
  }
}

</mosaic_0001>

<sc_bundles>
// kernel: kernel.4.cloned.1.call-start
scs
__scs_entry_jumppad:
0x0: {  	(pc) =	sbr.rel $0x88, $3  }
0x1: {  	(tag) =	ssettag $0x0;
	lr =	simm.s32 $0x1  }
0x2: {  	[smem:$0x3FA0] =	sst lr;
	_ =	strace $0xD0000000  }
0x3: {  	_ = 	snop  }
0x4: {  	_ = 	snop  }
0x5: {  	_ = 	snop  }
0x6: {  	_ = 	snop  }
0x7: {  	_ = 	snop  }
__scs_overlays_trampoline_lowered:
0x8: {  	[smem:$0x3FAF] =	sst s0  }
0x9: {  	[smem:$0x3FB0] =	sst s1  }
0xa: {  	[smem:$0x3FB1] =	sst s2  }
0xb: {  	[smem:$0x3FB2] =	sst s3  }
0xc: {  	[smem:$0x3FB3] =	sst s4  }
0xd: {  	[smem:$0x3FB4] =	sst s5  }
0xe: {  	[smem:$0x3FB5] =	sst s6  }
0xf: {  	[smem:$0x3FB6] =	sst s7  }
0x10: {  	[smem:$0x3FB7] =	sst s8  }
0x11: {  	[smem:$0x3FB8] =	sst s9;
	s0 =	simm.s32 @!p0 $0x0  }
0x12: {  	s1 =	sld [smem:$0x3F9E];
	s0 =	simm.s32 @p0 $0x1  }
0x13: {  	[smem:$0x3FB9] =	sst s0;
	s0 =	simm.s32 @!p1 $0x0  }
0x14: {  	s2 =	sld [smem:$0x3F9D];
	s0 =	simm.s32 @p1 $0x1  }
0x15: {  	[smem:$0x3FBA] =	sst s0;
	s0 =	simm.s32 @!p2 $0x0  }
0x16: {  	s3 =	sld [smem:$0x3FDB];
	s0 =	simm.s32 @p2 $0x1  }
0x17: {  	s4 =	simm.s32 $0x1BF5;
	[smem:$0x3FBC] =	sst s0  }
0x18: {  	s0 =	sld [smem:$0x3F9F];
	_ =	swait.ge [sflag:s4], $0x0  }
0x19: {  	s7 =	sld [smem:$0x3FA0]  }
0x1a: {  	s8 =	sadd.s32 $0xFFFFE003, lr  }
0x1b: {  	s9 =	sadd.s32 $0xFFFFFEF7, lr;
	s5 =	simm.s32 $0xFFFFFFFF;
	p2 =	slt.u32 s8, $0xFFFFF086  }
0x1c: {  	p1 =	slt.u32 s9, $0xF7A;
	s5 =	simm.s32 @!p2 $0x0  }
0x1d: {  	s5 =	simm.s32 @p1 $0x1;
	p0 =	seq.s32 s7, s2  }
0x1e: {  	s7 =	smul.u32 @!p0 $0xF7A, s2;
	p2 =	seq.s32 @!p0 s5, $0x0  }
0x1f: {  	s9 =	smul.u32 $0xF7A, s1;
	s8 =	simm.s32 @!p0 $0x1BF5;
	p2 =	por !p2, p0  }
0x20: {  	[sflag:s8] =	ssyncset.s32 @!p0 $0xFFFFF086;
	s6 =	sadd.s32 @!p0 s3, s7;
	s7 =	simm.s32 @!p0 $0x108  }
0x21: {  	s3 =	sadd.s32 s3, s9;
	s6 =	sadd.s32 @!p0 $0x88, s6;
	s7 =	simm.s32 @p2 $0x1082  }
0x22: {  	[simem:s7], [sflag:s8] =	dma.local @!p0 [hbm:s6], $0xF7A  }
0x23: {  	s9 =	sor.u32 $0xD0000000, s2;
	s6 =	simm.s32 $0x108;
	_ =	swait.ge @!p0 [sflag:s8], $0x0  }
0x24: {  	s3 =	sadd.s32 $0x88, s3;
	s6 =	simm.s32 @!p1 $0x1082;
	[sflag:s4] =	ssyncset.s32 $0xFFFFF086  }
0x25: {  	[simem:s6], [sflag:s4] =	dma.local [hbm:s3], $0xF7A  }
0x26: {  	[smem:$0x3FA0] =	sst s1;
	(tag) =	ssettag s2;
	_ =	strace s9  }
0x27: {  	s1 =	sld [smem:$0x3FB0]  }
0x28: {  	s2 =	sld [smem:$0x3FB1]  }
0x29: {  	s4 =	sld [smem:$0x3FB3]  }
0x2a: {  	p0 =	seq.s32 s5, $0x0;
	s5 =	sld [smem:$0x3FB4]  }
0x2b: {  	s6 =	sld [smem:$0x3FB5]  }
0x2c: {  	s7 =	sld [smem:$0x3FB6]  }
0x2d: {  	s3 =	simm.s32 $0x108;
	s8 =	sld [smem:$0x3FB7]  }
0x2e: {  	s3 =	simm.s32 @!p0 $0x1082;
	s9 =	sld [smem:$0x3FB8]  }
0x2f: {  	lr =	sadd.s32 s0, s3;
	s0 =	sld [smem:$0x3FAF]  }
0x30: {  	s3 =	sld [smem:$0x3FB2]  }
0x31: {  	[smem:$0x3FBB] =	sst s10  }
0x32: {  	s10 =	sld [smem:$0x3FB9];
	_ =	sdelay $0x3  }
0x33: {  	p0 =	seq.s32 s10, $0x1;
	s10 =	sld [smem:$0x3FBB];
	_ =	sdelay $0x3  }
0x34: {  	[smem:$0x3FBB] =	sst s10  }
0x35: {  	s10 =	sld [smem:$0x3FBA];
	_ =	sdelay $0x3  }
0x36: {  	p1 =	seq.s32 s10, $0x1;
	s10 =	sld [smem:$0x3FBB];
	_ =	sdelay $0x3  }
0x37: {  	[smem:$0x3FBB] =	sst s10  }
0x38: {  	s10 =	sld [smem:$0x3FBC]  }
0x39: {  	_ = 	snop;
	(pc) =	sbr.ind lr, $3  }
0x3a: {  	_ = 	snop  }
0x3b: {  	_ = 	snop  }
0x3c: {  	p2 =	seq.s32 s10, $0x1;
	s10 =	sld [smem:$0x3FBB]  }
0x3d: {  	_ =	shalt  }
0x3e: {  	_ =	shalt  }
0x3f: {  	_ =	shalt  }
0x40: {  	_ =	shalt  }
0x41: {  	_ =	shalt  }
0x42: {  	_ =	shalt  }
0x43: {  	_ =	shalt  }
0x44: {  	_ =	shalt  }
0x45: {  	_ =	shalt  }
0x46: {  	_ =	shalt  }
0x47: {  	_ =	shalt  }
0x48: {  	_ =	shalt  }
0x49: {  	_ =	shalt  }
0x4a: {  	_ =	shalt  }
0x4b: {  	_ =	shalt  }
0x4c: {  	_ =	shalt  }
0x4d: {  	_ =	shalt  }
0x4e: {  	_ =	shalt  }
0x4f: {  	_ =	shalt  }
0x50: {  	_ =	shalt  }
0x51: {  	_ =	shalt  }
0x52: {  	_ =	shalt  }
0x53: {  	_ =	shalt  }
0x54: {  	_ =	shalt  }
0x55: {  	_ =	shalt  }
0x56: {  	_ =	shalt  }
0x57: {  	_ =	shalt  }
0x58: {  	_ =	shalt  }
0x59: {  	_ =	shalt  }
0x5a: {  	_ =	shalt  }
0x5b: {  	_ =	shalt  }
0x5c: {  	_ =	shalt  }
0x5d: {  	_ =	shalt  }
0x5e: {  	_ =	shalt  }
0x5f: {  	_ =	shalt  }
0x60: {  	_ =	shalt  }
0x61: {  	_ =	shalt  }
0x62: {  	_ =	shalt  }
0x63: {  	_ =	shalt  }
0x64: {  	_ =	shalt  }
0x65: {  	_ =	shalt  }
0x66: {  	_ =	shalt  }
0x67: {  	_ =	shalt  }
0x68: {  	_ =	shalt  }
0x69: {  	_ =	shalt  }
0x6a: {  	_ =	shalt  }
0x6b: {  	_ =	shalt  }
0x6c: {  	_ =	shalt  }
0x6d: {  	_ =	shalt  }
0x6e: {  	_ =	shalt  }
0x6f: {  	_ =	shalt  }
0x70: {  	_ =	shalt  }
0x71: {  	_ =	shalt  }
0x72: {  	_ =	shalt  }
0x73: {  	_ =	shalt  }
0x74: {  	_ =	shalt  }
0x75: {  	_ =	shalt  }
0x76: {  	_ =	shalt  }
0x77: {  	_ =	shalt  }
0x78: {  	_ =	shalt  }
0x79: {  	_ =	shalt  }
0x7a: {  	_ =	shalt  }
0x7b: {  	_ =	shalt  }
0x7c: {  	_ =	shalt  }
0x7d: {  	_ =	shalt  }
0x7e: {  	_ =	shalt  }
0x7f: {  	_ =	shalt  }
0x80: {  	_ =	shalt  }
0x81: {  	_ =	shalt  }
0x82: {  	_ =	shalt  }
0x83: {  	_ =	shalt  }
0x84: {  	_ =	shalt  }
0x85: {  	_ =	shalt  }
0x86: {  	_ =	shalt  }
0x87: {  	_ =	shalt  }
.Lfunc_end0:
.L_simem_size_0:
called_computation_lowered:
.L_overlay_start_0:
0x88: {  	s2 =	sld [smem:$0x3FD9]  }
0x89: {  	s3 =	sld [smem:$0x3FFE];
	_ =	sdelay $0x1  }
0x8a: {  	s1 =	srdreg.scid  }
0x8b: {  	s0 =	sand.u32 $0x1, s1  }
0x8c: {  	s16 =	sshll.u32 s0, $0xA;
	s2 =	sadd.s32 s3, s2  }
0x8d: {  	s2 =	sadd.s32 s2, s16  }
0x8e: {  	[smem:$0x3FC7] =	sst s2  }
0x8f: {  	_ = 	snop  }
0x90: {  	(tm) =	ssettm $0x1  }
0x91: {  	s17 =	sld [smem:$0x3FFB];
	_ =	sdelay $0x3  }
0x92: {  	_ =	strace s17  }
0x93: {  	s2 =	sld [smem:$0x3FFC];
	_ =	sdelay $0x3  }
0x94: {  	_ =	strace s2  }
0x95: {  	s2 =	sld [smem:$0x3FFD];
	_ =	sdelay $0x3  }
0x96: {  	_ =	strace s2  }
0x97: {  	_ =	strace $0x8FFFFFFF  }
0x98: {  	s18 =	sld [smem:$0x3FDB];
	_ =	sdelay $0x1  }
0x99: {  	s19 =	simm.s32 $_scs_section_size  }
0x9a: {  	s4 =	simm.s32 $_size__tile_overlayer_lowered;
	s5 =	simm.s32 $_tile_overlayer_lowered  }
0x9b: {  	s22 =	simm.s32 $0x1BFF;
	s21 =	sshll.u32 s5, $0x1;
	s2 =	sadd.s32 s19, s18  }
0x9c: {  	s6 =	simm.s32 $0x0;
	s20 =	sshll.u32 s4, $0x1;
	s4 =	sadd.s32 s21, s2  }
0x9d: {  	[timem:s6], [sflag:s22] =	dma.local [hbm:s4], s20  }
0x9e: {  	_ =	swait.ge [sflag:s22], s20  }
0x9f: {  	s3 =	ssub.s32 $0x0, s20;
	[sflag:s22] =	ssyncset.done $0x0  }
0xa0: {  	[sflag:s22] =	ssyncadd.s32 s3;
	_ =	sdelay $0x1  }
0xa1: {  	s23 =	simm.s32 $0x1B8B  }
0xa2: {  	_ =	swait.ge [sflag:s23], $0x1  }
0xa3: {  	[sflag:s23] =	ssyncset.done $0x0  }
0xa4: {  	s25 =	simm.s32 $0x1B8E;
	s24 =	sld [smem:$0x3FFE];
	[sflag:s23] =	ssyncadd.s32 $0xFFFFFFFF  }
0xa5: {  	s26 =	simm.s32 $execute0_lowered;
	[smem:$0x3FD2] =	sst s25  }
0xa6: {  	s4 =	sshll.u32 s26, $0x1;
	_ =	strace $0x80000046;
	[dreg:$0x1] =	wrdreg $0xFFFFFFFF  }
0xa7: {  	s28 =	simm.s32 $_size_execute0_lowered;
	s2 =	sadd.s32 s2, s4;
	[dreg:$0x0] =	wrdreg $0x0  }
0xa8: {  	s4 =	sshll.u32 s28, $0x1;
	[dreg:$0x2] =	wrdreg s2  }
0xa9: {  	[dreg:$0x3] =	wrdreg s4  }
0xaa: {  	[dreg:$0x4] =	wrdreg $0xC0  }
0xab: {  	_ =	task [dreg:s6], $0x5FFFF  }
0xac: {  	[dreg:$0x1] =	wrdreg $0xFFFFFFFF  }
0xad: {  	[dreg:$0x0] =	wrdreg $0x60  }
0xae: {  	[dreg:$0x2] =	wrdreg s24  }
0xaf: {  	[dreg:$0x3] =	wrdreg $0x9  }
0xb0: {  	_ =	task.clear_ibuf [dreg:s6], $0x4FFFF;
	_ =	strace $0x90000046  }
0xb1: {  	s29 =	simm.s32 $0x9;
	_ =	strace $0x80000048  }
0xb2: {  	_ =	swait.ge [sflag:s29], $0x1  }
0xb3: {  	[sflag:s29] =	ssyncadd.s32 $0xFFFFFFFF  }
0xb4: {  	_ =	strace $0x90000048  }
0xb5: {  	_ =	sfence  }
0xb6: {  	s30 =	sld [smem:$0x0];
	_ =	sdelay $0x2  }
0xb7: {  	s31 =	sshll.u32 s1, $0xD;
	s1 =	sshrl.u32 s1, $0x2  }
0xb8: {  	s3 =	sand.u32 $0x4000, s31;
	s1 =	sadd.s32 s1, s30  }
0xb9: {  	s0 =	sor.u32 s3, s0;
	s1 =	sshll.u32 s1, $0x11  }
0xba: {  	s0 =	sor.u32 s1, s0  }
0xbb: {  	s0 =	sadd.s32 $0x8F2B, s0  }
0xbc: {  	[sflag:s0] =	ssyncadd.remote.s32 $0x1  }
0xbd: {  	_ =	sfence.sel $0xFFFF  }
0xbe: {  	[dreg:$0x0] =	wrdreg $0xFFFFFFFF;
	(pc) =	sbr.abs _section_cstart, $3  }
0xbf: {  	[dreg:$0x1] =	wrdreg $0xFFFFFFFF  }
0xc0: {  	_ =	task.clear_ibuf [dreg:s6], $0x2FFFF;
	_ =	strace $0x9FFFFFFF  }
0xc1: {  	(tm) =	ssettm $0x7FFFFFFF  }
tec
execute0_lowered:
.L_overlay_start_1:
0x0: {  	(tag) =	ssettag $0x1  }
0x1: {  	s4 =	rddreg [dreg:$0x0]  }
0x2: {  	s1 =	simm.s32 $0x0;
	s2 =	srdreg.scid;
	s0 =	stileid.u32  }
0x3: {  	s9 =	simm.s32 $0x1;
	s10 =	simm.s32 $0x3000;
	s5 =	sand.u32 $0x1, s2  }
0x4: {  	s11 =	simm.s32 $0x2000;
	[smem:$0x7FF] =	sst s1;
	s6 =	ssub.s32 $0x2, s5  }
0x5: {  	v0 =	vlaneseq.u32;
	s3 =	sadd.s32 $0x400, s4;
	s8 =	sshll.u32 s0, $0x8;
	s7 =	sshrl.u32 s6, $0x1  }
0x6: {  	s4 =	sadd.s32 $0x200400, s4;
	v3 =	vmul.u32 $0xFFFFFFFF, v0;
	s5 =	sshll.u32 s5, $0x7;
	s6 =	ssub.s32 s6, s7  }
0x7: {  	v1 =	vimm.s32 $0x0;
	_ =	strace $0x80000047;
	s5 =	sor.u32 s5, s8;
	s31 =	smax.u32 s6, $0x1  }
0x8: {  	v2 =	vimm.s32 $0x1;
	v4 =	vimm.f32 $1.000000000e+00;
	s8 =	simm.s32 $0x400;
	v3 =	vadd.s32 $0xF, v3;
	s7 =	simm.s32 $0x80;
	[dreg:$0x2] =	wrdreg s31  }
.LBB2_1:
0x9: {  	s12 =	simm.s32 $0x0  }
.LBB2_2:
0xa: {  	s14 =	sadd.s32 s5, s12  }
0xb: {  	s15 =	sshll.u32 s12, $0x4;
	s13 =	sshll.u32 s14, $0x9  }
0xc: {  	s15 =	sand.u32 $0x70, s15;
	s13 =	sand.u32 $0x1FF000, s13  }
0xd: {  	s13 =	sor.u32 s15, s13  }
0xe: {  	s15 =	simm.s32 $0x0;
	s16 =	sadd.s32 s3, s13  }
0xf: {  	[tilespmem:s15], [sflag:$0x1] =	stream.strided.gather [hbm4b:s16+s7], $0x1000, s8, s7, $0x38;
	[tilespmem:$0x3100] =	vst v63  }
0x10: {  	_ =	swait.ge [sflag:s9], $0x1000  }
0x11: {  	[sflag:s9] =	ssyncset.done $0x0  }
0x12: {  	[sflag:s9] =	ssyncadd.s32 $0xFFFFF000  }
0x13: {  	[tilespmem:$0x3000] =	vst v1  }
0x14: {  	[tilespmem:$0x3010] =	vst v1  }
0x15: {  	[tilespmem:$0x3020] =	vst v1  }
0x16: {  	[tilespmem:$0x3030] =	vst v1  }
0x17: {  	[tilespmem:$0x3040] =	vst v1  }
0x18: {  	[tilespmem:$0x3050] =	vst v1  }
0x19: {  	[tilespmem:$0x3060] =	vst v1  }
0x1a: {  	[tilespmem:$0x3070] =	vst v1  }
0x1b: {  	[tilespmem:$0x3080] =	vst v1  }
0x1c: {  	[tilespmem:$0x3090] =	vst v1  }
0x1d: {  	[tilespmem:$0x30A0] =	vst v1  }
0x1e: {  	[tilespmem:$0x30B0] =	vst v1  }
0x1f: {  	[tilespmem:$0x30C0] =	vst v1  }
0x20: {  	[tilespmem:$0x30D0] =	vst v1  }
0x21: {  	[tilespmem:$0x30E0] =	vst v1  }
0x22: {  	[tilespmem:$0x30F0] =	vst v1  }
.LBB2_3:
0x23: {  	s16 =	sshra.s32 s15, $0x2  }
0x24: {  	v5 =	vld [tilespmem:s16+$0x0];
	_ =	sdelay $0x4  }
0x25: {  	v6 =	vshrl.u32 v5, $0x17  }
0x26: {  	v6 =	vand.u32 $0xFF, v6;
	_ =	sdelay $0x2  }
0x27: {  	v5 =	vand.u32 $0x7FFFFFFF, v5  }
0x28: {  	[tilespmem:s16+$0x1000] =	vst v5  }
0x29: {  	[tilespmem:v6+s10+$0x0] =	vst.idx.add.s32.msk $0xffff, v2  }
0x2a: {  	v5 =	vld [tilespmem:s16+$0x10];
	_ =	sdelay $0x4  }
0x2b: {  	v6 =	vshrl.u32 v5, $0x17  }
0x2c: {  	v6 =	vand.u32 $0xFF, v6;
	_ =	sdelay $0x2  }
0x2d: {  	v5 =	vand.u32 $0x7FFFFFFF, v5  }
0x2e: {  	[tilespmem:s16+$0x1010] =	vst v5  }
0x2f: {  	[tilespmem:v6+s10+$0x0] =	vst.idx.add.s32.msk $0xffff, v2  }
0x30: {  	v5 =	vld [tilespmem:s16+$0x20];
	_ =	sdelay $0x4  }
0x31: {  	v6 =	vshrl.u32 v5, $0x17  }
0x32: {  	v6 =	vand.u32 $0xFF, v6;
	_ =	sdelay $0x2  }
0x33: {  	v5 =	vand.u32 $0x7FFFFFFF, v5  }
0x34: {  	[tilespmem:s16+$0x1020] =	vst v5  }
0x35: {  	[tilespmem:v6+s10+$0x0] =	vst.idx.add.s32.msk $0xffff, v2  }
0x36: {  	v5 =	vld [tilespmem:s16+$0x30];
	_ =	sdelay $0x4  }
0x37: {  	v6 =	vshrl.u32 v5, $0x17  }
0x38: {  	v6 =	vand.u32 $0xFF, v6;
	_ =	sdelay $0x2  }
0x39: {  	v5 =	vand.u32 $0x7FFFFFFF, v5  }
0x3a: {  	[tilespmem:s16+$0x1030] =	vst v5  }
0x3b: {  	[tilespmem:v6+s10+$0x0] =	vst.idx.add.s32.msk $0xffff, v2  }
0x3c: {  	v5 =	vld [tilespmem:s16+$0x40];
	_ =	sdelay $0x4  }
0x3d: {  	v6 =	vshrl.u32 v5, $0x17  }
0x3e: {  	v6 =	vand.u32 $0xFF, v6;
	_ =	sdelay $0x2  }
0x3f: {  	v5 =	vand.u32 $0x7FFFFFFF, v5  }
0x40: {  	[tilespmem:s16+$0x1040] =	vst v5  }
0x41: {  	[tilespmem:v6+s10+$0x0] =	vst.idx.add.s32.msk $0xffff, v2  }
0x42: {  	v5 =	vld [tilespmem:s16+$0x50];
	_ =	sdelay $0x4  }
0x43: {  	v6 =	vshrl.u32 v5, $0x17  }
0x44: {  	v6 =	vand.u32 $0xFF, v6;
	_ =	sdelay $0x2  }
0x45: {  	v5 =	vand.u32 $0x7FFFFFFF, v5  }
0x46: {  	[tilespmem:s16+$0x1050] =	vst v5  }
0x47: {  	[tilespmem:v6+s10+$0x0] =	vst.idx.add.s32.msk $0xffff, v2  }
0x48: {  	v5 =	vld [tilespmem:s16+$0x60];
	_ =	sdelay $0x4  }
0x49: {  	v6 =	vshrl.u32 v5, $0x17  }
0x4a: {  	v6 =	vand.u32 $0xFF, v6;
	_ =	sdelay $0x2  }
0x4b: {  	v5 =	vand.u32 $0x7FFFFFFF, v5  }
0x4c: {  	[tilespmem:s16+$0x1060] =	vst v5  }
0x4d: {  	[tilespmem:v6+s10+$0x0] =	vst.idx.add.s32.msk $0xffff, v2  }
0x4e: {  	v5 =	vld [tilespmem:s16+$0x70];
	_ =	sdelay $0x4  }
0x4f: {  	v6 =	vshrl.u32 v5, $0x17  }
0x50: {  	p0 =	sne.s32 s15, $0x3E00;
	v6 =	vand.u32 $0xFF, v6  }
.Ltmp0:
0x51: {  	_ = 	snop;
	(pc) =	sbr.rel @p0 .LBB2_3-.Ltmp0, $4  }
0x52: {  	_ = 	snop  }
0x53: {  	v5 =	vand.u32 $0x7FFFFFFF, v5  }
0x54: {  	[tilespmem:s16+$0x1070] =	vst v5  }
0x55: {  	s15 =	sadd.s32 $0x200, s15;
	[tilespmem:v6+s10+$0x0] =	vst.idx.add.s32.msk $0xffff, v2  }
0x56: {  	v5 =	vld [tilespmem:$0x30F0]  }
0x57: {  	v6 =	vld [tilespmem:$0x30E0];
	_ =	sdelay $0x2  }
0x58: {  	v7 =	vld [tilespmem:$0x30D0]  }
0x59: {  	(xrf0) =	vadd.scan.msk.s32 $0xffff, v5  }
0x5a: {  	(xrf0) =	vadd.scan.msk.s32 $0xffff, v6;
	_ =	sdelay $0x1  }
0x5b: {  	v5 =	vld [tilespmem:$0x30C0]  }
0x5c: {  	(xrf0) =	vadd.scan.msk.s32 $0xffff, v7;
	_ =	sdelay $0x1  }
0x5d: {  	v6, _, _ =	vpop (xrf0)  }
0x5e: {  	v7 =	vld [tilespmem:$0x30B0];
	(v2sf) =	vpush v6, $0xF;
	v6, _, _ =	vpop (xrf0)  }
0x5f: {  	(xrf0) =	vadd.scan.msk.s32 $0xffff, v5;
	(v2sf) =	vpush v6, $0xF;
	_ =	sdelay $0x1  }
0x60: {  	v5, _, _ =	vpop (xrf0)  }
0x61: {  	(v2sf) =	vpush v5, $0xF  }
0x62: {  	(xrf0) =	vadd.scan.msk.s32 $0xffff, v7;
	v5 =	vld [tilespmem:$0x30A0];
	_ =	sdelay $0x1  }
0x63: {  	v6, _, _ =	vpop (xrf0)  }
0x64: {  	(v2sf) =	vpush v6, $0xF;
	v6 =	vld [tilespmem:$0x3090];
	_ =	sdelay $0x1  }
0x65: {  	(xrf0) =	vadd.scan.msk.s32 $0xffff, v5  }
0x66: {  	v5, _, _ =	vpop (xrf0)  }
0x67: {  	(v2sf) =	vpush v5, $0xF;
	v5 =	vld [tilespmem:$0x3080]  }
0x68: {  	(xrf0) =	vadd.scan.msk.s32 $0xffff, v6;
	_ =	sdelay $0x1  }
0x69: {  	s17 =	spop (v2sf)  }
0x6a: {  	v6, _, _ =	vpop (xrf0);
	s15 =	spop (v2sf)  }
0x6b: {  	(xrf0) =	vadd.scan.msk.s32 $0xffff, v5;
	(v2sf) =	vpush v6, $0xF;
	v6 =	vld [tilespmem:$0x3070];
	s15 =	sadd.s32 s17, s15  }
0x6c: {  	s18 =	simm.s32 $0xE;
	p1 =	sgt.s32 s15, $0x7FF  }
0x6d: {  	p0 =	slt.s32 s17, $0x800;
	s16 =	spop (v2sf);
	v5, _, _ =	vpop (xrf0);
	s0 =	simm.s32 @!p1 $0x0  }
0x6e: {  	s16 =	sadd.s32 s16, s15;
	(v2sf) =	vpush v5, $0xF;
	v5 =	vld [tilespmem:$0x3060];
	s18 =	simm.s32 @!p1 $0xFFFFFFFF;
	s0 =	simm.s32 @p1 $0x1  }
0x6f: {  	s18 =	simm.s32 @!p0 $0xF;
	[smem:$0x7F4] =	sst s0;
	s0 =	simm.s32 @!p0 $0x0  }
0x70: {  	p3 =	sgt.s32 s16, $0x7FF;
	(xrf0) =	vadd.scan.msk.s32 $0xffff, v6;
	s0 =	simm.s32 @p0 $0x1;
	p0 =	slt.s32 s18, $0x0  }
0x71: {  	v6, _, _ =	vpop (xrf0);
	s19 =	spop (v2sf);
	p0 =	por !p3, !p0  }
0x72: {  	(v2sf) =	vpush v6, $0xF;
	v6 =	vld [tilespmem:$0x3050];
	s19 =	sadd.s32 s19, s16;
	p0 =	por !p0, !p0  }
0x73: {  	[smem:$0x7F5] =	sst s0;
	(xrf0) =	vadd.scan.msk.s32 $0xffff, v5;
	s0 =	simm.s32 @!p0 $0x0;
	s18 =	simm.s32 @p0 $0xD  }
0x74: {  	p4 =	sgt.s32 s19, $0x7FF;
	s0 =	simm.s32 @p0 $0x1;
	p0 =	slt.s32 s18, $0x0  }
0x75: {  	s20 =	spop (v2sf);
	p0 =	por !p4, !p0  }
0x76: {  	s20 =	sadd.s32 s20, s19;
	v5, _, _ =	vpop (xrf0);
	p0 =	por !p0, !p0  }
0x77: {  	(xrf0) =	vadd.scan.msk.s32 $0xffff, v6;
	[smem:$0x7F6] =	sst s0;
	(v2sf) =	vpush v5, $0xF;
	v5 =	vld [tilespmem:$0x3040];
	s0 =	simm.s32 @!p0 $0x0;
	s18 =	simm.s32 @p0 $0xC  }
0x78: {  	p5 =	sgt.s32 s20, $0x7FF;
	s0 =	simm.s32 @p0 $0x1;
	p0 =	slt.s32 s18, $0x0  }
0x79: {  	v6, _, _ =	vpop (xrf0);
	p0 =	por !p5, !p0  }
0x7a: {  	s21 =	spop (v2sf);
	(v2sf) =	vpush v6, $0xF;
	v6 =	vld [tilespmem:$0x3030];
	[smem:$0x7F7] =	sst s0;
	p0 =	por !p0, !p0  }
0x7b: {  	s21 =	sadd.s32 s21, s20;
	s0 =	simm.s32 @!p0 $0x0;
	s18 =	simm.s32 @p0 $0xB  }
0x7c: {  	p6 =	sgt.s32 s21, $0x7FF;
	(xrf0) =	vadd.scan.msk.s32 $0xffff, v5;
	s0 =	simm.s32 @p0 $0x1;
	p0 =	slt.s32 s18, $0x0  }
0x7d: {  	v5, _, _ =	vpop (xrf0);
	s22 =	spop (v2sf);
	p0 =	por !p6, !p0  }
0x7e: {  	(v2sf) =	vpush v5, $0xF;
	s22 =	sadd.s32 s22, s21;
	p0 =	por !p0, !p0  }
0x7f: {  	v5 =	vld [tilespmem:$0x3020];
	[smem:$0x7F8] =	sst s0;
	(xrf0) =	vadd.scan.msk.s32 $0xffff, v6;
	s0 =	simm.s32 @!p0 $0x0;
	s18 =	simm.s32 @p0 $0xA  }
0x80: {  	p2 =	sgt.s32 s22, $0x7FF;
	s0 =	simm.s32 @p0 $0x1;
	p0 =	slt.s32 s18, $0x0  }
0x81: {  	s23 =	spop (v2sf);
	p0 =	por !p2, !p0  }
0x82: {  	s23 =	sadd.s32 s23, s22;
	v6, _, _ =	vpop (xrf0);
	p0 =	por !p0, !p0  }
0x83: {  	[smem:$0x7F9] =	sst s0;
	(v2sf) =	vpush v6, $0xF;
	v6 =	vld [tilespmem:$0x3010];
	s0 =	simm.s32 @!p0 $0x0;
	s18 =	simm.s32 @p0 $0x9  }
0x84: {  	(xrf0) =	vadd.scan.msk.s32 $0xffff, v5;
	p3 =	sgt.s32 s23, $0x7FF;
	s0 =	simm.s32 @p0 $0x1;
	p0 =	slt.s32 s18, $0x0  }
0x85: {  	v5, _, _ =	vpop (xrf0);
	p0 =	por !p3, !p0  }
0x86: {  	s24 =	spop (v2sf);
	(v2sf) =	vpush v5, $0xF;
	v5 =	vld [tilespmem:$0x3000];
	[smem:$0x7FA] =	sst s0;
	p0 =	por !p0, !p0  }
0x87: {  	s24 =	sadd.s32 s24, s23;
	s0 =	simm.s32 @!p0 $0x0;
	s18 =	simm.s32 @p0 $0x8  }
0x88: {  	(xrf0) =	vadd.scan.msk.s32 $0xffff, v6;
	p4 =	sgt.s32 s24, $0x7FF;
	s0 =	simm.s32 @p0 $0x1;
	p0 =	slt.s32 s18, $0x0  }
0x89: {  	s25 =	spop (v2sf);
	p0 =	por !p4, !p0  }
0x8a: {  	v6, _, _ =	vpop (xrf0);
	s25 =	sadd.s32 s25, s24;
	p0 =	por !p0, !p0  }
0x8b: {  	(v2sf) =	vpush v6, $0xF;
	[smem:$0x7FB] =	sst s0;
	(xrf0) =	vadd.scan.msk.s32 $0xffff, v5;
	s0 =	simm.s32 @!p0 $0x0;
	s18 =	simm.s32 @p0 $0x7  }
0x8c: {  	p5 =	sgt.s32 s25, $0x7FF;
	s0 =	simm.s32 @p0 $0x1;
	p0 =	slt.s32 s18, $0x0  }
0x8d: {  	s26 =	spop (v2sf);
	p0 =	por !p5, !p0  }
0x8e: {  	s26 =	sadd.s32 s26, s25;
	v5, _, _ =	vpop (xrf0);
	p0 =	por !p0, !p0  }
0x8f: {  	[smem:$0x7FC] =	sst s0;
	(v2sf) =	vpush v5, $0xF;
	s0 =	simm.s32 @!p0 $0x0;
	s18 =	simm.s32 @p0 $0x6  }
0x90: {  	p6 =	sgt.s32 s26, $0x7FF;
	s0 =	simm.s32 @p0 $0x1;
	p0 =	slt.s32 s18, $0x0  }
0x91: {  	v5, _, _ =	vpop (xrf0);
	p0 =	por !p6, !p0  }
0x92: {  	s28 =	spop (v2sf);
	(v2sf) =	vpush v5, $0xF;
	p5 =	por !p0, !p0  }
0x93: {  	s28 =	sadd.s32 s28, s26;
	s18 =	simm.s32 @p5 $0x5  }
0x94: {  	p2 =	sgt.s32 s28, $0x7FF;
	p1 =	slt.s32 s18, $0x0  }
0x95: {  	p0 =	por !p2, !p1  }
0x96: {  	s29 =	spop (v2sf);
	p4 =	por !p0, !p0  }
0x97: {  	s29 =	sadd.s32 s29, s28;
	s18 =	simm.s32 @p4 $0x4  }
0x98: {  	p6 =	sgt.s32 s29, $0x7FF;
	p3 =	slt.s32 s18, $0x0  }
0x99: {  	p0 =	por !p6, !p3  }
0x9a: {  	s30 =	spop (v2sf);
	p3 =	por !p0, !p0  }
0x9b: {  	s30 =	sadd.s32 s30, s29;
	s18 =	simm.s32 @p3 $0x3  }
0x9c: {  	p6 =	sgt.s32 s30, $0x7FF;
	p2 =	slt.s32 s18, $0x0  }
0x9d: {  	p0 =	por !p6, !p2  }
0x9e: {  	s31 =	spop (v2sf);
	p2 =	por !p0, !p0  }
0x9f: {  	s31 =	sadd.s32 s31, s30;
	s18 =	simm.s32 @p2 $0x2  }
0xa0: {  	p6 =	sgt.s32 s31, $0x7FF;
	p1 =	slt.s32 s18, $0x0  }
0xa1: {  	s6 =	spop (v2sf);
	p0 =	por !p6, !p1  }
0xa2: {  	[smem:$0x7FD] =	sst s0;
	s0 =	sadd.s32 s6, s31;
	p1 =	por !p0, !p0  }
0xa3: {  	s2 =	sld [smem:$0x7F4];
	p0 =	sgt.s32 s0, $0x7FF;
	s18 =	simm.s32 @p1 $0x1  }
0xa4: {  	p6 =	slt.s32 s18, $0x0;
	s0 =	sshll.u32 s18, $0x4;
	s18 =	sld [smem:$0x7F5]  }
0xa5: {  	s6 =	sld [smem:$0x7F6]  }
0xa6: {  	p0 =	por !p0, !p6;
	p6 =	seq.s32 s2, $0x1  }
0xa7: {  	s17 =	simm.s32 @!p6 $0x0;
	p6 =	seq.s32 s18, $0x1  }
0xa8: {  	s17 =	simm.s32 @!p6 $0x0;
	p6 =	seq.s32 s6, $0x1  }
0xa9: {  	s17 =	smov.u32 @p6 s15;
	s15 =	sld [smem:$0x7F7]  }
0xaa: {  	s18 =	sld [smem:$0x7F8];
	_ =	sdelay $0x1  }
0xab: {  	p6 =	seq.s32 s15, $0x1  }
0xac: {  	s17 =	smov.u32 @p6 s16;
	p6 =	seq.s32 s18, $0x1  }
0xad: {  	s17 =	smov.u32 @p6 s19;
	s19 =	sld [smem:$0x7F9];
	_ =	sdelay $0x2  }
0xae: {  	p6 =	seq.s32 s19, $0x1  }
0xaf: {  	p0 =	por !p0, !p0;
	s17 =	smov.u32 @p6 s20;
	s20 =	sld [smem:$0x7FA]  }
0xb0: {  	s0 =	simm.s32 @p0 $0x0  }
0xb1: {  	v5 =	vor.u32 s0, v0  }
0xb2: {  	p6 =	seq.s32 s20, $0x1  }
0xb3: {  	s17 =	smov.u32 @p6 s21;
	s21 =	sld [smem:$0x7FB];
	_ =	sdelay $0x2  }
0xb4: {  	v5 =	vld.idx.msk [tilespmem:v5+s10+$0x0], $0xffff;
	p6 =	seq.s32 s21, $0x1  }
0xb5: {  	s17 =	smov.u32 @p6 s22;
	s22 =	sld [smem:$0x7FC];
	_ =	sdelay $0x2  }
0xb6: {  	p6 =	seq.s32 s22, $0x1  }
0xb7: {  	v6 =	vperm.xlane v5, v3;
	s17 =	smov.u32 @p6 s23;
	s23 =	sld [smem:$0x7FD];
	_ =	sdelay $0x1  }
0xb8: {  	(xrf0) =	vadd.scan.msk.s32 $0xffff, v6  }
0xb9: {  	p6 =	seq.s32 s23, $0x1  }
0xba: {  	s17 =	smov.u32 @p6 s24  }
0xbb: {  	s17 =	smov.u32 @p5 s25  }
0xbc: {  	s17 =	smov.u32 @p4 s26  }
0xbd: {  	s17 =	smov.u32 @p3 s28  }
0xbe: {  	v6, _, _ =	vpop (xrf0);
	s17 =	smov.u32 @p2 s29  }
0xbf: {  	v6 =	vperm.xlane v6, v3;
	s17 =	smov.u32 @p1 s30  }
0xc0: {  	s17 =	smov.u32 @p0 s31  }
0xc1: {  	v7 =	vadd.s32 s17, v6  }
0xc2: {  	vm0 =	vgt.s32 v7, $0x7FF  }
0xc3: {  	v7 =	vmpcnt.ones.xlane vm0;
	_ =	sdelay $0x1  }
0xc4: {  	v7 =	vxor.u32 $0x80000000, v7  }
0xc5: {  	(xrf0) =	vmax.scan.msk.u32 $0xffff, v7;
	_ =	sdelay $0x5  }
0xc6: {  	v7, _, _ =	vpop (xrf0)  }
0xc7: {  	(v2sf) =	vpush v7, $0xF;
	_ =	sdelay $0x2  }
0xc8: {  	[tilespmem:$0x3000] =	vst v1  }
0xc9: {  	[tilespmem:$0x3010] =	vst v1  }
0xca: {  	[tilespmem:$0x3020] =	vst v1  }
0xcb: {  	[tilespmem:$0x3030] =	vst v1  }
0xcc: {  	[tilespmem:$0x3040] =	vst v1  }
0xcd: {  	[tilespmem:$0x3050] =	vst v1  }
0xce: {  	[tilespmem:$0x3060] =	vst v1  }
0xcf: {  	[tilespmem:$0x3070] =	vst v1  }
0xd0: {  	[tilespmem:$0x3080] =	vst v1  }
0xd1: {  	[tilespmem:$0x3090] =	vst v1  }
0xd2: {  	[tilespmem:$0x30A0] =	vst v1  }
0xd3: {  	[tilespmem:$0x30B0] =	vst v1  }
0xd4: {  	[tilespmem:$0x30C0] =	vst v1;
	s31 =	spop (v2sf)  }
0xd5: {  	[tilespmem:$0x30D0] =	vst v1;
	s15 =	sadd.s32 $0x7FFFFFFF, s31  }
0xd6: {  	[tilespmem:$0x30E0] =	vst v1;
	s16 =	sadd.s32 s15, s0  }
0xd7: {  	[tilespmem:$0x30F0] =	vst v1;
	s18 =	simm.s32 $0x0;
	v7 =	vmov s16  }
.LBB2_5:
0xd8: {  	s0 =	sshra.s32 s18, $0x2  }
0xd9: {  	v8 =	vld [tilespmem:s0+$0x1000];
	_ =	sdelay $0x4  }
0xda: {  	v9 =	vshra.s32 v8, $0x17  }
0xdb: {  	v8 =	vshrl.u32 v8, $0xF;
	vm0 =	veq.s32 v9, v7  }
0xdc: {  	v8 =	vand.u32 $0xFF, v8;
	_ =	sdelay $0x4  }
0xdd: {  	[tilespmem:v8+s10+$0x0] =	vst.idx.add.s32.msk vm0, v2  }
0xde: {  	v8 =	vld [tilespmem:s0+$0x1010];
	_ =	sdelay $0x4  }
0xdf: {  	v57 =	vshra.s32 v8, $0x17  }
0xe0: {  	v8 =	vshrl.u32 v8, $0xF;
	vm9 =	veq.s32 v57, v7  }
0xe1: {  	v8 =	vand.u32 $0xFF, v8;
	_ =	sdelay $0x4  }
0xe2: {  	[tilespmem:v8+s10+$0x0] =	vst.idx.add.s32.msk vm9, v2  }
0xe3: {  	v8 =	vld [tilespmem:s0+$0x1020];
	_ =	sdelay $0x4  }
0xe4: {  	v58 =	vshra.s32 v8, $0x17  }
0xe5: {  	v8 =	vshrl.u32 v8, $0xF;
	vm10 =	veq.s32 v58, v7  }
0xe6: {  	v8 =	vand.u32 $0xFF, v8;
	_ =	sdelay $0x4  }
0xe7: {  	[tilespmem:v8+s10+$0x0] =	vst.idx.add.s32.msk vm10, v2  }
0xe8: {  	v8 =	vld [tilespmem:s0+$0x1030];
	_ =	sdelay $0x4  }
0xe9: {  	v59 =	vshra.s32 v8, $0x17  }
0xea: {  	v8 =	vshrl.u32 v8, $0xF;
	vm11 =	veq.s32 v59, v7  }
0xeb: {  	v8 =	vand.u32 $0xFF, v8;
	_ =	sdelay $0x4  }
0xec: {  	[tilespmem:v8+s10+$0x0] =	vst.idx.add.s32.msk vm11, v2  }
0xed: {  	v8 =	vld [tilespmem:s0+$0x1040];
	_ =	sdelay $0x4  }
0xee: {  	v60 =	vshra.s32 v8, $0x17  }
0xef: {  	v8 =	vshrl.u32 v8, $0xF;
	vm12 =	veq.s32 v60, v7  }
0xf0: {  	v8 =	vand.u32 $0xFF, v8;
	_ =	sdelay $0x4  }
0xf1: {  	[tilespmem:v8+s10+$0x0] =	vst.idx.add.s32.msk vm12, v2  }
0xf2: {  	v8 =	vld [tilespmem:s0+$0x1050];
	_ =	sdelay $0x4  }
0xf3: {  	v61 =	vshra.s32 v8, $0x17  }
0xf4: {  	v8 =	vshrl.u32 v8, $0xF;
	vm13 =	veq.s32 v61, v7  }
0xf5: {  	v8 =	vand.u32 $0xFF, v8;
	_ =	sdelay $0x4  }
0xf6: {  	[tilespmem:v8+s10+$0x0] =	vst.idx.add.s32.msk vm13, v2  }
0xf7: {  	v8 =	vld [tilespmem:s0+$0x1060];
	_ =	sdelay $0x4  }
0xf8: {  	v62 =	vshra.s32 v8, $0x17  }
0xf9: {  	v8 =	vshrl.u32 v8, $0xF;
	vm14 =	veq.s32 v62, v7  }
0xfa: {  	v8 =	vand.u32 $0xFF, v8;
	_ =	sdelay $0x4  }
0xfb: {  	[tilespmem:v8+s10+$0x0] =	vst.idx.add.s32.msk vm14, v2  }
0xfc: {  	v8 =	vld [tilespmem:s0+$0x1070];
	_ =	sdelay $0x4  }
0xfd: {  	v63 =	vshra.s32 v8, $0x17  }
0xfe: {  	v8 =	vshrl.u32 v8, $0xF;
	vm15 =	veq.s32 v63, v7  }
0xff: {  	p0 =	sne.s32 s18, $0x3E00;
	v8 =	vand.u32 $0xFF, v8  }
.Ltmp1:
0x100: {  	_ = 	snop;
	(pc) =	sbr.rel @p0 .LBB2_5-.Ltmp1, $2  }
0x101: {  	_ =	sdelay $0x2  }
0x102: {  	s18 =	sadd.s32 $0x200, s18;
	[tilespmem:v8+s10+$0x0] =	vst.idx.add.s32.msk vm15, v2  }
0x103: {  	v7 =	vmov s15;
	v8 =	vld [tilespmem:$0x30F0]  }
0x104: {  	vm0 =	veq.s32 v7, v0;
	v7 =	vld [tilespmem:$0x30E0]  }
0x105: {  	v5 =	vnsel vm0, $0x0, v5  }
0x106: {  	(xrf0) =	vadd.scan.msk.s32 $0xffff, v5;
	v5 =	vnsel vm0, $0x0, v6  }
0x107: {  	(xrf0) =	vadd.scan.msk.s32 $0xffff, v5  }
0x108: {  	v5 =	vld [tilespmem:$0x30D0];
	(xrf0) =	vadd.scan.msk.s32 $0xffff, v8  }
0x109: {  	(xrf0) =	vadd.scan.msk.s32 $0xffff, v7;
	_ =	sdelay $0x1  }
0x10a: {  	v6 =	vld [tilespmem:$0x30C0]  }
0x10b: {  	v7, _, _ =	vpop (xrf0)  }
0x10c: {  	(xrf0) =	vadd.scan.msk.s32 $0xffff, v5;
	v5, _, _ =	vpop (xrf0);
	(v2sf) =	vpush v7, $0xF  }
0x10d: {  	v7, _, _ =	vpop (xrf0);
	(v2sf) =	vpush v5, $0xF  }
0x10e: {  	(v2sf) =	vpush v7, $0xF;
	v5, _, _ =	vpop (xrf0)  }
0x10f: {  	(xrf0) =	vadd.scan.msk.s32 $0xffff, v6;
	v7 =	vld [tilespmem:$0x30B0];
	(v2sf) =	vpush v5, $0xF;
	_ =	sdelay $0x2  }
0x110: {  	v5, _, _ =	vpop (xrf0)  }
0x111: {  	(v2sf) =	vpush v5, $0xF;
	v5 =	vld [tilespmem:$0x30A0]  }
0x112: {  	(xrf0) =	vadd.scan.msk.s32 $0xffff, v7  }
0x113: {  	v6, _, _ =	vpop (xrf0)  }
0x114: {  	(v2sf) =	vpush v6, $0xF;
	v6 =	vld [tilespmem:$0x3090];
	_ =	sdelay $0x1  }
0x115: {  	(xrf0) =	vadd.scan.msk.s32 $0xffff, v5;
	_ =	sdelay $0x1  }
0x116: {  	v5, _, _ =	vpop (xrf0)  }
0x117: {  	(xrf0) =	vadd.scan.msk.s32 $0xffff, v6;
	(v2sf) =	vpush v5, $0xF;
	v5 =	vld [tilespmem:$0x3080];
	s0 =	spop (v2sf)  }
0x118: {  	s18 =	spop (v2sf)  }
0x119: {  	s15 =	spop (v2sf);
	s17 =	sadd.s32 s17, s18  }
0x11a: {  	v6, _, _ =	vpop (xrf0);
	s0 =	ssub.s32 s0, s17;
	s23 =	spop (v2sf)  }
0x11b: {  	(v2sf) =	vpush v6, $0xF;
	v6 =	vld [tilespmem:$0x3070];
	s17 =	sadd.s32 $0x800, s0;
	s18 =	sadd.s32 s15, s23  }
0x11c: {  	s20 =	simm.s32 $0xE;
	(xrf0) =	vadd.scan.msk.s32 $0xffff, v5;
	p1 =	sge.s32 s18, s17  }
0x11d: {  	v5, _, _ =	vpop (xrf0);
	p0 =	slt.s32 s15, s17;
	s0 =	simm.s32 @!p1 $0x0;
	s20 =	simm.s32 @!p1 $0xFFFFFFFF  }
0x11e: {  	(v2sf) =	vpush v5, $0xF;
	s24 =	spop (v2sf);
	s0 =	simm.s32 @p1 $0x1;
	s20 =	simm.s32 @!p0 $0xF  }
0x11f: {  	v5 =	vld [tilespmem:$0x3060];
	s19 =	sadd.s32 s24, s18;
	[smem:$0x7EA] =	sst s0;
	s0 =	simm.s32 @!p0 $0x0  }
0x120: {  	p3 =	sge.s32 s19, s17;
	(xrf0) =	vadd.scan.msk.s32 $0xffff, v6;
	s0 =	simm.s32 @p0 $0x1;
	p0 =	slt.s32 s20, $0x0  }
0x121: {  	s25 =	spop (v2sf);
	p0 =	por !p3, !p0  }
0x122: {  	s21 =	sadd.s32 s25, s19;
	v6, _, _ =	vpop (xrf0);
	p0 =	por !p0, !p0  }
0x123: {  	[smem:$0x7EB] =	sst s0;
	(v2sf) =	vpush v6, $0xF;
	s0 =	simm.s32 @!p0 $0x0;
	s20 =	simm.s32 @p0 $0xD  }
0x124: {  	p4 =	sge.s32 s21, s17;
	(xrf0) =	vadd.scan.msk.s32 $0xffff, v5;
	s0 =	simm.s32 @p0 $0x1;
	p0 =	slt.s32 s20, $0x0  }
0x125: {  	v6 =	vld [tilespmem:$0x3050];
	p0 =	por !p4, !p0  }
0x126: {  	[smem:$0x7EC] =	sst s0;
	s26 =	spop (v2sf);
	v5, _, _ =	vpop (xrf0);
	p0 =	por !p0, !p0  }
0x127: {  	s22 =	sadd.s32 s26, s21;
	(v2sf) =	vpush v5, $0xF;
	s0 =	simm.s32 @!p0 $0x0;
	s20 =	simm.s32 @p0 $0xC  }
0x128: {  	p5 =	sge.s32 s22, s17;
	s0 =	simm.s32 @p0 $0x1;
	p0 =	slt.s32 s20, $0x0  }
0x129: {  	v5 =	vld [tilespmem:$0x3040];
	p0 =	por !p5, !p0  }
0x12a: {  	(xrf0) =	vadd.scan.msk.s32 $0xffff, v6;
	v6, _, _ =	vpop (xrf0);
	[smem:$0x7ED] =	sst s0;
	s28 =	spop (v2sf);
	p0 =	por !p0, !p0  }
0x12b: {  	(v2sf) =	vpush v6, $0xF;
	s23 =	sadd.s32 s28, s22;
	s0 =	simm.s32 @!p0 $0x0;
	s20 =	simm.s32 @p0 $0xB  }
0x12c: {  	v6 =	vld [tilespmem:$0x3030];
	p6 =	sge.s32 s23, s17;
	s0 =	simm.s32 @p0 $0x1;
	p0 =	slt.s32 s20, $0x0  }
0x12d: {  	s29 =	spop (v2sf);
	p0 =	por !p6, !p0  }
0x12e: {  	(xrf0) =	vadd.scan.msk.s32 $0xffff, v5;
	s24 =	sadd.s32 s29, s23;
	p0 =	por !p0, !p0  }
0x12f: {  	[smem:$0x7EE] =	sst s0;
	s0 =	simm.s32 @!p0 $0x0;
	s20 =	simm.s32 @p0 $0xA  }
0x130: {  	v5, _, _ =	vpop (xrf0);
	p2 =	sge.s32 s24, s17;
	s0 =	simm.s32 @p0 $0x1;
	p0 =	slt.s32 s20, $0x0  }
0x131: {  	(v2sf) =	vpush v5, $0xF;
	v5 =	vld [tilespmem:$0x3020];
	(xrf0) =	vadd.scan.msk.s32 $0xffff, v6;
	p0 =	por !p2, !p0  }
0x132: {  	[smem:$0x7EF] =	sst s0;
	s30 =	spop (v2sf);
	p0 =	por !p0, !p0  }
0x133: {  	s25 =	sadd.s32 s30, s24;
	s0 =	simm.s32 @!p0 $0x0;
	s20 =	simm.s32 @p0 $0x9  }
0x134: {  	v6, _, _ =	vpop (xrf0);
	p3 =	sge.s32 s25, s17;
	s0 =	simm.s32 @p0 $0x1;
	p0 =	slt.s32 s20, $0x0  }
0x135: {  	(v2sf) =	vpush v6, $0xF;
	v6 =	vld [tilespmem:$0x3010];
	p0 =	por !p3, !p0  }
0x136: {  	(xrf0) =	vadd.scan.msk.s32 $0xffff, v5;
	[smem:$0x7F0] =	sst s0;
	s31 =	spop (v2sf);
	p0 =	por !p0, !p0  }
0x137: {  	v5, _, _ =	vpop (xrf0);
	s26 =	sadd.s32 s31, s25;
	s0 =	simm.s32 @!p0 $0x0;
	s20 =	simm.s32 @p0 $0x8  }
0x138: {  	(v2sf) =	vpush v5, $0xF;
	v5 =	vld [tilespmem:$0x3000];
	p4 =	sge.s32 s26, s17;
	s0 =	simm.s32 @p0 $0x1;
	p0 =	slt.s32 s20, $0x0  }
0x139: {  	p0 =	por !p4, !p0  }
0x13a: {  	(xrf0) =	vadd.scan.msk.s32 $0xffff, v6;
	s2 =	spop (v2sf);
	[smem:$0x7F1] =	sst s0;
	p0 =	por !p0, !p0  }
0x13b: {  	s28 =	sadd.s32 s2, s26;
	s0 =	simm.s32 @!p0 $0x0;
	s20 =	simm.s32 @p0 $0x7  }
0x13c: {  	v6, _, _ =	vpop (xrf0);
	p5 =	sge.s32 s28, s17;
	s0 =	simm.s32 @p0 $0x1;
	p0 =	slt.s32 s20, $0x0  }
0x13d: {  	(v2sf) =	vpush v6, $0xF;
	(xrf0) =	vadd.scan.msk.s32 $0xffff, v5;
	p0 =	por !p5, !p0  }
0x13e: {  	p0 =	por !p0, !p0  }
0x13f: {  	[smem:$0x7F2] =	sst s0;
	s0 =	simm.s32 @!p0 $0x0  }
0x140: {  	v5, _, _ =	vpop (xrf0);
	s6 =	spop (v2sf);
	s0 =	simm.s32 @p0 $0x1  }
0x141: {  	(v2sf) =	vpush v5, $0xF;
	s20 =	simm.s32 @p0 $0x6;
	[smem:$0x7F3] =	sst s0;
	s0 =	sadd.s32 s6, s28  }
0x142: {  	p0 =	slt.s32 s20, $0x0;
	p6 =	sge.s32 s0, s17  }
0x143: {  	v5, _, _ =	vpop (xrf0);
	p0 =	por !p6, !p0  }
0x144: {  	s29 =	spop (v2sf);
	(v2sf) =	vpush v5, $0xF;
	p5 =	por !p0, !p0  }
0x145: {  	s29 =	sadd.s32 s29, s0;
	s20 =	simm.s32 @p5 $0x5  }
0x146: {  	p2 =	sge.s32 s29, s17;
	p1 =	slt.s32 s20, $0x0  }
0x147: {  	p0 =	por !p2, !p1  }
0x148: {  	s30 =	spop (v2sf);
	p4 =	por !p0, !p0  }
0x149: {  	s30 =	sadd.s32 s30, s29;
	s20 =	simm.s32 @p4 $0x4  }
0x14a: {  	p6 =	sge.s32 s30, s17;
	p3 =	slt.s32 s20, $0x0  }
0x14b: {  	p0 =	por !p6, !p3  }
0x14c: {  	s31 =	spop (v2sf);
	p3 =	por !p0, !p0  }
0x14d: {  	s31 =	sadd.s32 s31, s30;
	s20 =	simm.s32 @p3 $0x3  }
0x14e: {  	p6 =	sge.s32 s31, s17;
	p2 =	slt.s32 s20, $0x0  }
0x14f: {  	p0 =	por !p6, !p2  }
0x150: {  	s2 =	spop (v2sf);
	p2 =	por !p0, !p0  }
0x151: {  	s2 =	sadd.s32 s2, s31;
	s20 =	simm.s32 @p2 $0x2  }
0x152: {  	p6 =	sge.s32 s2, s17;
	p1 =	slt.s32 s20, $0x0  }
0x153: {  	s6 =	spop (v2sf);
	p0 =	por !p6, !p1  }
0x154: {  	s6 =	sadd.s32 s6, s2;
	p1 =	por !p0, !p0  }
0x155: {  	p0 =	sge.s32 s6, s17;
	s20 =	simm.s32 @p1 $0x1  }
0x156: {  	p6 =	slt.s32 s20, $0x0;
	s6 =	sshll.u32 s20, $0x4;
	s20 =	sld [smem:$0x7EA]  }
0x157: {  	_ =	sdelay $0x1  }
0x158: {  	p0 =	por !p0, !p6;
	p6 =	seq.s32 s20, $0x1;
	s20 =	sld [smem:$0x7EB]  }
0x159: {  	_ =	sdelay $0x1  }
0x15a: {  	s15 =	simm.s32 @!p6 $0x0;
	p6 =	seq.s32 s20, $0x1;
	s20 =	sld [smem:$0x7EC]  }
0x15b: {  	_ =	sdelay $0x1  }
0x15c: {  	s15 =	simm.s32 @!p6 $0x0;
	p6 =	seq.s32 s20, $0x1;
	s20 =	sld [smem:$0x7ED]  }
0x15d: {  	_ =	sdelay $0x1  }
0x15e: {  	s15 =	smov.u32 @p6 s18;
	p6 =	seq.s32 s20, $0x1;
	s20 =	sld [smem:$0x7EE]  }
0x15f: {  	_ =	sdelay $0x1  }
0x160: {  	s15 =	smov.u32 @p6 s19;
	p6 =	seq.s32 s20, $0x1  }
0x161: {  	s15 =	smov.u32 @p6 s21;
	s21 =	sld [smem:$0x7EF];
	_ =	sdelay $0x2  }
0x162: {  	p6 =	seq.s32 s21, $0x1  }
0x163: {  	p0 =	por !p0, !p0;
	s15 =	smov.u32 @p6 s22;
	s22 =	sld [smem:$0x7F0]  }
0x164: {  	s6 =	simm.s32 @p0 $0x0  }
0x165: {  	v5 =	vor.u32 s6, v0  }
0x166: {  	p6 =	seq.s32 s22, $0x1  }
0x167: {  	s15 =	smov.u32 @p6 s23;
	s23 =	sld [smem:$0x7F1];
	_ =	sdelay $0x2  }
0x168: {  	v5 =	vld.idx.msk [tilespmem:v5+s10+$0x0], $0xffff;
	p6 =	seq.s32 s23, $0x1  }
0x169: {  	s15 =	smov.u32 @p6 s24;
	s24 =	sld [smem:$0x7F2];
	_ =	sdelay $0x2  }
0x16a: {  	p6 =	seq.s32 s24, $0x1  }
0x16b: {  	v6 =	vperm.xlane v5, v3;
	s15 =	smov.u32 @p6 s25;
	s25 =	sld [smem:$0x7F3];
	_ =	sdelay $0x1  }
0x16c: {  	(xrf0) =	vadd.scan.msk.s32 $0xffff, v6  }
0x16d: {  	p6 =	seq.s32 s25, $0x1  }
0x16e: {  	s15 =	smov.u32 @p6 s26  }
0x16f: {  	s15 =	smov.u32 @p5 s28  }
0x170: {  	s15 =	smov.u32 @p4 s0  }
0x171: {  	s15 =	smov.u32 @p3 s29  }
0x172: {  	v6, _, _ =	vpop (xrf0);
	s15 =	smov.u32 @p2 s30  }
0x173: {  	v6 =	vperm.xlane v6, v3;
	s15 =	smov.u32 @p1 s31  }
0x174: {  	s15 =	smov.u32 @p0 s2  }
0x175: {  	v7 =	vadd.s32 s15, v6  }
0x176: {  	vm15 =	vge.s32 v7, s17  }
0x177: {  	v7 =	vmpcnt.ones.xlane vm15;
	_ =	sdelay $0x1  }
0x178: {  	v7 =	vxor.u32 $0x80000000, v7  }
0x179: {  	(xrf0) =	vmax.scan.msk.u32 $0xffff, v7;
	_ =	sdelay $0x5  }
0x17a: {  	v7, _, _ =	vpop (xrf0)  }
0x17b: {  	(v2sf) =	vpush v7, $0xF;
	_ =	sdelay $0x3  }
0x17c: {  	[tilespmem:$0x3000] =	vst v1  }
0x17d: {  	[tilespmem:$0x3010] =	vst v1  }
0x17e: {  	[tilespmem:$0x3020] =	vst v1  }
0x17f: {  	[tilespmem:$0x3030] =	vst v1  }
0x180: {  	[tilespmem:$0x3040] =	vst v1  }
0x181: {  	[tilespmem:$0x3050] =	vst v1  }
0x182: {  	[tilespmem:$0x3060] =	vst v1  }
0x183: {  	[tilespmem:$0x3070] =	vst v1  }
0x184: {  	[tilespmem:$0x3080] =	vst v1  }
0x185: {  	[tilespmem:$0x3090] =	vst v1  }
0x186: {  	[tilespmem:$0x30A0] =	vst v1  }
0x187: {  	[tilespmem:$0x30B0] =	vst v1;
	s30 =	spop (v2sf)  }
0x188: {  	[tilespmem:$0x30C0] =	vst v1;
	s18 =	sadd.s32 $0x7FFFFFFF, s30  }
0x189: {  	[tilespmem:$0x30D0] =	vst v1;
	s31 =	sshll.u32 s16, $0x8;
	s0 =	sadd.s32 s18, s6  }
0x18a: {  	[tilespmem:$0x30E0] =	vst v1;
	s16 =	sor.u32 s31, s0  }
0x18b: {  	[tilespmem:$0x30F0] =	vst v1;
	s19 =	simm.s32 $0x0;
	v7 =	vmov s16  }
.LBB2_7:
0x18c: {  	s0 =	sshra.s32 s19, $0x2  }
0x18d: {  	v8 =	vld [tilespmem:s0+$0x1000];
	_ =	sdelay $0x4  }
0x18e: {  	v9 =	vshra.s32 v8, $0xF  }
0x18f: {  	v8 =	vshrl.u32 v8, $0x7;
	vm0 =	veq.s32 v9, v7  }
0x190: {  	v8 =	vand.u32 $0xFF, v8;
	_ =	sdelay $0x4  }
0x191: {  	[tilespmem:v8+s10+$0x0] =	vst.idx.add.s32.msk vm0, v2  }
0x192: {  	v8 =	vld [tilespmem:s0+$0x1010];
	_ =	sdelay $0x4  }
0x193: {  	v57 =	vshra.s32 v8, $0xF  }
0x194: {  	v8 =	vshrl.u32 v8, $0x7;
	vm9 =	veq.s32 v57, v7  }
0x195: {  	v8 =	vand.u32 $0xFF, v8;
	_ =	sdelay $0x4  }
0x196: {  	[tilespmem:v8+s10+$0x0] =	vst.idx.add.s32.msk vm9, v2  }
0x197: {  	v8 =	vld [tilespmem:s0+$0x1020];
	_ =	sdelay $0x4  }
0x198: {  	v58 =	vshra.s32 v8, $0xF  }
0x199: {  	v8 =	vshrl.u32 v8, $0x7;
	vm10 =	veq.s32 v58, v7  }
0x19a: {  	v8 =	vand.u32 $0xFF, v8;
	_ =	sdelay $0x4  }
0x19b: {  	[tilespmem:v8+s10+$0x0] =	vst.idx.add.s32.msk vm10, v2  }
0x19c: {  	v8 =	vld [tilespmem:s0+$0x1030];
	_ =	sdelay $0x4  }
0x19d: {  	v59 =	vshra.s32 v8, $0xF  }
0x19e: {  	v8 =	vshrl.u32 v8, $0x7;
	vm11 =	veq.s32 v59, v7  }
0x19f: {  	v8 =	vand.u32 $0xFF, v8;
	_ =	sdelay $0x4  }
0x1a0: {  	[tilespmem:v8+s10+$0x0] =	vst.idx.add.s32.msk vm11, v2  }
0x1a1: {  	v8 =	vld [tilespmem:s0+$0x1040];
	_ =	sdelay $0x4  }
0x1a2: {  	v60 =	vshra.s32 v8, $0xF  }
0x1a3: {  	v8 =	vshrl.u32 v8, $0x7;
	vm12 =	veq.s32 v60, v7  }
0x1a4: {  	v8 =	vand.u32 $0xFF, v8;
	_ =	sdelay $0x4  }
0x1a5: {  	[tilespmem:v8+s10+$0x0] =	vst.idx.add.s32.msk vm12, v2  }
0x1a6: {  	v8 =	vld [tilespmem:s0+$0x1050];
	_ =	sdelay $0x4  }
0x1a7: {  	v61 =	vshra.s32 v8, $0xF  }
0x1a8: {  	v8 =	vshrl.u32 v8, $0x7;
	vm13 =	veq.s32 v61, v7  }
0x1a9: {  	v8 =	vand.u32 $0xFF, v8;
	_ =	sdelay $0x4  }
0x1aa: {  	[tilespmem:v8+s10+$0x0] =	vst.idx.add.s32.msk vm13, v2  }
0x1ab: {  	v8 =	vld [tilespmem:s0+$0x1060];
	_ =	sdelay $0x4  }
0x1ac: {  	v62 =	vshra.s32 v8, $0xF  }
0x1ad: {  	v8 =	vshrl.u32 v8, $0x7;
	vm14 =	veq.s32 v62, v7  }
0x1ae: {  	v8 =	vand.u32 $0xFF, v8;
	_ =	sdelay $0x4  }
0x1af: {  	[tilespmem:v8+s10+$0x0] =	vst.idx.add.s32.msk vm14, v2  }
0x1b0: {  	v8 =	vld [tilespmem:s0+$0x1070];
	_ =	sdelay $0x4  }
0x1b1: {  	v63 =	vshra.s32 v8, $0xF  }
0x1b2: {  	v8 =	vshrl.u32 v8, $0x7;
	vm15 =	veq.s32 v63, v7  }
0x1b3: {  	p0 =	sne.s32 s19, $0x3E00;
	v8 =	vand.u32 $0xFF, v8  }
.Ltmp2:
0x1b4: {  	_ = 	snop;
	(pc) =	sbr.rel @p0 .LBB2_7-.Ltmp2, $2  }
0x1b5: {  	_ =	sdelay $0x2  }
0x1b6: {  	s19 =	sadd.s32 $0x200, s19;
	[tilespmem:v8+s10+$0x0] =	vst.idx.add.s32.msk vm15, v2  }
0x1b7: {  	v7 =	vmov s18;
	v8 =	vld [tilespmem:$0x30F0]  }
0x1b8: {  	vm0 =	veq.s32 v7, v0;
	v7 =	vld [tilespmem:$0x30E0]  }
0x1b9: {  	v5 =	vnsel vm0, $0x0, v5  }
0x1ba: {  	(xrf0) =	vadd.scan.msk.s32 $0xffff, v5;
	v5 =	vnsel vm0, $0x0, v6  }
0x1bb: {  	(xrf0) =	vadd.scan.msk.s32 $0xffff, v5  }
0x1bc: {  	v5 =	vld [tilespmem:$0x30D0];
	(xrf0) =	vadd.scan.msk.s32 $0xffff, v8  }
0x1bd: {  	(xrf0) =	vadd.scan.msk.s32 $0xffff, v7;
	_ =	sdelay $0x1  }
0x1be: {  	v6 =	vld [tilespmem:$0x30C0]  }
0x1bf: {  	v7, _, _ =	vpop (xrf0)  }
0x1c0: {  	(xrf0) =	vadd.scan.msk.s32 $0xffff, v5;
	v5, _, _ =	vpop (xrf0);
	(v2sf) =	vpush v7, $0xF  }
0x1c1: {  	v7, _, _ =	vpop (xrf0);
	(v2sf) =	vpush v5, $0xF  }
0x1c2: {  	(v2sf) =	vpush v7, $0xF;
	v5, _, _ =	vpop (xrf0)  }
0x1c3: {  	(xrf0) =	vadd.scan.msk.s32 $0xffff, v6;
	v7 =	vld [tilespmem:$0x30B0];
	(v2sf) =	vpush v5, $0xF;
	_ =	sdelay $0x2  }
0x1c4: {  	v5, _, _ =	vpop (xrf0)  }
0x1c5: {  	(v2sf) =	vpush v5, $0xF;
	v5 =	vld [tilespmem:$0x30A0]  }
0x1c6: {  	(xrf0) =	vadd.scan.msk.s32 $0xffff, v7  }
0x1c7: {  	v6, _, _ =	vpop (xrf0)  }
0x1c8: {  	(v2sf) =	vpush v6, $0xF;
	v6 =	vld [tilespmem:$0x3090];
	_ =	sdelay $0x1  }
0x1c9: {  	(xrf0) =	vadd.scan.msk.s32 $0xffff, v5;
	_ =	sdelay $0x1  }
0x1ca: {  	v5, _, _ =	vpop (xrf0)  }
0x1cb: {  	(xrf0) =	vadd.scan.msk.s32 $0xffff, v6;
	(v2sf) =	vpush v5, $0xF;
	v5 =	vld [tilespmem:$0x3080];
	s0 =	spop (v2sf)  }
0x1cc: {  	s2 =	spop (v2sf)  }
0x1cd: {  	s18 =	spop (v2sf)  }
0x1ce: {  	s0 =	sadd.s32 s0, s17;
	v6, _, _ =	vpop (xrf0);
	s2 =	sadd.s32 s15, s2;
	s6 =	spop (v2sf)  }
0x1cf: {  	(v2sf) =	vpush v6, $0xF;
	v6 =	vld [tilespmem:$0x3070];
	s15 =	ssub.s32 s0, s2;
	s17 =	sadd.s32 s18, s6  }
0x1d0: {  	s20 =	simm.s32 $0xE;
	(xrf0) =	vadd.scan.msk.s32 $0xffff, v5;
	p1 =	sge.s32 s17, s15  }
0x1d1: {  	p0 =	slt.s32 s18, s15;
	v5, _, _ =	vpop (xrf0);
	s0 =	simm.s32 @!p1 $0x0;
	s20 =	simm.s32 @!p1 $0xFFFFFFFF  }
0x1d2: {  	(v2sf) =	vpush v5, $0xF;
	s24 =	spop (v2sf);
	s0 =	simm.s32 @p1 $0x1;
	s20 =	simm.s32 @!p0 $0xF  }
0x1d3: {  	v5 =	vld [tilespmem:$0x3060];
	s19 =	sadd.s32 s24, s17;
	[smem:$0x7E0] =	sst s0;
	s0 =	simm.s32 @!p0 $0x0  }
0x1d4: {  	p3 =	sge.s32 s19, s15;
	(xrf0) =	vadd.scan.msk.s32 $0xffff, v6;
	s0 =	simm.s32 @p0 $0x1;
	p0 =	slt.s32 s20, $0x0  }
0x1d5: {  	s25 =	spop (v2sf);
	p0 =	por !p3, !p0  }
0x1d6: {  	s21 =	sadd.s32 s25, s19;
	v6, _, _ =	vpop (xrf0);
	p0 =	por !p0, !p0  }
0x1d7: {  	[smem:$0x7E1] =	sst s0;
	(v2sf) =	vpush v6, $0xF;
	s0 =	simm.s32 @!p0 $0x0;
	s20 =	simm.s32 @p0 $0xD  }
0x1d8: {  	p4 =	sge.s32 s21, s15;
	(xrf0) =	vadd.scan.msk.s32 $0xffff, v5;
	s0 =	simm.s32 @p0 $0x1;
	p0 =	slt.s32 s20, $0x0  }
0x1d9: {  	v6 =	vld [tilespmem:$0x3050];
	p0 =	por !p4, !p0  }
0x1da: {  	[smem:$0x7E2] =	sst s0;
	s26 =	spop (v2sf);
	v5, _, _ =	vpop (xrf0);
	p0 =	por !p0, !p0  }
0x1db: {  	s22 =	sadd.s32 s26, s21;
	(v2sf) =	vpush v5, $0xF;
	s0 =	simm.s32 @!p0 $0x0;
	s20 =	simm.s32 @p0 $0xC  }
0x1dc: {  	v5 =	vld [tilespmem:$0x3040];
	p5 =	sge.s32 s22, s15;
	s0 =	simm.s32 @p0 $0x1;
	p0 =	slt.s32 s20, $0x0  }
0x1dd: {  	p0 =	por !p5, !p0  }
0x1de: {  	(xrf0) =	vadd.scan.msk.s32 $0xffff, v6;
	v6, _, _ =	vpop (xrf0);
	[smem:$0x7E3] =	sst s0;
	s28 =	spop (v2sf);
	p0 =	por !p0, !p0  }
0x1df: {  	(v2sf) =	vpush v6, $0xF;
	v6 =	vld [tilespmem:$0x3030];
	s23 =	sadd.s32 s28, s22;
	s0 =	simm.s32 @!p0 $0x0;
	s20 =	simm.s32 @p0 $0xB  }
0x1e0: {  	p6 =	sge.s32 s23, s15;
	s0 =	simm.s32 @p0 $0x1;
	p0 =	slt.s32 s20, $0x0  }
0x1e1: {  	(xrf0) =	vadd.scan.msk.s32 $0xffff, v5;
	s29 =	spop (v2sf);
	p0 =	por !p6, !p0  }
0x1e2: {  	s24 =	sadd.s32 s29, s23;
	p0 =	por !p0, !p0  }
0x1e3: {  	[smem:$0x7E4] =	sst s0;
	s0 =	simm.s32 @!p0 $0x0;
	s20 =	simm.s32 @p0 $0xA  }
0x1e4: {  	v5, _, _ =	vpop (xrf0);
	p2 =	sge.s32 s24, s15;
	(xrf0) =	vadd.scan.msk.s32 $0xffff, v6;
	s0 =	simm.s32 @p0 $0x1;
	p0 =	slt.s32 s20, $0x0  }
0x1e5: {  	(v2sf) =	vpush v5, $0xF;
	v5 =	vld [tilespmem:$0x3020];
	p0 =	por !p2, !p0  }
0x1e6: {  	[smem:$0x7E5] =	sst s0;
	s30 =	spop (v2sf);
	p0 =	por !p0, !p0  }
0x1e7: {  	v6, _, _ =	vpop (xrf0);
	s25 =	sadd.s32 s30, s24;
	s0 =	simm.s32 @!p0 $0x0;
	s20 =	simm.s32 @p0 $0x9  }
0x1e8: {  	(v2sf) =	vpush v6, $0xF;
	p3 =	sge.s32 s25, s15;
	s0 =	simm.s32 @p0 $0x1;
	p0 =	slt.s32 s20, $0x0  }
0x1e9: {  	v6 =	vld [tilespmem:$0x3010];
	p0 =	por !p3, !p0  }
0x1ea: {  	(xrf0) =	vadd.scan.msk.s32 $0xffff, v5;
	v5, _, _ =	vpop (xrf0);
	[smem:$0x7E6] =	sst s0;
	s31 =	spop (v2sf);
	p0 =	por !p0, !p0  }
0x1eb: {  	(v2sf) =	vpush v5, $0xF;
	v5 =	vld [tilespmem:$0x3000];
	s26 =	sadd.s32 s31, s25;
	s0 =	simm.s32 @!p0 $0x0;
	s20 =	simm.s32 @p0 $0x8  }
0x1ec: {  	p4 =	sge.s32 s26, s15;
	s0 =	simm.s32 @p0 $0x1;
	p0 =	slt.s32 s20, $0x0  }
0x1ed: {  	p0 =	por !p4, !p0  }
0x1ee: {  	(xrf0) =	vadd.scan.msk.s32 $0xffff, v6;
	s2 =	spop (v2sf);
	[smem:$0x7E7] =	sst s0;
	p0 =	por !p0, !p0  }
0x1ef: {  	s28 =	sadd.s32 s2, s26;
	s0 =	simm.s32 @!p0 $0x0;
	s20 =	simm.s32 @p0 $0x7  }
0x1f0: {  	v6, _, _ =	vpop (xrf0);
	(xrf0) =	vadd.scan.msk.s32 $0xffff, v5;
	p5 =	sge.s32 s28, s15;
	s0 =	simm.s32 @p0 $0x1;
	p0 =	slt.s32 s20, $0x0  }
0x1f1: {  	(v2sf) =	vpush v6, $0xF;
	p0 =	por !p5, !p0  }
0x1f2: {  	p0 =	por !p0, !p0  }
0x1f3: {  	[smem:$0x7E8] =	sst s0;
	s0 =	simm.s32 @!p0 $0x0  }
0x1f4: {  	v5, _, _ =	vpop (xrf0);
	s6 =	spop (v2sf);
	s0 =	simm.s32 @p0 $0x1  }
0x1f5: {  	(v2sf) =	vpush v5, $0xF;
	s20 =	simm.s32 @p0 $0x6;
	[smem:$0x7E9] =	sst s0;
	s0 =	sadd.s32 s6, s28  }
0x1f6: {  	p0 =	slt.s32 s20, $0x0;
	v5, _, _ =	vpop (xrf0);
	p6 =	sge.s32 s0, s15  }
0x1f7: {  	s29 =	spop (v2sf);
	(v2sf) =	vpush v5, $0xF;
	p0 =	por !p6, !p0  }
0x1f8: {  	p5 =	por !p0, !p0  }
0x1f9: {  	s2 =	sadd.s32 s29, s0;
	s20 =	simm.s32 @p5 $0x5  }
0x1fa: {  	p2 =	sge.s32 s2, s15;
	p1 =	slt.s32 s20, $0x0  }
0x1fb: {  	p0 =	por !p2, !p1  }
0x1fc: {  	s30 =	spop (v2sf);
	p4 =	por !p0, !p0  }
0x1fd: {  	s6 =	sadd.s32 s30, s2;
	s20 =	simm.s32 @p4 $0x4  }
0x1fe: {  	p6 =	sge.s32 s6, s15;
	p3 =	slt.s32 s20, $0x0  }
0x1ff: {  	p0 =	por !p6, !p3  }
0x200: {  	s29 =	spop (v2sf);
	p3 =	por !p0, !p0  }
0x201: {  	s29 =	sadd.s32 s29, s6;
	s20 =	simm.s32 @p3 $0x3  }
0x202: {  	p6 =	sge.s32 s29, s15;
	p2 =	slt.s32 s20, $0x0  }
0x203: {  	p0 =	por !p6, !p2  }
0x204: {  	s30 =	spop (v2sf);
	p2 =	por !p0, !p0  }
0x205: {  	s30 =	sadd.s32 s30, s29;
	s20 =	simm.s32 @p2 $0x2  }
0x206: {  	p6 =	sge.s32 s30, s15;
	s31 =	spop (v2sf);
	p1 =	slt.s32 s20, $0x0  }
0x207: {  	s31 =	sadd.s32 s31, s30;
	p0 =	por !p6, !p1  }
0x208: {  	p1 =	por !p0, !p0;
	p0 =	sge.s32 s31, s15;
	s31 =	sld [smem:$0x7E0]  }
0x209: {  	s20 =	simm.s32 @p1 $0x1  }
0x20a: {  	p6 =	slt.s32 s20, $0x0  }
0x20b: {  	p0 =	por !p0, !p6;
	p6 =	seq.s32 s31, $0x1;
	s31 =	sld [smem:$0x7E1]  }
0x20c: {  	_ =	sdelay $0x1  }
0x20d: {  	s18 =	simm.s32 @!p6 $0x0;
	p6 =	seq.s32 s31, $0x1;
	s31 =	sld [smem:$0x7E2]  }
0x20e: {  	_ =	sdelay $0x1  }
0x20f: {  	s18 =	simm.s32 @!p6 $0x0;
	p6 =	seq.s32 s31, $0x1;
	s31 =	sld [smem:$0x7E3]  }
0x210: {  	_ =	sdelay $0x1  }
0x211: {  	s18 =	smov.u32 @p6 s17;
	p6 =	seq.s32 s31, $0x1  }
0x212: {  	s18 =	smov.u32 @p6 s19;
	s19 =	sld [smem:$0x7E4];
	_ =	sdelay $0x2  }
0x213: {  	p6 =	seq.s32 s19, $0x1  }
0x214: {  	s18 =	smov.u32 @p6 s21;
	s21 =	sld [smem:$0x7E5];
	_ =	sdelay $0x2  }
0x215: {  	s20 =	sshll.u32 s20, $0x4;
	p6 =	seq.s32 s21, $0x1  }
0x216: {  	p0 =	por !p0, !p0;
	s18 =	smov.u32 @p6 s22;
	s22 =	sld [smem:$0x7E6]  }
0x217: {  	s20 =	simm.s32 @p0 $0x0  }
0x218: {  	v5 =	vor.u32 s20, v0  }
0x219: {  	p6 =	seq.s32 s22, $0x1  }
0x21a: {  	s18 =	smov.u32 @p6 s23;
	s23 =	sld [smem:$0x7E7];
	_ =	sdelay $0x2  }
0x21b: {  	v5 =	vld.idx.msk [tilespmem:v5+s10+$0x0], $0xffff;
	p6 =	seq.s32 s23, $0x1  }
0x21c: {  	s18 =	smov.u32 @p6 s24;
	s24 =	sld [smem:$0x7E8];
	_ =	sdelay $0x2  }
0x21d: {  	p6 =	seq.s32 s24, $0x1  }
0x21e: {  	v6 =	vperm.xlane v5, v3;
	s18 =	smov.u32 @p6 s25;
	s25 =	sld [smem:$0x7E9];
	_ =	sdelay $0x1  }
0x21f: {  	(xrf0) =	vadd.scan.msk.s32 $0xffff, v6  }
0x220: {  	p6 =	seq.s32 s25, $0x1  }
0x221: {  	s18 =	smov.u32 @p6 s26  }
0x222: {  	s18 =	smov.u32 @p5 s28  }
0x223: {  	s18 =	smov.u32 @p4 s0  }
0x224: {  	s18 =	smov.u32 @p3 s2  }
0x225: {  	v6, _, _ =	vpop (xrf0);
	s18 =	smov.u32 @p2 s6  }
0x226: {  	v6 =	vperm.xlane v6, v3;
	s18 =	smov.u32 @p1 s29  }
0x227: {  	s18 =	smov.u32 @p0 s30  }
0x228: {  	v7 =	vadd.s32 s18, v6  }
0x229: {  	vm15 =	vge.s32 v7, s15  }
0x22a: {  	v7 =	vmpcnt.ones.xlane vm15;
	_ =	sdelay $0x1  }
0x22b: {  	v7 =	vxor.u32 $0x80000000, v7  }
0x22c: {  	(xrf0) =	vmax.scan.msk.u32 $0xffff, v7;
	_ =	sdelay $0x5  }
0x22d: {  	v7, _, _ =	vpop (xrf0)  }
0x22e: {  	(v2sf) =	vpush v7, $0xF;
	_ =	sdelay $0xb  }
0x22f: {  	[tilespmem:$0x3000] =	vst v1  }
0x230: {  	[tilespmem:$0x3010] =	vst v1  }
0x231: {  	[tilespmem:$0x3020] =	vst v1  }
0x232: {  	[tilespmem:$0x3030] =	vst v1;
	s30 =	spop (v2sf)  }
0x233: {  	[tilespmem:$0x3040] =	vst v1;
	s17 =	sadd.s32 $0x7FFFFFFF, s30  }
0x234: {  	[tilespmem:$0x3050] =	vst v1;
	s31 =	sshll.u32 s16, $0x8;
	s0 =	sadd.s32 s17, s20  }
0x235: {  	[tilespmem:$0x3060] =	vst v1;
	s16 =	sor.u32 s31, s0  }
0x236: {  	[tilespmem:$0x3070] =	vst v1;
	s19 =	simm.s32 $0x0;
	v7 =	vmov s16  }
.LBB2_9:
0x237: {  	s0 =	sshra.s32 s19, $0x2  }
0x238: {  	v8 =	vld [tilespmem:s0+$0x1000];
	_ =	sdelay $0x4  }
0x239: {  	v9 =	vshra.s32 v8, $0x7  }
0x23a: {  	vm0 =	veq.s32 v9, v7  }
0x23b: {  	v8 =	vand.u32 $0x7F, v8;
	_ =	sdelay $0x4  }
0x23c: {  	[tilespmem:v8+s10+$0x0] =	vst.idx.add.s32.msk vm0, v2  }
0x23d: {  	v8 =	vld [tilespmem:s0+$0x1010];
	_ =	sdelay $0x4  }
0x23e: {  	v57 =	vshra.s32 v8, $0x7  }
0x23f: {  	vm9 =	veq.s32 v57, v7  }
0x240: {  	v8 =	vand.u32 $0x7F, v8;
	_ =	sdelay $0x4  }
0x241: {  	[tilespmem:v8+s10+$0x0] =	vst.idx.add.s32.msk vm9, v2  }
0x242: {  	v8 =	vld [tilespmem:s0+$0x1020];
	_ =	sdelay $0x4  }
0x243: {  	v58 =	vshra.s32 v8, $0x7  }
0x244: {  	vm10 =	veq.s32 v58, v7  }
0x245: {  	v8 =	vand.u32 $0x7F, v8;
	_ =	sdelay $0x4  }
0x246: {  	[tilespmem:v8+s10+$0x0] =	vst.idx.add.s32.msk vm10, v2  }
0x247: {  	v8 =	vld [tilespmem:s0+$0x1030];
	_ =	sdelay $0x4  }
0x248: {  	v59 =	vshra.s32 v8, $0x7  }
0x249: {  	vm11 =	veq.s32 v59, v7  }
0x24a: {  	v8 =	vand.u32 $0x7F, v8;
	_ =	sdelay $0x4  }
0x24b: {  	[tilespmem:v8+s10+$0x0] =	vst.idx.add.s32.msk vm11, v2  }
0x24c: {  	v8 =	vld [tilespmem:s0+$0x1040];
	_ =	sdelay $0x4  }
0x24d: {  	v60 =	vshra.s32 v8, $0x7  }
0x24e: {  	vm12 =	veq.s32 v60, v7  }
0x24f: {  	v8 =	vand.u32 $0x7F, v8;
	_ =	sdelay $0x4  }
0x250: {  	[tilespmem:v8+s10+$0x0] =	vst.idx.add.s32.msk vm12, v2  }
0x251: {  	v8 =	vld [tilespmem:s0+$0x1050];
	_ =	sdelay $0x4  }
0x252: {  	v61 =	vshra.s32 v8, $0x7  }
0x253: {  	vm13 =	veq.s32 v61, v7  }
0x254: {  	v8 =	vand.u32 $0x7F, v8;
	_ =	sdelay $0x4  }
0x255: {  	[tilespmem:v8+s10+$0x0] =	vst.idx.add.s32.msk vm13, v2  }
0x256: {  	v8 =	vld [tilespmem:s0+$0x1060];
	_ =	sdelay $0x4  }
0x257: {  	v62 =	vshra.s32 v8, $0x7  }
0x258: {  	vm14 =	veq.s32 v62, v7  }
0x259: {  	v8 =	vand.u32 $0x7F, v8;
	_ =	sdelay $0x4  }
0x25a: {  	[tilespmem:v8+s10+$0x0] =	vst.idx.add.s32.msk vm14, v2  }
0x25b: {  	v8 =	vld [tilespmem:s0+$0x1070];
	_ =	sdelay $0x4  }
0x25c: {  	v63 =	vshra.s32 v8, $0x7  }
0x25d: {  	vm15 =	veq.s32 v63, v7  }
0x25e: {  	p0 =	sne.s32 s19, $0x3E00;
	v8 =	vand.u32 $0x7F, v8  }
.Ltmp3:
0x25f: {  	_ = 	snop;
	(pc) =	sbr.rel @p0 .LBB2_9-.Ltmp3, $2  }
0x260: {  	_ =	sdelay $0x2  }
0x261: {  	s19 =	sadd.s32 $0x200, s19;
	[tilespmem:v8+s10+$0x0] =	vst.idx.add.s32.msk vm15, v2  }
0x262: {  	v7 =	vmov s17;
	v8 =	vld [tilespmem:$0x3070]  }
0x263: {  	vm0 =	veq.s32 v7, v0;
	v7 =	vld [tilespmem:$0x3060]  }
0x264: {  	v5 =	vnsel vm0, $0x0, v5  }
0x265: {  	(xrf0) =	vadd.scan.msk.s32 $0xffff, v5;
	v5 =	vnsel vm0, $0x0, v6  }
0x266: {  	(xrf0) =	vadd.scan.msk.s32 $0xffff, v5  }
0x267: {  	v5 =	vld [tilespmem:$0x3050];
	(xrf0) =	vadd.scan.msk.s32 $0xffff, v8  }
0x268: {  	(xrf0) =	vadd.scan.msk.s32 $0xffff, v7;
	_ =	sdelay $0x2  }
0x269: {  	v7, _, _ =	vpop (xrf0)  }
0x26a: {  	(xrf0) =	vadd.scan.msk.s32 $0xffff, v5;
	v5, _, _ =	vpop (xrf0);
	(v2sf) =	vpush v7, $0xF  }
0x26b: {  	v6 =	vld [tilespmem:$0x3040];
	v7, _, _ =	vpop (xrf0);
	(v2sf) =	vpush v5, $0xF  }
0x26c: {  	(v2sf) =	vpush v7, $0xF;
	v5, _, _ =	vpop (xrf0)  }
0x26d: {  	(v2sf) =	vpush v5, $0xF;
	_ =	sdelay $0x1  }
0x26e: {  	v7 =	vld [tilespmem:$0x3030]  }
0x26f: {  	(xrf0) =	vadd.scan.msk.s32 $0xffff, v6;
	_ =	sdelay $0x1  }
0x270: {  	v5, _, _ =	vpop (xrf0)  }
0x271: {  	(v2sf) =	vpush v5, $0xF;
	v5 =	vld [tilespmem:$0x3020]  }
0x272: {  	(xrf0) =	vadd.scan.msk.s32 $0xffff, v7;
	_ =	sdelay $0x1  }
0x273: {  	v6, _, _ =	vpop (xrf0)  }
0x274: {  	(v2sf) =	vpush v6, $0xF;
	v6 =	vld [tilespmem:$0x3010]  }
0x275: {  	(xrf0) =	vadd.scan.msk.s32 $0xffff, v5  }
0x276: {  	s0 =	spop (v2sf)  }
0x277: {  	v5, _, _ =	vpop (xrf0);
	s2 =	spop (v2sf)  }
0x278: {  	(v2sf) =	vpush v5, $0xF;
	v5 =	vld [tilespmem:$0x3000];
	s17 =	spop (v2sf)  }
0x279: {  	(xrf0) =	vadd.scan.msk.s32 $0xffff, v6;
	s0 =	sadd.s32 s0, s15;
	s2 =	sadd.s32 s18, s2;
	s6 =	spop (v2sf)  }
0x27a: {  	s15 =	ssub.s32 s0, s2;
	s0 =	sadd.s32 s17, s6  }
0x27b: {  	v6, _, _ =	vpop (xrf0);
	p0 =	sge.s32 s0, s15  }
0x27c: {  	(v2sf) =	vpush v6, $0xF;
	s2 =	simm.s32 @!p0 $0x0  }
0x27d: {  	(xrf0) =	vadd.scan.msk.s32 $0xffff, v5;
	p1 =	slt.s32 s17, s15;
	s2 =	simm.s32 @p0 $0x1  }
0x27e: {  	s6 =	simm.s32 @!p1 $0x0;
	[smem:$0x7DE] =	sst s2;
	s2 =	simm.s32 $0x6  }
0x27f: {  	v5, _, _ =	vpop (xrf0);
	s6 =	simm.s32 @p1 $0x1;
	s25 =	spop (v2sf);
	s2 =	simm.s32 @!p0 $0xFFFFFFFF  }
0x280: {  	(v2sf) =	vpush v5, $0xF;
	[smem:$0x7DF] =	sst s6;
	s6 =	sadd.s32 s25, s0;
	s2 =	simm.s32 @!p1 $0x7  }
0x281: {  	p2 =	sge.s32 s6, s15;
	p3 =	slt.s32 s2, $0x0  }
0x282: {  	p0 =	por !p2, !p3  }
0x283: {  	s26 =	spop (v2sf);
	v5, _, _ =	vpop (xrf0);
	p2 =	por !p0, !p0  }
0x284: {  	s18 =	sadd.s32 s26, s6;
	(v2sf) =	vpush v5, $0xF;
	s2 =	simm.s32 @p2 $0x5  }
0x285: {  	p3 =	sge.s32 s18, s15;
	p4 =	slt.s32 s2, $0x0  }
0x286: {  	p0 =	por !p3, !p4  }
0x287: {  	s19 =	spop (v2sf);
	p3 =	por !p0, !p0  }
0x288: {  	s19 =	sadd.s32 s19, s18;
	s2 =	simm.s32 @p3 $0x4  }
0x289: {  	p4 =	sge.s32 s19, s15;
	p5 =	slt.s32 s2, $0x0  }
0x28a: {  	p0 =	por !p4, !p5  }
0x28b: {  	s20 =	spop (v2sf);
	p4 =	por !p0, !p0  }
0x28c: {  	s20 =	sadd.s32 s20, s19;
	s2 =	simm.s32 @p4 $0x3  }
0x28d: {  	p5 =	sge.s32 s20, s15;
	p6 =	slt.s32 s2, $0x0  }
0x28e: {  	p0 =	por !p5, !p6  }
0x28f: {  	s21 =	spop (v2sf);
	p5 =	por !p0, !p0  }
0x290: {  	s21 =	sadd.s32 s21, s20;
	s2 =	simm.s32 @p5 $0x2  }
0x291: {  	p6 =	sge.s32 s21, s15;
	p1 =	slt.s32 s2, $0x0  }
0x292: {  	p0 =	por !p6, !p1  }
0x293: {  	s22 =	spop (v2sf);
	p6 =	por !p0, !p0  }
0x294: {  	s22 =	sadd.s32 s22, s21;
	s2 =	simm.s32 @p6 $0x1  }
0x295: {  	p0 =	sge.s32 s22, s15;
	p1 =	slt.s32 s2, $0x0  }
0x296: {  	p0 =	por !p0, !p1  }
0x297: {  	s2 =	sshll.u32 s2, $0x4;
	p0 =	por !p0, !p0  }
0x298: {  	s2 =	simm.s32 @p0 $0x0  }
0x299: {  	v5 =	vor.u32 s2, v0;
	_ =	sdelay $0x4  }
0x29a: {  	v5 =	vld.idx.msk [tilespmem:v5+s10+$0x0], $0xffff;
	_ =	sdelay $0x3  }
0x29b: {  	s28 =	sld [smem:$0x7DE]  }
0x29c: {  	s29 =	sld [smem:$0x7DF];
	v5 =	vperm.xlane v5, v3;
	_ =	sdelay $0x1  }
0x29d: {  	p1 =	seq.s32 s28, $0x1;
	(xrf0) =	vadd.scan.msk.s32 $0xffff, v5  }
0x29e: {  	s17 =	simm.s32 @!p1 $0x0;
	p1 =	seq.s32 s29, $0x1  }
0x29f: {  	s17 =	simm.s32 @!p1 $0x0  }
0x2a0: {  	s17 =	smov.u32 @p2 s0  }
0x2a1: {  	s17 =	smov.u32 @p3 s6  }
0x2a2: {  	s17 =	smov.u32 @p4 s18  }
0x2a3: {  	s17 =	smov.u32 @p5 s19;
	v5, _, _ =	vpop (xrf0)  }
0x2a4: {  	s17 =	smov.u32 @p6 s20;
	v5 =	vperm.xlane v5, v3  }
0x2a5: {  	s17 =	smov.u32 @p0 s21  }
0x2a6: {  	v5 =	vadd.s32 s17, v5  }
0x2a7: {  	vm0 =	vge.s32 v5, s15  }
0x2a8: {  	v5 =	vmpcnt.ones.xlane vm0;
	_ =	sdelay $0x1  }
0x2a9: {  	v5 =	vxor.u32 $0x80000000, v5  }
0x2aa: {  	(xrf0) =	vmax.scan.msk.u32 $0xffff, v5;
	_ =	sdelay $0x5  }
0x2ab: {  	v5, _, _ =	vpop (xrf0)  }
0x2ac: {  	(v2sf) =	vpush v5, $0xF;
	_ =	sdelay $0xe  }
0x2ad: {  	s15 =	simm.s32 $0x0;
	s30 =	spop (v2sf)  }
0x2ae: {  	v6 =	vld [tilespmem:s15+$0x1070];
	s0 =	sadd.s32 s2, s30  }
0x2af: {  	s31 =	sshll.u32 s16, $0x7;
	v9 =	vld [tilespmem:s15+$0x1000];
	s0 =	sadd.s32 $0x7FFFFFFF, s0  }
0x2b0: {  	p0 =	slt.u32 s14, $0x29;
	v11 =	vld [tilespmem:s15+$0x1010];
	s0 =	sor.u32 s31, s0  }
0x2b1: {  	v10 =	vld [tilespmem:s15+$0x1020];
	s0 =	simm.s32 @p0 $0x0  }
0x2b2: {  	v8 =	vld [tilespmem:s15+$0x1030];
	v5 =	vmov s0  }
0x2b3: {  	v7 =	vld [tilespmem:s15+$0x1040];
	vm0 =	vlt.s32 v6, v5  }
0x2b4: {  	v6 =	vld [tilespmem:s15+$0x1050];
	vm1 =	vlt.s32 v9, v5;
	v12 =	vsel vm0, $0x0, v4  }
0x2b5: {  	s16 =	simm.s32 $0x400;
	s14 =	simm.s32 $0x80;
	v9 =	vld [tilespmem:s15+$0x1060];
	vm0 =	vlt.s32 v11, v5;
	v11 =	vsel vm1, $0x0, v4;
	[tilespmem:s15+$0x2070] =	vst v12  }
.LBB2_11:
0x2b6: {  	p0 =	sne.s32 s16, $0x3E00;
	v12 =	vld [tilespmem:s14+$0x1070];
	[tilespmem:s15+$0x2000] =	vst v11;
	v11 =	vsel vm0, $0x0, v4;
	vm0 =	vlt.s32 v10, v5  }
0x2b7: {  	v13 =	vld [tilespmem:s14+$0x1000];
	[tilespmem:s15+$0x2010] =	vst v11;
	v10 =	vsel vm0, $0x0, v4;
	vm0 =	vlt.s32 v8, v5  }
0x2b8: {  	v14 =	vld [tilespmem:s14+$0x1010];
	[tilespmem:s15+$0x2020] =	vst v10;
	v8 =	vsel vm0, $0x0, v4;
	vm0 =	vlt.s32 v7, v5  }
.Ltmp4:
0x2b9: {  	v10 =	vld [tilespmem:s14+$0x1020];
	[tilespmem:s15+$0x2030] =	vst v8;
	v7 =	vsel vm0, $0x0, v4;
	vm0 =	vlt.s32 v6, v5;
	(pc) =	sbr.rel @p0 .LBB2_11-.Ltmp4, $4  }
0x2ba: {  	v8 =	vld [tilespmem:s14+$0x1030];
	[tilespmem:s15+$0x2040] =	vst v7;
	v6 =	vsel vm0, $0x0, v4;
	vm0 =	vlt.s32 v9, v5  }
0x2bb: {  	v7 =	vld [tilespmem:s14+$0x1040];
	vm1 =	vlt.s32 v12, v5;
	[tilespmem:s15+$0x2050] =	vst v6;
	v9 =	vsel vm0, $0x0, v4  }
0x2bc: {  	vm0 =	vlt.s32 v13, v5;
	v6 =	vld [tilespmem:s14+$0x1050];
	v12 =	vsel vm1, $0x0, v4;
	[tilespmem:s15+$0x2060] =	vst v9;
	s15 =	smov.u32 s14  }
0x2bd: {  	s14 =	sshra.s32 s16, $0x2;
	s16 =	sadd.s32 $0x200, s16;
	v11 =	vsel vm0, $0x0, v4;
	vm0 =	vlt.s32 v14, v5;
	v9 =	vld [tilespmem:s15+$0x1060];
	[tilespmem:s15+$0x2070] =	vst v12  }
0x2be: {  	v12 =	vld [tilespmem:s14+$0x1070];
	[tilespmem:s15+$0x2000] =	vst v11;
	v60 =	vsel vm0, $0x0, v4;
	vm4 =	vlt.s32 v10, v5  }
0x2bf: {  	v13 =	vld [tilespmem:s14+$0x1000];
	[tilespmem:s15+$0x2010] =	vst v60;
	v10 =	vsel vm4, $0x0, v4;
	vm5 =	vlt.s32 v8, v5  }
0x2c0: {  	v11 =	vld [tilespmem:s14+$0x1010];
	[tilespmem:s15+$0x2020] =	vst v10;
	v8 =	vsel vm5, $0x0, v4;
	vm6 =	vlt.s32 v7, v5  }
0x2c1: {  	v10 =	vld [tilespmem:s14+$0x1020];
	[tilespmem:s15+$0x2030] =	vst v8;
	v7 =	vsel vm6, $0x0, v4;
	vm7 =	vlt.s32 v6, v5  }
0x2c2: {  	v8 =	vld [tilespmem:s14+$0x1030];
	[tilespmem:s15+$0x2040] =	vst v7;
	v6 =	vsel vm7, $0x0, v4;
	vm8 =	vlt.s32 v9, v5  }
0x2c3: {  	v7 =	vld [tilespmem:s14+$0x1040];
	[tilespmem:s15+$0x2050] =	vst v6;
	v6 =	vsel vm8, $0x0, v4;
	vm9 =	vlt.s32 v12, v5  }
0x2c4: {  	v61 =	vld [tilespmem:s14+$0x1050];
	[tilespmem:s15+$0x2060] =	vst v6;
	vm1 =	vlt.s32 v13, v5;
	v6 =	vsel vm9, $0x0, v4  }
0x2c5: {  	v62 =	vld [tilespmem:s14+$0x1060];
	vm10 =	vlt.s32 v11, v5;
	v63 =	vsel vm1, $0x0, v4;
	[tilespmem:s14+$0x2070] =	vst v6  }
0x2c6: {  	[tilespmem:s14+$0x2000] =	vst v63;
	v6 =	vsel vm10, $0x0, v4;
	vm11 =	vlt.s32 v10, v5  }
0x2c7: {  	[tilespmem:s14+$0x2010] =	vst v6;
	v6 =	vsel vm11, $0x0, v4;
	vm12 =	vlt.s32 v8, v5  }
0x2c8: {  	[tilespmem:s14+$0x2020] =	vst v6;
	v6 =	vsel vm12, $0x0, v4;
	vm13 =	vlt.s32 v7, v5  }
0x2c9: {  	[tilespmem:s14+$0x2030] =	vst v6;
	v6 =	vsel vm13, $0x0, v4;
	vm14 =	vlt.s32 v61, v5  }
0x2ca: {  	s12 =	sadd.s32 $0x1, s12;
	[tilespmem:s14+$0x2040] =	vst v6;
	v6 =	vsel vm14, $0x0, v4;
	vm15 =	vlt.s32 v62, v5  }
0x2cb: {  	p0 =	sne.s32 s12, $0x80;
	[tilespmem:s14+$0x2050] =	vst v6;
	v5 =	vsel vm15, $0x0, v4  }
.Ltmp5:
0x2cc: {  	s0 =	sadd.s32 s4, s13;
	[tilespmem:s14+$0x2060] =	vst v5;
	(pc) =	sbr.rel @p0 .LBB2_2-.Ltmp5, $4  }
0x2cd: {  	[hbm4b:s0+s7] =	stream.strided.scatter [tilespmem:s11], [sflag:$0x1], $0x1000, s8, s7, $0x38;
	[tilespmem:$0x3100] =	vst v63  }
0x2ce: {  	_ =	swait.ge [sflag:s9], $0x1000  }
0x2cf: {  	[sflag:s9] =	ssyncset.done $0x0  }
0x2d0: {  	[sflag:s9] =	ssyncadd.s32 $0xFFFFF000  }
0x2d1: {  	s1 =	sadd.s32 $0x1, s1;
	s0 =	rddreg [dreg:$0x2]  }
0x2d2: {  	p0 =	sne.s32 s1, s0  }
.Ltmp6:
0x2d3: {  	_ = 	snop;
	(pc) =	sbr.rel @p0 .LBB2_1-.Ltmp6, $1  }
0x2d4: {  	_ =	sdelay $0x3  }
0x2d5: {  	_ =	sfence.sel $0x180000  }
0x2d6: {  	[bflag:$0x0] =	sbarrier.arrive $0xFFFF  }
0x2d7: {  	_ =	strace $0x90000047  }
0x2d8: {  	s0 =	stileid.u32;
	[bflag:$0x2] =	sbarrier.arrive $0xFFFF  }
0x2d9: {  	p0 =	sne.s32 s0, $0x0;
	s0 =	rddreg [dreg:$0x1]  }
0x2da: {  	s0 =	sadd.s32 @!p0 $0x100000, s0  }
0x2db: {  	[sflag:s0] =	ssyncadd.tile.s32 @!p0 $0x1;
	_ =	shalt  }
.Lfunc_end2:
_tile_overlayer_lowered:
.L_overlay_start_2:
0x2dc: {  	(tag) =	ssettag $0x2  }
0x2dd: {  	s0 =	rddreg [dreg:$0x0];
	s2 =	stileid.u32  }
0x2de: {  	s1 =	rddreg [dreg:$0x1];
	p0 =	sne.s32 s2, $0x0  }
0x2df: {  	s3 =	rddreg [dreg:$0x2];
	[bflag:$0x3] =	sbarrier.arrive $0xFFFF;
	s2 =	simm.s32 @!p0 $0x1C01  }
0x2e0: {  	[timem:s3], [sflag:s2] =	dma.local @!p0 [hbm:s0], s1  }
0x2e1: {  	s0 =	simm.s32 @!p0 $0x1  }
0x2e2: {  	_ =	swait.ge @!p0 [sflag:s0], s1  }
0x2e3: {  	s1 =	ssub.s32 @!p0 $0x0, s1;
	[sflag:s0] =	ssyncset.done @!p0 $0x0  }
0x2e4: {  	[sflag:s0] =	ssyncadd.s32 @!p0 s1  }
0x2e5: {  	[bflag:$0x3] =	sbarrier.arrive $0xFFFF  }
0x2e6: {  	_ =	shalt  }

</sc_bundles>
